<compile_context>
chip_gen: v7x
topology: tpu7x:2x2x1
jax: 0.10.2.dev20260603
libtpu: 0.0.44.dev20260713+nightly
codegen_flags: <defaults>
</compile_context>

<pallas_src>
import functools

import jax
import jax.numpy as jnp
from jax import lax
from jax.experimental import pallas as pl
from jax.experimental.pallas import tpu as pltpu
from jax.experimental.pallas import tpu_sc as plsc

B, N, C, K = 4, 2048, 128, 16
BN = B * N
BNK = BN * K
EPS = 1e-5

NC, NS = 2, 16
NW = NC * NS

_INTERPRET = False

TKN = 1024
TB = 8192
TS = TB // K
CHUNK = 256



def _knn_body(pr_ref, pt_ref, j_ref):
    bb = pl.program_id(0)
    pr = pr_ref[...]
    pt = pt_ref[0]
    sqr = jnp.sum(pr * pr, axis=1, keepdims=True)
    sqc = jnp.sum(pt * pt, axis=0, keepdims=True)
    cross = lax.dot_general(pr, pt, (((1,), (0,)), ((), ())),
                            preferred_element_type=jnp.float32)
    d0 = (sqr + sqc) - 2.0 * cross
    colidx = lax.broadcasted_iota(jnp.int32, (TKN, N), 1)
    kidx = lax.broadcasted_iota(jnp.int32, (TKN, K), 1)

    def step(j, carry):
        d, jacc = carry
        m = jnp.min(d, axis=1, keepdims=True)
        cand = jnp.where(d == m, colidx, N)
        sel = jnp.min(cand, axis=1, keepdims=True)
        jacc = jnp.where(kidx == j, sel, jacc)
        d = jnp.where(colidx == sel, jnp.float32(3.0e38), d)
        return d, jacc

    _, jacc = lax.fori_loop(0, K, step,
                            (d0, jnp.zeros((TKN, K), jnp.int32)))
    j_ref[...] = bb * N + jacc


def _knn(p16, pt):
    return pl.pallas_call(
        _knn_body,
        grid=(B, N // TKN),
        in_specs=[
            pl.BlockSpec((TKN, 16), lambda bb, i: (bb * (N // TKN) + i, 0)),
            pl.BlockSpec((1, 16, N), lambda bb, i: (bb, 0, 0)),
        ],
        out_specs=pl.BlockSpec((TKN, K), lambda bb, i: (bb * (N // TKN) + i, 0)),
        out_shape=jax.ShapeDtypeStruct((BN, K), jnp.int32),
        interpret=_INTERPRET,
    )(p16, pt)



def _acc_stats(i, y, sm_ref, sq_ref):
    rows = y.shape[0]
    ps = jnp.sum(y.reshape(rows // 8, 8, C), axis=0)
    pq = jnp.sum((y * y).reshape(rows // 8, 8, C), axis=0)

    @pl.when(i == 0)
    def _():
        sm_ref[...] = ps
        sq_ref[...] = pq

    @pl.when(i > 0)
    def _():
        sm_ref[...] += ps
        sq_ref[...] += pq


def _stage_body_plain(x_ref, w_ref, b_ref, o_ref, sm_ref, sq_ref, *, prec=None):
    i = pl.program_id(0)
    y = jnp.dot(x_ref[...], w_ref[...], precision=prec,
                preferred_element_type=jnp.float32) + b_ref[...]
    o_ref[...] = y
    _acc_stats(i, y, sm_ref, sq_ref)


def _stage_body_affine(x_ref, w_ref, b_ref, s_ref, t_ref, o_ref, sm_ref, sq_ref):
    i = pl.program_id(0)
    x = x_ref[...] * s_ref[...] + t_ref[...]
    y = jnp.dot(x, w_ref[...],
                preferred_element_type=jnp.float32) + b_ref[...]
    o_ref[...] = y
    _acc_stats(i, y, sm_ref, sq_ref)


def _conv_stage(x, wt, bias, s=None, t=None, tile=1024, prec=None):
    rows, in_w = x.shape
    grid = (rows // tile,)
    specs = [
        pl.BlockSpec((tile, in_w), lambda i: (i, 0)),
        pl.BlockSpec((in_w, C), lambda i: (0, 0)),
        pl.BlockSpec((1, C), lambda i: (0, 0)),
    ]
    args = [x, wt, bias]
    body = functools.partial(_stage_body_plain, prec=prec)
    if s is not None:
        specs += [pl.BlockSpec((1, C), lambda i: (0, 0)),
                  pl.BlockSpec((1, C), lambda i: (0, 0))]
        args += [s, t]
        body = _stage_body_affine
    return pl.pallas_call(
        body,
        grid=grid,
        in_specs=specs,
        out_specs=[pl.BlockSpec((tile, C), lambda i: (i, 0)),
                   pl.BlockSpec((8, C), lambda i: (0, 0)),
                   pl.BlockSpec((8, C), lambda i: (0, 0))],
        out_shape=[jax.ShapeDtypeStruct((rows, C), jnp.float32),
                   jax.ShapeDtypeStruct((8, C), jnp.float32),
                   jax.ShapeDtypeStruct((8, C), jnp.float32)],
        interpret=_INTERPRET,
    )(*args)


def _s2_body(x_ref, s_ref, t_ref, wphi_ref, wpsi_ref, wal_ref,
             bphi_ref, bpsi_ref, bal_ref,
             ophi_ref, otbl_ref, mp_ref, qp_ref, ms_ref, qs_ref,
             ma_ref, qa_ref):
    i = pl.program_id(0)
    x = x_ref[...] * s_ref[...] + t_ref[...]
    yphi = jnp.dot(x, wphi_ref[...],
                   preferred_element_type=jnp.float32) + bphi_ref[...]
    ypsi = jnp.dot(x, wpsi_ref[...],
                   preferred_element_type=jnp.float32) + bpsi_ref[...]
    yal = jnp.dot(x, wal_ref[...],
                  preferred_element_type=jnp.float32) + bal_ref[...]
    ophi_ref[...] = yphi
    otbl_ref[...] = jnp.concatenate([ypsi, yal], axis=1)
    _acc_stats(i, yphi, mp_ref, qp_ref)
    _acc_stats(i, ypsi, ms_ref, qs_ref)
    _acc_stats(i, yal, ma_ref, qa_ref)


def _s2_call(u_top, s_top, t_top, wphi, wpsi, wal, bphi, bpsi, bal, tile=1024):
    wspec = lambda: pl.BlockSpec((C, C), lambda i: (0, 0))
    vspec = lambda: pl.BlockSpec((1, C), lambda i: (0, 0))
    sspec = lambda: pl.BlockSpec((8, C), lambda i: (0, 0))
    stat = lambda: jax.ShapeDtypeStruct((8, C), jnp.float32)
    return pl.pallas_call(
        _s2_body,
        grid=(BN // tile,),
        in_specs=[pl.BlockSpec((tile, C), lambda i: (i, 0)),
                  vspec(), vspec(), wspec(), wspec(), wspec(),
                  vspec(), vspec(), vspec()],
        out_specs=[pl.BlockSpec((tile, C), lambda i: (i, 0)),
                   pl.BlockSpec((tile, 2 * C), lambda i: (i, 0)),
                   sspec(), sspec(), sspec(), sspec(), sspec(), sspec()],
        out_shape=[jax.ShapeDtypeStruct((BN, C), jnp.float32),
                   jax.ShapeDtypeStruct((BN, 2 * C), jnp.float32),
                   stat(), stat(), stat(), stat(), stat(), stat()],
        interpret=_INTERPRET,
    )(u_top, s_top, t_top, wphi, wpsi, wal, bphi, bpsi, bal)


def _fin(sm, sq, g, be, cnt):
    mean = jnp.sum(sm, axis=0) / cnt
    var = jnp.sum(sq, axis=0) / cnt - mean * mean
    s = g * lax.rsqrt(var + EPS)
    t = be - mean * s
    return s.reshape(1, C).astype(jnp.float32), t.reshape(1, C).astype(jnp.float32)



def _sc_chunk(width):
    return 32768 // width


def _sc_gather_body(jf_hbm, tbl_hbm, out_hbm,
                    idx0, idx1, buf0, buf1, sem0, sem1, *, width):
    wid = lax.axis_index("s") * NC + lax.axis_index("c")
    chunk = _sc_chunk(width)
    nch = BNK // NW // chunk
    base = wid * (BNK // NW)
    idxs = (idx0, idx1)
    bufs = (buf0, buf1)
    sems = (sem0, sem1)

    for k in (0, 1):
        pltpu.sync_copy(jf_hbm.at[pl.ds(base + k * chunk, chunk)], idxs[k])
        pltpu.async_copy(tbl_hbm.at[idxs[k]], bufs[k], sems[k])

    def body(c2, _):
        for k in (0, 1):
            cc = c2 * 2 + k
            off = base + cc * chunk
            pltpu.make_async_copy(tbl_hbm.at[idxs[k]], bufs[k], sems[k]).wait()
            pltpu.sync_copy(bufs[k], out_hbm.at[pl.ds(off, chunk)])
            nxt = cc + 2

            @pl.when(nxt < nch)
            def _():
                pltpu.sync_copy(
                    jf_hbm.at[pl.ds(base + nxt * chunk, chunk)], idxs[k])
                pltpu.async_copy(tbl_hbm.at[idxs[k]], bufs[k], sems[k])
        return 0

    lax.fori_loop(0, nch // 2, body, 0)


@functools.cache
def _make_sc_gather(width):
    chunk = _sc_chunk(width)
    return functools.partial(
        pl.kernel,
        out_type=jax.ShapeDtypeStruct((BNK, width), jnp.float32),
        mesh=plsc.VectorSubcoreMesh(core_axis_name="c", subcore_axis_name="s"),
        scratch_types=[pltpu.VMEM((chunk,), jnp.int32),
                       pltpu.VMEM((chunk,), jnp.int32),
                       pltpu.VMEM((chunk, width), jnp.float32),
                       pltpu.VMEM((chunk, width), jnp.float32),
                       pltpu.SemaphoreType.DMA,
                       pltpu.SemaphoreType.DMA],
    )(functools.partial(_sc_gather_body, width=width))


def _sc_gather(jf, tbl):
    return _make_sc_gather(tbl.shape[1])(jf, tbl)



def _uh_tile(qj_ref, q_ref, b_ref):
    qj = qj_ref[...]
    qr = q_ref[...]
    return (qr[None] - qj + b_ref[...][None]).reshape(TB, C)


def _b1_body(qj_ref, q_ref, b_ref, sm_ref, sq_ref):
    i = pl.program_id(0)
    y = _uh_tile(qj_ref, q_ref, b_ref)
    _acc_stats(i, y, sm_ref, sq_ref)


def _b2_body(qj_ref, q_ref, b1_ref, s1_ref, t1_ref,
             w2_ref, b2_ref, o_ref, sm_ref, sq_ref):
    i = pl.program_id(0)
    uh = _uh_tile(qj_ref, q_ref, b1_ref)
    h = jnp.maximum(uh * s1_ref[...] + t1_ref[...], 0.0)
    y = jnp.dot(h, w2_ref[...], preferred_element_type=jnp.float32) + b2_ref[...]
    o_ref[...] = y.astype(o_ref.dtype).reshape(K, TS, C)
    _acc_stats(i, y, sm_ref, sq_ref)


def _b3_body(upos_ref, psig_ref, uphi_ref,
             sd2_ref, td2_ref, sphi_ref, tphi_ref, spsi_ref, tpsi_ref,
             w_ref, b_ref, o_ref, sm_ref, sq_ref):
    i = pl.program_id(0)
    pos = (upos_ref[...].astype(jnp.float32) * sd2_ref[...][None]
           + td2_ref[...][None])
    phih = uphi_ref[...] * sphi_ref[...] + tphi_ref[...]
    psih = psig_ref[...] * spsi_ref[...][None] + tpsi_ref[...][None]
    w = (phih[None] - psih + pos).reshape(TB, C)
    y = jnp.dot(w, w_ref[...], preferred_element_type=jnp.float32) + b_ref[...]
    o_ref[...] = y.astype(o_ref.dtype).reshape(K, TS, C)
    _acc_stats(i, y, sm_ref, sq_ref)


def _b4_body(ug1_ref, s_ref, t_ref, w_ref, b_ref, o_ref, sm_ref, sq_ref):
    i = pl.program_id(0)
    g = jnp.maximum(ug1_ref[...].astype(jnp.float32).reshape(TB, C)
                    * s_ref[...] + t_ref[...], 0.0)
    y = jnp.dot(g, w_ref[...], preferred_element_type=jnp.float32) + b_ref[...]
    o_ref[...] = y.astype(o_ref.dtype).reshape(K, TS, C)
    _acc_stats(i, y, sm_ref, sq_ref)


def _b5_body(ug2_ref, upos_ref, alg_ref,
             sg2_ref, tg2_ref, sd2_ref, td2_ref, sal_ref, tal_ref,
             w_ref, b_ref, o_ref, sm_ref, sq_ref):
    i = pl.program_id(0)
    gh = (ug2_ref[...].astype(jnp.float32) * sg2_ref[...][None]
          + tg2_ref[...][None])
    m = jnp.max(gh, axis=0, keepdims=True)
    e = jnp.exp(gh - m)
    den = jnp.sum(e, axis=0, keepdims=True)
    sm = e / den
    pos = (upos_ref[...].astype(jnp.float32) * sd2_ref[...][None]
           + td2_ref[...][None])
    alh = alg_ref[...] * sal_ref[...][None] + tal_ref[...][None]
    y = jnp.sum(sm * (alh + pos), axis=0)
    ud = jnp.dot(y, w_ref[...], preferred_element_type=jnp.float32) + b_ref[...]
    o_ref[...] = ud
    _acc_stats(i, ud, sm_ref, sq_ref)


def _b6_body(ud_ref, x0_ref, s_ref, t_ref, o_ref):
    o_ref[...] = ud_ref[...] * s_ref[...] + t_ref[...] + x0_ref[...]


def _big(body, args, specs, out_rows=None, n_stats=2, tile=TB,
         out_dtype=jnp.float32):
    outs = []
    ospecs = []
    if out_rows == BNK:
        outs.append(jax.ShapeDtypeStruct((K, BN, C), out_dtype))
        ospecs.append(pl.BlockSpec((K, TS, C), lambda i: (0, i, 0)))
    elif out_rows is not None:
        ot = out_rows // (BNK // tile)
        outs.append(jax.ShapeDtypeStruct((out_rows, C), out_dtype))
        ospecs.append(pl.BlockSpec((ot, C), lambda i: (i, 0)))
    for _ in range(n_stats):
        outs.append(jax.ShapeDtypeStruct((8, C), jnp.float32))
        ospecs.append(pl.BlockSpec((8, C), lambda i: (0, 0)))
    return pl.pallas_call(
        body,
        grid=(BNK // tile,),
        in_specs=specs,
        out_specs=ospecs,
        out_shape=outs,
        interpret=_INTERPRET,
    )(*args)


_SPEC_BIG = lambda: pl.BlockSpec((K, TS, C), lambda i: (0, i, 0))
_SPEC_BIG16 = lambda: pl.BlockSpec((TB, 16), lambda i: (i, 0))
_SPEC_SMALL = lambda: pl.BlockSpec((TS, C), lambda i: (i, 0))
_SPEC_SMALL16 = lambda: pl.BlockSpec((TS, 16), lambda i: (i, 0))
_SPEC_W16 = lambda: pl.BlockSpec((16, C), lambda i: (0, 0))
_SPEC_W = lambda: pl.BlockSpec((C, C), lambda i: (0, 0))
_SPEC_V = lambda: pl.BlockSpec((1, C), lambda i: (0, 0))



def kernel(input_p, input_x, a, b, params):
    P = params
    x0 = input_x.transpose(0, 2, 1).reshape(BN, C)
    p3 = input_p.transpose(0, 2, 1).reshape(BN, 3)
    p16 = jnp.pad(p3, ((0, 0), (0, 13)))

    wt_top = P['top_W'].T
    wt_phi = P['phi_W'].T
    wt_psi = P['psi_W'].T
    wt_al = P['al_W'].T
    wt_g1 = P['g1_W'].T
    wt_g2 = P['g2_W'].T
    wt_down = P['down_W'].T
    wt_d1 = jnp.pad(P['d1_W'], ((0, 0), (0, 13))).T
    wt_d2 = P['d2_W'].T
    bias = {k: P[k + '_b'].reshape(1, C) for k in
            ('top', 'phi', 'psi', 'al', 'g1', 'g2', 'down', 'd1', 'd2')}

    pt = jnp.pad(input_p, ((0, 0), (0, 13), (0, 0)))
    jidx = _knn(p16, pt)
    jf = jidx.T.reshape(BNK)

    qpos, _, _ = _conv_stage(p16, wt_d1, jnp.zeros((1, C), jnp.float32),
                             prec=lax.Precision.HIGHEST)

    qj = _sc_gather(jf, qpos).reshape(K, BN, C)

    u_top, m1, q1 = _conv_stage(x0, wt_top, bias['top'])
    s_top, t_top = _fin(m1, q1, P['top_g'], P['top_be'], BN)
    u_phi, tbl, mp, qp, ms, qs, ma, qa = _s2_call(
        u_top, s_top, t_top, wt_phi, wt_psi, wt_al,
        bias['phi'], bias['psi'], bias['al'])
    s_phi, t_phi = _fin(mp, qp, P['phi_g'], P['phi_be'], BN)
    s_psi, t_psi = _fin(ms, qs, P['psi_g'], P['psi_be'], BN)
    s_al, t_al = _fin(ma, qa, P['al_g'], P['al_be'], BN)

    gath = _sc_gather(jf, tbl).reshape(K, BN, 2 * C)
    _QJ = lambda: pl.BlockSpec((K, TS, C), lambda i: (0, i, 0))
    _PSIG = lambda: pl.BlockSpec((K, TS, C), lambda i: (0, i, 0))
    _ALG = lambda: pl.BlockSpec((K, TS, C), lambda i: (0, i, 1))

    md1, qd1 = _big(_b1_body,
                    [qj, qpos, bias['d1']],
                    [_QJ(), _SPEC_SMALL(), _SPEC_V()],
                    out_rows=None)
    s_d1, t_d1 = _fin(md1, qd1, P['d1_g'], P['d1_be'], BNK)

    upos, md2, qd2 = _big(_b2_body,
                          [qj, qpos, bias['d1'], s_d1, t_d1,
                           wt_d2, bias['d2']],
                          [_QJ(), _SPEC_SMALL(), _SPEC_V(),
                           _SPEC_V(), _SPEC_V(), _SPEC_W(),
                           _SPEC_V()],
                          out_rows=BNK, out_dtype=jnp.bfloat16)
    s_d2, t_d2 = _fin(md2, qd2, P['d2_g'], P['d2_be'], BNK)

    ug1, mg1, qg1 = _big(_b3_body,
                         [upos, gath, u_phi,
                          s_d2, t_d2, s_phi, t_phi, s_psi, t_psi,
                          wt_g1, bias['g1']],
                         [_SPEC_BIG(), _PSIG(), _SPEC_SMALL(),
                          _SPEC_V(), _SPEC_V(), _SPEC_V(), _SPEC_V(),
                          _SPEC_V(), _SPEC_V(), _SPEC_W(), _SPEC_V()],
                         out_rows=BNK, out_dtype=jnp.bfloat16)
    s_g1, t_g1 = _fin(mg1, qg1, P['g1_g'], P['g1_be'], BNK)

    ug2, mg2, qg2 = _big(_b4_body,
                         [ug1, s_g1, t_g1, wt_g2, bias['g2']],
                         [_SPEC_BIG(), _SPEC_V(), _SPEC_V(), _SPEC_W(),
                          _SPEC_V()],
                         out_rows=BNK, out_dtype=jnp.bfloat16)
    s_g2, t_g2 = _fin(mg2, qg2, P['g2_g'], P['g2_be'], BNK)

    udown, mdn, qdn = _big(_b5_body,
                           [ug2, upos, gath,
                            s_g2, t_g2, s_d2, t_d2, s_al, t_al,
                            wt_down, bias['down']],
                           [_SPEC_BIG(), _SPEC_BIG(), _ALG(),
                            _SPEC_V(), _SPEC_V(), _SPEC_V(), _SPEC_V(),
                            _SPEC_V(), _SPEC_V(), _SPEC_W(), _SPEC_V()],
                           out_rows=BN)
    s_dn, t_dn = _fin(mdn, qdn, P['down_g'], P['down_be'], BN)

    out = pl.pallas_call(
        _b6_body,
        grid=(BN // 1024,),
        in_specs=[pl.BlockSpec((1024, C), lambda i: (i, 0)),
                  pl.BlockSpec((1024, C), lambda i: (i, 0)),
                  _SPEC_V(), _SPEC_V()],
        out_specs=pl.BlockSpec((1024, C), lambda i: (i, 0)),
        out_shape=jax.ShapeDtypeStruct((BN, C), jnp.float32),
        interpret=_INTERPRET,
    )(udown, x0, s_dn, t_dn)

    return out.reshape(B, N, C).transpose(0, 2, 1)

# --- scband reference (transcript-rebuilt; emitter-appended) ---
"""Pipeline reference for scband-ptblock-20856361190102 (READ-ONLY COPY).

The authoritative reference and input builder live on the scoring server;
editing this copy changes nothing except your own understanding.
"""

import jax, jax.numpy as jnp
import numpy as np

IN_DIM = 128
N_SAMPLE = 16
EPS = 1e-5

def _bn1(y, g, be):
    m = jnp.mean(y, axis=(0, 2), keepdims=True)
    v = jnp.var(y, axis=(0, 2), keepdims=True)
    return (y - m) / jnp.sqrt(v + EPS) * g[None, :, None] + be[None, :, None]

def _bn2(y, g, be):
    m = jnp.mean(y, axis=(0, 2, 3), keepdims=True)
    v = jnp.var(y, axis=(0, 2, 3), keepdims=True)
    return (y - m) / jnp.sqrt(v + EPS) * g[None, :, None, None] + be[None, :, None, None]

def _conv1(x, W, b):
    return jnp.einsum('oi,bin->bon', W, x) + b[None, :, None]

def _conv2(x, W, b):
    return jnp.einsum('oi,bink->bonk', W, x) + b[None, :, None, None]

def _group(feat, idx):
    # feat: [B, C, N], idx: [B, N, k] -> [B, C, N, k]
    return jax.vmap(lambda f, i: f[:, i])(feat, idx)

def _knn_idx(p, k):
    # p: [B, N, 3] -> idx of k nearest neighbors (incl. self): [B, N, k]
    sq = jnp.sum(p * p, axis=-1)
    d = sq[:, :, None] + sq[:, None, :] - 2.0 * jnp.einsum('bnc,bmc->bnm', p, p)
    _, idx = jax.lax.top_k(-d, k)
    return idx

def _forward(input_p, input_x, a, b, params):
    P = params
    B, C, N = input_x.shape
    k = min(N_SAMPLE, N)
    res = input_x
    p = jnp.transpose(input_p, (0, 2, 1))  # [B, N, 3]
    idx = _knn_idx(p, k)
    grouped_p = _group(input_p, idx)  # [B, 3, N, k]
    x = _bn1(_conv1(input_x, P['top_W'], P['top_b']), P['top_g'], P['top_be'])
    phi = _bn1(_conv1(x, P['phi_W'], P['phi_b']), P['phi_g'], P['phi_be'])
    phi = jnp.repeat(phi[:, :, :, None], k, axis=3)
    psi = _group(_bn1(_conv1(x, P['psi_W'], P['psi_b']), P['psi_g'], P['psi_be']), idx)
    alpha = _group(_bn1(_conv1(x, P['al_W'], P['al_b']), P['al_g'], P['al_be']), idx)
    rel = input_p[:, :, :, None] - grouped_p  # [B, 3, N, k]
    h = _bn2(_conv2(rel, P['d1_W'], P['d1_b']), P['d1_g'], P['d1_be'])
    h = jax.nn.relu(h)
    pos = _bn2(_conv2(h, P['d2_W'], P['d2_b']), P['d2_g'], P['d2_be'])
    g = _bn2(_conv2(phi - psi + pos, P['g1_W'], P['g1_b']), P['g1_g'], P['g1_be'])
    g = jax.nn.relu(g)
    g = _bn2(_conv2(g, P['g2_W'], P['g2_b']), P['g2_g'], P['g2_be'])
    y = jax.nn.softmax(g, axis=-1) * (alpha + pos)
    y = jnp.sum(y, axis=-1)
    y = _bn1(_conv1(y, P['down_W'], P['down_b']), P['down_g'], P['down_be'])
    return y + res

def setup_inputs(seed: int = 0):
    key = jax.random.key(seed)
    B, N, C = 4, 2048, IN_DIM
    input_p = jax.random.normal(jax.random.fold_in(key, 1), (B, 3, N), dtype=jnp.float32)
    input_x = jax.random.normal(jax.random.fold_in(key, 2), (B, C, N), dtype=jnp.float32)
    a = jnp.zeros((1,), dtype=jnp.float32)
    b = jnp.zeros((1,), dtype=jnp.float32)
    params = {}
    ctr = [100]
    def add(name, cin, cout):
        ctr[0] += 1
        params[name + '_W'] = jax.random.normal(jax.random.fold_in(key, ctr[0]), (cout, cin), dtype=jnp.float32) * 0.05
        params[name + '_b'] = jnp.zeros((cout,), dtype=jnp.float32)
        params[name + '_g'] = jnp.ones((cout,), dtype=jnp.float32)
        params[name + '_be'] = jnp.zeros((cout,), dtype=jnp.float32)
    add('top', C, C); add('down', C, C); add('phi', C, C); add('psi', C, C); add('al', C, C)
    add('g1', C, C); add('g2', C, C); add('d1', 3, C); add('d2', C, C)
    return {"input_p": input_p, "input_x": input_x, "a": a, "b": b, "params": params}

def reference(input_p, input_x, a, b, params):
    return _forward(input_p, input_x, a, b, params)

if __name__ == "__main__":
    import jax
    _d = setup_inputs()
    print(jax.jit(kernel)(*tuple(_d.values())))

</pallas_src>

<mosaic_0001>
#map = affine_map<(d0, d1) -> (0)>
#map1 = affine_map<(d0, d1) -> (0, 0)>
module attributes {stable_mosaic.version = 14 : i64} {
  func.func @_sc_gather_body(%arg0: i32, %arg1: i32, %arg2: memref<131072xi32, #tpu.memory_space<hbm>>, %arg3: memref<8192x128xf32, #tpu.memory_space<hbm>>, %arg4: memref<131072x128xf32, #tpu.memory_space<hbm>>, %arg5: memref<256xi32, #tpu.memory_space<vmem>>, %arg6: memref<256xi32, #tpu.memory_space<vmem>>, %arg7: memref<256x128xf32, #tpu.memory_space<vmem>>, %arg8: memref<256x128xf32, #tpu.memory_space<vmem>>, %arg9: memref<!tpu.dma_semaphore, #tpu.memory_space<semaphore_mem>>, %arg10: memref<!tpu.dma_semaphore, #tpu.memory_space<semaphore_mem>>) attributes {dimension_semantics = [#tpu.dimension_semantics<core_parallel>, #tpu.dimension_semantics<subcore_parallel>], iteration_bounds = array<i64: 2, 16>, scalar_prefetch = 0 : i64, scratch_operands = 6 : i64, tpu.core_type = #tpu.core_type<sc_vector_subcore>, window_params = [{transform_indices = #map}, {transform_indices = #map1}, {transform_indices = #map1}]} {
    %mul3A = arith.constant 2 : i32
    %mul3A_0 = arith.muli %arg1, %mul3A : i32
    %add3A = arith.addi %mul3A_0, %arg0 : i32
    %mul3A_1 = arith.constant 4096 : i32
    %mul3A_2 = arith.muli %add3A, %mul3A_1 : i32
    %add3A_3 = arith.constant 0 : i32
    %add3A_4 = arith.addi %mul3A_2, %add3A_3 : i32
    "tpu.region"() ({
      %run_scoped3A = tpu.sem_alloc : memref<!tpu.dma_semaphore, #tpu.memory_space<semaphore_mem>>
      %dma_start3A_18 = tpu.memref_slice %arg2[%add3A_4] : memref<131072xi32, #tpu.memory_space<hbm>> -> memref<256xi32, #tpu.memory_space<hbm>>
      %dma_start3A_19 = tpu.memref_slice %arg2[%add3A_4] : memref<131072xi32, #tpu.memory_space<hbm>> -> memref<256xi32, #tpu.memory_space<hbm>>
      tpu.enqueue_dma source(%dma_start3A_19 : memref<256xi32, #tpu.memory_space<hbm>>) target(%arg5 : memref<256xi32, #tpu.memory_space<vmem>>) target_semaphore(%run_scoped3A : memref<!tpu.dma_semaphore, #tpu.memory_space<semaphore_mem>>)
      %dma_wait3A = tpu.memref_slice %arg2[%add3A_4] : memref<131072xi32, #tpu.memory_space<hbm>> -> memref<256xi32, #tpu.memory_space<hbm>>
      %dma_wait3A_20 = tpu.memref_slice %arg2[%add3A_4] : memref<131072xi32, #tpu.memory_space<hbm>> -> memref<256xi32, #tpu.memory_space<hbm>>
      tpu.wait_dma2 semaphore(%run_scoped3A : memref<!tpu.dma_semaphore, #tpu.memory_space<semaphore_mem>>) src(%dma_wait3A_20 : memref<256xi32, #tpu.memory_space<hbm>>) dst(%arg5 : memref<256xi32, #tpu.memory_space<vmem>>)
      tpu.yield
    }) : () -> ()
    %dma_start3A = arith.constant 0 : i32
    %dma_start3A_5 = arith.constant 0 : i32
    %dma_start3A_6 = tpu.memref_slice %arg3[%dma_start3A, %dma_start3A_5] : memref<8192x128xf32, #tpu.memory_space<hbm>> -> memref<8192x128xf32, #tpu.memory_space<hbm>>
    tpu.enqueue_indirect_dma source(%dma_start3A_6 : memref<8192x128xf32, #tpu.memory_space<hbm>>) target(%arg7 : memref<256x128xf32, #tpu.memory_space<vmem>>) offsets(%arg5 : memref<256xi32, #tpu.memory_space<vmem>>) semaphore(%arg9 : memref<!tpu.dma_semaphore, #tpu.memory_space<semaphore_mem>>)
    %add3A_7 = arith.constant 256 : i32
    %add3A_8 = arith.addi %mul3A_2, %add3A_7 : i32
    "tpu.region"() ({
      %run_scoped3A = tpu.sem_alloc : memref<!tpu.dma_semaphore, #tpu.memory_space<semaphore_mem>>
      %dma_start3A_18 = tpu.memref_slice %arg2[%add3A_8] : memref<131072xi32, #tpu.memory_space<hbm>> -> memref<256xi32, #tpu.memory_space<hbm>>
      %dma_start3A_19 = tpu.memref_slice %arg2[%add3A_8] : memref<131072xi32, #tpu.memory_space<hbm>> -> memref<256xi32, #tpu.memory_space<hbm>>
      tpu.enqueue_dma source(%dma_start3A_19 : memref<256xi32, #tpu.memory_space<hbm>>) target(%arg6 : memref<256xi32, #tpu.memory_space<vmem>>) target_semaphore(%run_scoped3A : memref<!tpu.dma_semaphore, #tpu.memory_space<semaphore_mem>>)
      %dma_wait3A = tpu.memref_slice %arg2[%add3A_8] : memref<131072xi32, #tpu.memory_space<hbm>> -> memref<256xi32, #tpu.memory_space<hbm>>
      %dma_wait3A_20 = tpu.memref_slice %arg2[%add3A_8] : memref<131072xi32, #tpu.memory_space<hbm>> -> memref<256xi32, #tpu.memory_space<hbm>>
      tpu.wait_dma2 semaphore(%run_scoped3A : memref<!tpu.dma_semaphore, #tpu.memory_space<semaphore_mem>>) src(%dma_wait3A_20 : memref<256xi32, #tpu.memory_space<hbm>>) dst(%arg6 : memref<256xi32, #tpu.memory_space<vmem>>)
      tpu.yield
    }) : () -> ()
    %dma_start3A_9 = arith.constant 0 : i32
    %dma_start3A_10 = arith.constant 0 : i32
    %dma_start3A_11 = tpu.memref_slice %arg3[%dma_start3A_9, %dma_start3A_10] : memref<8192x128xf32, #tpu.memory_space<hbm>> -> memref<8192x128xf32, #tpu.memory_space<hbm>>
    tpu.enqueue_indirect_dma source(%dma_start3A_11 : memref<8192x128xf32, #tpu.memory_space<hbm>>) target(%arg8 : memref<256x128xf32, #tpu.memory_space<vmem>>) offsets(%arg6 : memref<256xi32, #tpu.memory_space<vmem>>) semaphore(%arg10 : memref<!tpu.dma_semaphore, #tpu.memory_space<semaphore_mem>>)
    %scan3A = arith.constant 0 : i32
    %scan3A_12 = arith.constant 0 : i32
    %scan3A_13 = arith.constant 8 : i32
    %scan3A_14 = arith.addi %scan3A_12, %scan3A_13 : i32
    %scan3A_15 = arith.constant 1 : i32
    %scan3A_16 = scf.for %scan3A_18 = %scan3A_12 to %scan3A_14 step %scan3A_15 iter_args(%scan3A_19 = %scan3A) -> (i32)  : i32 {
      %mul3A_20 = arith.constant 2 : i32
      %mul3A_21 = arith.muli %scan3A_18, %mul3A_20 : i32
      %add3A_22 = arith.constant 0 : i32
      %add3A_23 = arith.addi %mul3A_21, %add3A_22 : i32
      %mul3A_24 = arith.constant 256 : i32
      %mul3A_25 = arith.muli %add3A_23, %mul3A_24 : i32
      %add3A_26 = arith.addi %mul3A_2, %mul3A_25 : i32
      %dma_wait3A = arith.constant 0 : i32
      %dma_wait3A_27 = arith.constant 0 : i32
      %dma_wait3A_28 = tpu.memref_slice %arg3[%dma_wait3A, %dma_wait3A_27] : memref<8192x128xf32, #tpu.memory_space<hbm>> -> memref<8192x128xf32, #tpu.memory_space<hbm>>
      tpu.wait_indirect_dma semaphore(%arg9 : memref<!tpu.dma_semaphore, #tpu.memory_space<semaphore_mem>>) src(%dma_wait3A_28 : memref<8192x128xf32, #tpu.memory_space<hbm>>) dst(%arg7 : memref<256x128xf32, #tpu.memory_space<vmem>>)
      "tpu.region"() ({
        %run_scoped3A = tpu.sem_alloc : memref<!tpu.dma_semaphore, #tpu.memory_space<semaphore_mem>>
        %dma_start3A_51 = arith.constant 0 : i32
        %dma_start3A_52 = tpu.memref_slice %arg4[%add3A_26, %dma_start3A_51] : memref<131072x128xf32, #tpu.memory_space<hbm>> -> memref<256x128xf32, #tpu.memory_space<hbm>>
        %dma_start3A_53 = arith.constant 0 : i32
        %dma_start3A_54 = tpu.memref_slice %arg4[%add3A_26, %dma_start3A_53] : memref<131072x128xf32, #tpu.memory_space<hbm>> -> memref<256x128xf32, #tpu.memory_space<hbm>>
        tpu.enqueue_dma source(%arg7 : memref<256x128xf32, #tpu.memory_space<vmem>>) target(%dma_start3A_54 : memref<256x128xf32, #tpu.memory_space<hbm>>) target_semaphore(%run_scoped3A : memref<!tpu.dma_semaphore, #tpu.memory_space<semaphore_mem>>)
        %dma_wait3A_55 = arith.constant 0 : i32
        %dma_wait3A_56 = tpu.memref_slice %arg4[%add3A_26, %dma_wait3A_55] : memref<131072x128xf32, #tpu.memory_space<hbm>> -> memref<256x128xf32, #tpu.memory_space<hbm>>
        %dma_wait3A_57 = arith.constant 0 : i32
        %dma_wait3A_58 = tpu.memref_slice %arg4[%add3A_26, %dma_wait3A_57] : memref<131072x128xf32, #tpu.memory_space<hbm>> -> memref<256x128xf32, #tpu.memory_space<hbm>>
        tpu.wait_dma2 semaphore(%run_scoped3A : memref<!tpu.dma_semaphore, #tpu.memory_space<semaphore_mem>>) src(%arg7 : memref<256x128xf32, #tpu.memory_space<vmem>>) dst(%dma_wait3A_58 : memref<256x128xf32, #tpu.memory_space<hbm>>)
        tpu.yield
      }) : () -> ()
      %add3A_29 = arith.constant 2 : i32
      %add3A_30 = arith.addi %add3A_23, %add3A_29 : i32
      %lt3A = arith.constant 16 : i32
      %lt3A_31 = arith.cmpi slt, %add3A_30, %lt3A : i32
      %convert_element_type3A = arith.extui %lt3A_31 : i1 to i32
      %cond3A = arith.constant 0 : i32
      %cond3A_32 = arith.cmpi ne, %convert_element_type3A, %cond3A : i32
      scf.if %cond3A_32 {
        %mul3A_51 = arith.constant 256 : i32
        %mul3A_52 = arith.muli %add3A_30, %mul3A_51 : i32
        %add3A_53 = arith.addi %mul3A_2, %mul3A_52 : i32
        "tpu.region"() ({
          %run_scoped3A = tpu.sem_alloc : memref<!tpu.dma_semaphore, #tpu.memory_space<semaphore_mem>>
          %dma_start3A_57 = tpu.memref_slice %arg2[%add3A_53] : memref<131072xi32, #tpu.memory_space<hbm>> -> memref<256xi32, #tpu.memory_space<hbm>>
          %dma_start3A_58 = tpu.memref_slice %arg2[%add3A_53] : memref<131072xi32, #tpu.memory_space<hbm>> -> memref<256xi32, #tpu.memory_space<hbm>>
          tpu.enqueue_dma source(%dma_start3A_58 : memref<256xi32, #tpu.memory_space<hbm>>) target(%arg5 : memref<256xi32, #tpu.memory_space<vmem>>) target_semaphore(%run_scoped3A : memref<!tpu.dma_semaphore, #tpu.memory_space<semaphore_mem>>)
          %dma_wait3A_59 = tpu.memref_slice %arg2[%add3A_53] : memref<131072xi32, #tpu.memory_space<hbm>> -> memref<256xi32, #tpu.memory_space<hbm>>
          %dma_wait3A_60 = tpu.memref_slice %arg2[%add3A_53] : memref<131072xi32, #tpu.memory_space<hbm>> -> memref<256xi32, #tpu.memory_space<hbm>>
          tpu.wait_dma2 semaphore(%run_scoped3A : memref<!tpu.dma_semaphore, #tpu.memory_space<semaphore_mem>>) src(%dma_wait3A_60 : memref<256xi32, #tpu.memory_space<hbm>>) dst(%arg5 : memref<256xi32, #tpu.memory_space<vmem>>)
          tpu.yield
        }) : () -> ()
        %dma_start3A_54 = arith.constant 0 : i32
        %dma_start3A_55 = arith.constant 0 : i32
        %dma_start3A_56 = tpu.memref_slice %arg3[%dma_start3A_54, %dma_start3A_55] : memref<8192x128xf32, #tpu.memory_space<hbm>> -> memref<8192x128xf32, #tpu.memory_space<hbm>>
        tpu.enqueue_indirect_dma source(%dma_start3A_56 : memref<8192x128xf32, #tpu.memory_space<hbm>>) target(%arg7 : memref<256x128xf32, #tpu.memory_space<vmem>>) offsets(%arg5 : memref<256xi32, #tpu.memory_space<vmem>>) semaphore(%arg9 : memref<!tpu.dma_semaphore, #tpu.memory_space<semaphore_mem>>)
      } else {
      }
      %mul3A_33 = arith.constant 2 : i32
      %mul3A_34 = arith.muli %scan3A_18, %mul3A_33 : i32
      %add3A_35 = arith.constant 1 : i32
      %add3A_36 = arith.addi %mul3A_34, %add3A_35 : i32
      %mul3A_37 = arith.constant 256 : i32
      %mul3A_38 = arith.muli %add3A_36, %mul3A_37 : i32
      %add3A_39 = arith.addi %mul3A_2, %mul3A_38 : i32
      %dma_wait3A_40 = arith.constant 0 : i32
      %dma_wait3A_41 = arith.constant 0 : i32
      %dma_wait3A_42 = tpu.memref_slice %arg3[%dma_wait3A_40, %dma_wait3A_41] : memref<8192x128xf32, #tpu.memory_space<hbm>> -> memref<8192x128xf32, #tpu.memory_space<hbm>>
      tpu.wait_indirect_dma semaphore(%arg10 : memref<!tpu.dma_semaphore, #tpu.memory_space<semaphore_mem>>) src(%dma_wait3A_42 : memref<8192x128xf32, #tpu.memory_space<hbm>>) dst(%arg8 : memref<256x128xf32, #tpu.memory_space<vmem>>)
      "tpu.region"() ({
        %run_scoped3A = tpu.sem_alloc : memref<!tpu.dma_semaphore, #tpu.memory_space<semaphore_mem>>
        %dma_start3A_51 = arith.constant 0 : i32
        %dma_start3A_52 = tpu.memref_slice %arg4[%add3A_39, %dma_start3A_51] : memref<131072x128xf32, #tpu.memory_space<hbm>> -> memref<256x128xf32, #tpu.memory_space<hbm>>
        %dma_start3A_53 = arith.constant 0 : i32
        %dma_start3A_54 = tpu.memref_slice %arg4[%add3A_39, %dma_start3A_53] : memref<131072x128xf32, #tpu.memory_space<hbm>> -> memref<256x128xf32, #tpu.memory_space<hbm>>
        tpu.enqueue_dma source(%arg8 : memref<256x128xf32, #tpu.memory_space<vmem>>) target(%dma_start3A_54 : memref<256x128xf32, #tpu.memory_space<hbm>>) target_semaphore(%run_scoped3A : memref<!tpu.dma_semaphore, #tpu.memory_space<semaphore_mem>>)
        %dma_wait3A_55 = arith.constant 0 : i32
        %dma_wait3A_56 = tpu.memref_slice %arg4[%add3A_39, %dma_wait3A_55] : memref<131072x128xf32, #tpu.memory_space<hbm>> -> memref<256x128xf32, #tpu.memory_space<hbm>>
        %dma_wait3A_57 = arith.constant 0 : i32
        %dma_wait3A_58 = tpu.memref_slice %arg4[%add3A_39, %dma_wait3A_57] : memref<131072x128xf32, #tpu.memory_space<hbm>> -> memref<256x128xf32, #tpu.memory_space<hbm>>
        tpu.wait_dma2 semaphore(%run_scoped3A : memref<!tpu.dma_semaphore, #tpu.memory_space<semaphore_mem>>) src(%arg8 : memref<256x128xf32, #tpu.memory_space<vmem>>) dst(%dma_wait3A_58 : memref<256x128xf32, #tpu.memory_space<hbm>>)
        tpu.yield
      }) : () -> ()
      %add3A_43 = arith.constant 2 : i32
      %add3A_44 = arith.addi %add3A_36, %add3A_43 : i32
      %lt3A_45 = arith.constant 16 : i32
      %lt3A_46 = arith.cmpi slt, %add3A_44, %lt3A_45 : i32
      %convert_element_type3A_47 = arith.extui %lt3A_46 : i1 to i32
      %cond3A_48 = arith.constant 0 : i32
      %cond3A_49 = arith.cmpi ne, %convert_element_type3A_47, %cond3A_48 : i32
      scf.if %cond3A_49 {
        %mul3A_51 = arith.constant 256 : i32
        %mul3A_52 = arith.muli %add3A_44, %mul3A_51 : i32
        %add3A_53 = arith.addi %mul3A_2, %mul3A_52 : i32
        "tpu.region"() ({
          %run_scoped3A = tpu.sem_alloc : memref<!tpu.dma_semaphore, #tpu.memory_space<semaphore_mem>>
          %dma_start3A_57 = tpu.memref_slice %arg2[%add3A_53] : memref<131072xi32, #tpu.memory_space<hbm>> -> memref<256xi32, #tpu.memory_space<hbm>>
          %dma_start3A_58 = tpu.memref_slice %arg2[%add3A_53] : memref<131072xi32, #tpu.memory_space<hbm>> -> memref<256xi32, #tpu.memory_space<hbm>>
          tpu.enqueue_dma source(%dma_start3A_58 : memref<256xi32, #tpu.memory_space<hbm>>) target(%arg6 : memref<256xi32, #tpu.memory_space<vmem>>) target_semaphore(%run_scoped3A : memref<!tpu.dma_semaphore, #tpu.memory_space<semaphore_mem>>)
          %dma_wait3A_59 = tpu.memref_slice %arg2[%add3A_53] : memref<131072xi32, #tpu.memory_space<hbm>> -> memref<256xi32, #tpu.memory_space<hbm>>
          %dma_wait3A_60 = tpu.memref_slice %arg2[%add3A_53] : memref<131072xi32, #tpu.memory_space<hbm>> -> memref<256xi32, #tpu.memory_space<hbm>>
          tpu.wait_dma2 semaphore(%run_scoped3A : memref<!tpu.dma_semaphore, #tpu.memory_space<semaphore_mem>>) src(%dma_wait3A_60 : memref<256xi32, #tpu.memory_space<hbm>>) dst(%arg6 : memref<256xi32, #tpu.memory_space<vmem>>)
          tpu.yield
        }) : () -> ()
        %dma_start3A_54 = arith.constant 0 : i32
        %dma_start3A_55 = arith.constant 0 : i32
        %dma_start3A_56 = tpu.memref_slice %arg3[%dma_start3A_54, %dma_start3A_55] : memref<8192x128xf32, #tpu.memory_space<hbm>> -> memref<8192x128xf32, #tpu.memory_space<hbm>>
        tpu.enqueue_indirect_dma source(%dma_start3A_56 : memref<8192x128xf32, #tpu.memory_space<hbm>>) target(%arg8 : memref<256x128xf32, #tpu.memory_space<vmem>>) offsets(%arg6 : memref<256xi32, #tpu.memory_space<vmem>>) semaphore(%arg10 : memref<!tpu.dma_semaphore, #tpu.memory_space<semaphore_mem>>)
      } else {
      }
      %scan3A_50 = arith.constant 0 : i32
      scf.yield %scan3A_50 : i32
    }
    %scan3A_17 = arith.constant 8 : i32
    return
  }
}

#map = affine_map<(d0, d1) -> (0)>
#map1 = affine_map<(d0, d1) -> (0, 0)>
module attributes {stable_mosaic.version = 14 : i64} {
  func.func @_sc_gather_body(%arg0: i32, %arg1: i32, %arg2: memref<131072xi32, #tpu.memory_space<hbm>>, %arg3: memref<8192x256xf32, #tpu.memory_space<hbm>>, %arg4: memref<131072x256xf32, #tpu.memory_space<hbm>>, %arg5: memref<128xi32, #tpu.memory_space<vmem>>, %arg6: memref<128xi32, #tpu.memory_space<vmem>>, %arg7: memref<128x256xf32, #tpu.memory_space<vmem>>, %arg8: memref<128x256xf32, #tpu.memory_space<vmem>>, %arg9: memref<!tpu.dma_semaphore, #tpu.memory_space<semaphore_mem>>, %arg10: memref<!tpu.dma_semaphore, #tpu.memory_space<semaphore_mem>>) attributes {dimension_semantics = [#tpu.dimension_semantics<core_parallel>, #tpu.dimension_semantics<subcore_parallel>], iteration_bounds = array<i64: 2, 16>, scalar_prefetch = 0 : i64, scratch_operands = 6 : i64, tpu.core_type = #tpu.core_type<sc_vector_subcore>, window_params = [{transform_indices = #map}, {transform_indices = #map1}, {transform_indices = #map1}]} {
    %mul3A = arith.constant 2 : i32
    %mul3A_0 = arith.muli %arg1, %mul3A : i32
    %add3A = arith.addi %mul3A_0, %arg0 : i32
    %mul3A_1 = arith.constant 4096 : i32
    %mul3A_2 = arith.muli %add3A, %mul3A_1 : i32
    %add3A_3 = arith.constant 0 : i32
    %add3A_4 = arith.addi %mul3A_2, %add3A_3 : i32
    "tpu.region"() ({
      %run_scoped3A = tpu.sem_alloc : memref<!tpu.dma_semaphore, #tpu.memory_space<semaphore_mem>>
      %dma_start3A_18 = tpu.memref_slice %arg2[%add3A_4] : memref<131072xi32, #tpu.memory_space<hbm>> -> memref<128xi32, #tpu.memory_space<hbm>>
      %dma_start3A_19 = tpu.memref_slice %arg2[%add3A_4] : memref<131072xi32, #tpu.memory_space<hbm>> -> memref<128xi32, #tpu.memory_space<hbm>>
      tpu.enqueue_dma source(%dma_start3A_19 : memref<128xi32, #tpu.memory_space<hbm>>) target(%arg5 : memref<128xi32, #tpu.memory_space<vmem>>) target_semaphore(%run_scoped3A : memref<!tpu.dma_semaphore, #tpu.memory_space<semaphore_mem>>)
      %dma_wait3A = tpu.memref_slice %arg2[%add3A_4] : memref<131072xi32, #tpu.memory_space<hbm>> -> memref<128xi32, #tpu.memory_space<hbm>>
      %dma_wait3A_20 = tpu.memref_slice %arg2[%add3A_4] : memref<131072xi32, #tpu.memory_space<hbm>> -> memref<128xi32, #tpu.memory_space<hbm>>
      tpu.wait_dma2 semaphore(%run_scoped3A : memref<!tpu.dma_semaphore, #tpu.memory_space<semaphore_mem>>) src(%dma_wait3A_20 : memref<128xi32, #tpu.memory_space<hbm>>) dst(%arg5 : memref<128xi32, #tpu.memory_space<vmem>>)
      tpu.yield
    }) : () -> ()
    %dma_start3A = arith.constant 0 : i32
    %dma_start3A_5 = arith.constant 0 : i32
    %dma_start3A_6 = tpu.memref_slice %arg3[%dma_start3A, %dma_start3A_5] : memref<8192x256xf32, #tpu.memory_space<hbm>> -> memref<8192x256xf32, #tpu.memory_space<hbm>>
    tpu.enqueue_indirect_dma source(%dma_start3A_6 : memref<8192x256xf32, #tpu.memory_space<hbm>>) target(%arg7 : memref<128x256xf32, #tpu.memory_space<vmem>>) offsets(%arg5 : memref<128xi32, #tpu.memory_space<vmem>>) semaphore(%arg9 : memref<!tpu.dma_semaphore, #tpu.memory_space<semaphore_mem>>)
    %add3A_7 = arith.constant 128 : i32
    %add3A_8 = arith.addi %mul3A_2, %add3A_7 : i32
    "tpu.region"() ({
      %run_scoped3A = tpu.sem_alloc : memref<!tpu.dma_semaphore, #tpu.memory_space<semaphore_mem>>
      %dma_start3A_18 = tpu.memref_slice %arg2[%add3A_8] : memref<131072xi32, #tpu.memory_space<hbm>> -> memref<128xi32, #tpu.memory_space<hbm>>
      %dma_start3A_19 = tpu.memref_slice %arg2[%add3A_8] : memref<131072xi32, #tpu.memory_space<hbm>> -> memref<128xi32, #tpu.memory_space<hbm>>
      tpu.enqueue_dma source(%dma_start3A_19 : memref<128xi32, #tpu.memory_space<hbm>>) target(%arg6 : memref<128xi32, #tpu.memory_space<vmem>>) target_semaphore(%run_scoped3A : memref<!tpu.dma_semaphore, #tpu.memory_space<semaphore_mem>>)
      %dma_wait3A = tpu.memref_slice %arg2[%add3A_8] : memref<131072xi32, #tpu.memory_space<hbm>> -> memref<128xi32, #tpu.memory_space<hbm>>
      %dma_wait3A_20 = tpu.memref_slice %arg2[%add3A_8] : memref<131072xi32, #tpu.memory_space<hbm>> -> memref<128xi32, #tpu.memory_space<hbm>>
      tpu.wait_dma2 semaphore(%run_scoped3A : memref<!tpu.dma_semaphore, #tpu.memory_space<semaphore_mem>>) src(%dma_wait3A_20 : memref<128xi32, #tpu.memory_space<hbm>>) dst(%arg6 : memref<128xi32, #tpu.memory_space<vmem>>)
      tpu.yield
    }) : () -> ()
    %dma_start3A_9 = arith.constant 0 : i32
    %dma_start3A_10 = arith.constant 0 : i32
    %dma_start3A_11 = tpu.memref_slice %arg3[%dma_start3A_9, %dma_start3A_10] : memref<8192x256xf32, #tpu.memory_space<hbm>> -> memref<8192x256xf32, #tpu.memory_space<hbm>>
    tpu.enqueue_indirect_dma source(%dma_start3A_11 : memref<8192x256xf32, #tpu.memory_space<hbm>>) target(%arg8 : memref<128x256xf32, #tpu.memory_space<vmem>>) offsets(%arg6 : memref<128xi32, #tpu.memory_space<vmem>>) semaphore(%arg10 : memref<!tpu.dma_semaphore, #tpu.memory_space<semaphore_mem>>)
    %scan3A = arith.constant 0 : i32
    %scan3A_12 = arith.constant 0 : i32
    %scan3A_13 = arith.constant 16 : i32
    %scan3A_14 = arith.addi %scan3A_12, %scan3A_13 : i32
    %scan3A_15 = arith.constant 1 : i32
    %scan3A_16 = scf.for %scan3A_18 = %scan3A_12 to %scan3A_14 step %scan3A_15 iter_args(%scan3A_19 = %scan3A) -> (i32)  : i32 {
      %mul3A_20 = arith.constant 2 : i32
      %mul3A_21 = arith.muli %scan3A_18, %mul3A_20 : i32
      %add3A_22 = arith.constant 0 : i32
      %add3A_23 = arith.addi %mul3A_21, %add3A_22 : i32
      %mul3A_24 = arith.constant 128 : i32
      %mul3A_25 = arith.muli %add3A_23, %mul3A_24 : i32
      %add3A_26 = arith.addi %mul3A_2, %mul3A_25 : i32
      %dma_wait3A = arith.constant 0 : i32
      %dma_wait3A_27 = arith.constant 0 : i32
      %dma_wait3A_28 = tpu.memref_slice %arg3[%dma_wait3A, %dma_wait3A_27] : memref<8192x256xf32, #tpu.memory_space<hbm>> -> memref<8192x256xf32, #tpu.memory_space<hbm>>
      tpu.wait_indirect_dma semaphore(%arg9 : memref<!tpu.dma_semaphore, #tpu.memory_space<semaphore_mem>>) src(%dma_wait3A_28 : memref<8192x256xf32, #tpu.memory_space<hbm>>) dst(%arg7 : memref<128x256xf32, #tpu.memory_space<vmem>>)
      "tpu.region"() ({
        %run_scoped3A = tpu.sem_alloc : memref<!tpu.dma_semaphore, #tpu.memory_space<semaphore_mem>>
        %dma_start3A_51 = arith.constant 0 : i32
        %dma_start3A_52 = tpu.memref_slice %arg4[%add3A_26, %dma_start3A_51] : memref<131072x256xf32, #tpu.memory_space<hbm>> -> memref<128x256xf32, #tpu.memory_space<hbm>>
        %dma_start3A_53 = arith.constant 0 : i32
        %dma_start3A_54 = tpu.memref_slice %arg4[%add3A_26, %dma_start3A_53] : memref<131072x256xf32, #tpu.memory_space<hbm>> -> memref<128x256xf32, #tpu.memory_space<hbm>>
        tpu.enqueue_dma source(%arg7 : memref<128x256xf32, #tpu.memory_space<vmem>>) target(%dma_start3A_54 : memref<128x256xf32, #tpu.memory_space<hbm>>) target_semaphore(%run_scoped3A : memref<!tpu.dma_semaphore, #tpu.memory_space<semaphore_mem>>)
        %dma_wait3A_55 = arith.constant 0 : i32
        %dma_wait3A_56 = tpu.memref_slice %arg4[%add3A_26, %dma_wait3A_55] : memref<131072x256xf32, #tpu.memory_space<hbm>> -> memref<128x256xf32, #tpu.memory_space<hbm>>
        %dma_wait3A_57 = arith.constant 0 : i32
        %dma_wait3A_58 = tpu.memref_slice %arg4[%add3A_26, %dma_wait3A_57] : memref<131072x256xf32, #tpu.memory_space<hbm>> -> memref<128x256xf32, #tpu.memory_space<hbm>>
        tpu.wait_dma2 semaphore(%run_scoped3A : memref<!tpu.dma_semaphore, #tpu.memory_space<semaphore_mem>>) src(%arg7 : memref<128x256xf32, #tpu.memory_space<vmem>>) dst(%dma_wait3A_58 : memref<128x256xf32, #tpu.memory_space<hbm>>)
        tpu.yield
      }) : () -> ()
      %add3A_29 = arith.constant 2 : i32
      %add3A_30 = arith.addi %add3A_23, %add3A_29 : i32
      %lt3A = arith.constant 32 : i32
      %lt3A_31 = arith.cmpi slt, %add3A_30, %lt3A : i32
      %convert_element_type3A = arith.extui %lt3A_31 : i1 to i32
      %cond3A = arith.constant 0 : i32
      %cond3A_32 = arith.cmpi ne, %convert_element_type3A, %cond3A : i32
      scf.if %cond3A_32 {
        %mul3A_51 = arith.constant 128 : i32
        %mul3A_52 = arith.muli %add3A_30, %mul3A_51 : i32
        %add3A_53 = arith.addi %mul3A_2, %mul3A_52 : i32
        "tpu.region"() ({
          %run_scoped3A = tpu.sem_alloc : memref<!tpu.dma_semaphore, #tpu.memory_space<semaphore_mem>>
          %dma_start3A_57 = tpu.memref_slice %arg2[%add3A_53] : memref<131072xi32, #tpu.memory_space<hbm>> -> memref<128xi32, #tpu.memory_space<hbm>>
          %dma_start3A_58 = tpu.memref_slice %arg2[%add3A_53] : memref<131072xi32, #tpu.memory_space<hbm>> -> memref<128xi32, #tpu.memory_space<hbm>>
          tpu.enqueue_dma source(%dma_start3A_58 : memref<128xi32, #tpu.memory_space<hbm>>) target(%arg5 : memref<128xi32, #tpu.memory_space<vmem>>) target_semaphore(%run_scoped3A : memref<!tpu.dma_semaphore, #tpu.memory_space<semaphore_mem>>)
          %dma_wait3A_59 = tpu.memref_slice %arg2[%add3A_53] : memref<131072xi32, #tpu.memory_space<hbm>> -> memref<128xi32, #tpu.memory_space<hbm>>
          %dma_wait3A_60 = tpu.memref_slice %arg2[%add3A_53] : memref<131072xi32, #tpu.memory_space<hbm>> -> memref<128xi32, #tpu.memory_space<hbm>>
          tpu.wait_dma2 semaphore(%run_scoped3A : memref<!tpu.dma_semaphore, #tpu.memory_space<semaphore_mem>>) src(%dma_wait3A_60 : memref<128xi32, #tpu.memory_space<hbm>>) dst(%arg5 : memref<128xi32, #tpu.memory_space<vmem>>)
          tpu.yield
        }) : () -> ()
        %dma_start3A_54 = arith.constant 0 : i32
        %dma_start3A_55 = arith.constant 0 : i32
        %dma_start3A_56 = tpu.memref_slice %arg3[%dma_start3A_54, %dma_start3A_55] : memref<8192x256xf32, #tpu.memory_space<hbm>> -> memref<8192x256xf32, #tpu.memory_space<hbm>>
        tpu.enqueue_indirect_dma source(%dma_start3A_56 : memref<8192x256xf32, #tpu.memory_space<hbm>>) target(%arg7 : memref<128x256xf32, #tpu.memory_space<vmem>>) offsets(%arg5 : memref<128xi32, #tpu.memory_space<vmem>>) semaphore(%arg9 : memref<!tpu.dma_semaphore, #tpu.memory_space<semaphore_mem>>)
      } else {
      }
      %mul3A_33 = arith.constant 2 : i32
      %mul3A_34 = arith.muli %scan3A_18, %mul3A_33 : i32
      %add3A_35 = arith.constant 1 : i32
      %add3A_36 = arith.addi %mul3A_34, %add3A_35 : i32
      %mul3A_37 = arith.constant 128 : i32
      %mul3A_38 = arith.muli %add3A_36, %mul3A_37 : i32
      %add3A_39 = arith.addi %mul3A_2, %mul3A_38 : i32
      %dma_wait3A_40 = arith.constant 0 : i32
      %dma_wait3A_41 = arith.constant 0 : i32
      %dma_wait3A_42 = tpu.memref_slice %arg3[%dma_wait3A_40, %dma_wait3A_41] : memref<8192x256xf32, #tpu.memory_space<hbm>> -> memref<8192x256xf32, #tpu.memory_space<hbm>>
      tpu.wait_indirect_dma semaphore(%arg10 : memref<!tpu.dma_semaphore, #tpu.memory_space<semaphore_mem>>) src(%dma_wait3A_42 : memref<8192x256xf32, #tpu.memory_space<hbm>>) dst(%arg8 : memref<128x256xf32, #tpu.memory_space<vmem>>)
      "tpu.region"() ({
        %run_scoped3A = tpu.sem_alloc : memref<!tpu.dma_semaphore, #tpu.memory_space<semaphore_mem>>
        %dma_start3A_51 = arith.constant 0 : i32
        %dma_start3A_52 = tpu.memref_slice %arg4[%add3A_39, %dma_start3A_51] : memref<131072x256xf32, #tpu.memory_space<hbm>> -> memref<128x256xf32, #tpu.memory_space<hbm>>
        %dma_start3A_53 = arith.constant 0 : i32
        %dma_start3A_54 = tpu.memref_slice %arg4[%add3A_39, %dma_start3A_53] : memref<131072x256xf32, #tpu.memory_space<hbm>> -> memref<128x256xf32, #tpu.memory_space<hbm>>
        tpu.enqueue_dma source(%arg8 : memref<128x256xf32, #tpu.memory_space<vmem>>) target(%dma_start3A_54 : memref<128x256xf32, #tpu.memory_space<hbm>>) target_semaphore(%run_scoped3A : memref<!tpu.dma_semaphore, #tpu.memory_space<semaphore_mem>>)
        %dma_wait3A_55 = arith.constant 0 : i32
        %dma_wait3A_56 = tpu.memref_slice %arg4[%add3A_39, %dma_wait3A_55] : memref<131072x256xf32, #tpu.memory_space<hbm>> -> memref<128x256xf32, #tpu.memory_space<hbm>>
        %dma_wait3A_57 = arith.constant 0 : i32
        %dma_wait3A_58 = tpu.memref_slice %arg4[%add3A_39, %dma_wait3A_57] : memref<131072x256xf32, #tpu.memory_space<hbm>> -> memref<128x256xf32, #tpu.memory_space<hbm>>
        tpu.wait_dma2 semaphore(%run_scoped3A : memref<!tpu.dma_semaphore, #tpu.memory_space<semaphore_mem>>) src(%arg8 : memref<128x256xf32, #tpu.memory_space<vmem>>) dst(%dma_wait3A_58 : memref<128x256xf32, #tpu.memory_space<hbm>>)
        tpu.yield
      }) : () -> ()
      %add3A_43 = arith.constant 2 : i32
      %add3A_44 = arith.addi %add3A_36, %add3A_43 : i32
      %lt3A_45 = arith.constant 32 : i32
      %lt3A_46 = arith.cmpi slt, %add3A_44, %lt3A_45 : i32
      %convert_element_type3A_47 = arith.extui %lt3A_46 : i1 to i32
      %cond3A_48 = arith.constant 0 : i32
      %cond3A_49 = arith.cmpi ne, %convert_element_type3A_47, %cond3A_48 : i32
      scf.if %cond3A_49 {
        %mul3A_51 = arith.constant 128 : i32
        %mul3A_52 = arith.muli %add3A_44, %mul3A_51 : i32
        %add3A_53 = arith.addi %mul3A_2, %mul3A_52 : i32
        "tpu.region"() ({
          %run_scoped3A = tpu.sem_alloc : memref<!tpu.dma_semaphore, #tpu.memory_space<semaphore_mem>>
          %dma_start3A_57 = tpu.memref_slice %arg2[%add3A_53] : memref<131072xi32, #tpu.memory_space<hbm>> -> memref<128xi32, #tpu.memory_space<hbm>>
          %dma_start3A_58 = tpu.memref_slice %arg2[%add3A_53] : memref<131072xi32, #tpu.memory_space<hbm>> -> memref<128xi32, #tpu.memory_space<hbm>>
          tpu.enqueue_dma source(%dma_start3A_58 : memref<128xi32, #tpu.memory_space<hbm>>) target(%arg6 : memref<128xi32, #tpu.memory_space<vmem>>) target_semaphore(%run_scoped3A : memref<!tpu.dma_semaphore, #tpu.memory_space<semaphore_mem>>)
          %dma_wait3A_59 = tpu.memref_slice %arg2[%add3A_53] : memref<131072xi32, #tpu.memory_space<hbm>> -> memref<128xi32, #tpu.memory_space<hbm>>
          %dma_wait3A_60 = tpu.memref_slice %arg2[%add3A_53] : memref<131072xi32, #tpu.memory_space<hbm>> -> memref<128xi32, #tpu.memory_space<hbm>>
          tpu.wait_dma2 semaphore(%run_scoped3A : memref<!tpu.dma_semaphore, #tpu.memory_space<semaphore_mem>>) src(%dma_wait3A_60 : memref<128xi32, #tpu.memory_space<hbm>>) dst(%arg6 : memref<128xi32, #tpu.memory_space<vmem>>)
          tpu.yield
        }) : () -> ()
        %dma_start3A_54 = arith.constant 0 : i32
        %dma_start3A_55 = arith.constant 0 : i32
        %dma_start3A_56 = tpu.memref_slice %arg3[%dma_start3A_54, %dma_start3A_55] : memref<8192x256xf32, #tpu.memory_space<hbm>> -> memref<8192x256xf32, #tpu.memory_space<hbm>>
        tpu.enqueue_indirect_dma source(%dma_start3A_56 : memref<8192x256xf32, #tpu.memory_space<hbm>>) target(%arg8 : memref<128x256xf32, #tpu.memory_space<vmem>>) offsets(%arg6 : memref<128xi32, #tpu.memory_space<vmem>>) semaphore(%arg10 : memref<!tpu.dma_semaphore, #tpu.memory_space<semaphore_mem>>)
      } else {
      }
      %scan3A_50 = arith.constant 0 : i32
      scf.yield %scan3A_50 : i32
    }
    %scan3A_17 = arith.constant 16 : i32
    return
  }
}

module attributes {stable_mosaic.version = 14 : i64} {
  func.func @_knn_body(%arg0: i32, %arg1: i32, %arg2: memref<1024x16xf32, #tpu.memory_space<vmem>>, %arg3: memref<1x16x2048xf32, #tpu.memory_space<vmem>>, %arg4: memref<1024x16xi32, #tpu.memory_space<vmem>>) attributes {dimension_semantics = [#tpu.dimension_semantics<arbitrary>, #tpu.dimension_semantics<arbitrary>], iteration_bounds = array<i64: 4, 2>, scalar_prefetch = 0 : i64, scratch_operands = 0 : i64, tpu.core_type = #tpu.core_type<tc>, window_params = [{transform_indices = @transform_0, window_bounds = array<i64: 1024, 16>}, {transform_indices = @transform_1, window_bounds = array<i64: 1, 16, 2048>}, {transform_indices = @transform_2, window_bounds = array<i64: 1024, 16>}]} {
    %get3A = arith.constant 0 : index
    %get3A_0 = arith.constant 0 : index
    %get3A_1 = vector.load %arg2[%get3A, %get3A_0] : memref<1024x16xf32, #tpu.memory_space<vmem>>, vector<1024x16xf32>
    %get3A_2 = arith.constant 0 : index
    %get3A_3 = arith.constant 0 : index
    %get3A_4 = arith.constant 0 : index
    %get3A_5 = vector.load %arg3[%get3A_2, %get3A_3, %get3A_4] : memref<1x16x2048xf32, #tpu.memory_space<vmem>>, vector<1x16x2048xf32>
    %get3A_6 = vector.shape_cast %get3A_5 : vector<1x16x2048xf32> to vector<16x2048xf32>
    %mul3A = arith.mulf %get3A_1, %get3A_1 : vector<1024x16xf32>
    %reduce_sum3A = arith.constant dense<0.000000e+00> : vector<1024xf32>
    %reduce_sum3A_7 = vector.multi_reduction <add>, %mul3A, %reduce_sum3A [1] : vector<1024x16xf32> to vector<1024xf32>
    %broadcast_in_dim3A = vector.shape_cast %reduce_sum3A_7 : vector<1024xf32> to vector<1024x1xf32>
    %mul3A_8 = arith.mulf %get3A_6, %get3A_6 : vector<16x2048xf32>
    %reduce_sum3A_9 = arith.constant dense<0.000000e+00> : vector<2048xf32>
    %reduce_sum3A_10 = vector.multi_reduction <add>, %mul3A_8, %reduce_sum3A_9 [0] : vector<16x2048xf32> to vector<2048xf32>
    %broadcast_in_dim3A_11 = vector.shape_cast %reduce_sum3A_10 : vector<2048xf32> to vector<1x2048xf32>
    %dot_general3A = arith.constant dense<0.000000e+00> : vector<1024x2048xf32>
    %dot_general3A_12 = tpu.matmul %get3A_1, %get3A_6, %dot_general3A {dimension_numbers = #tpu.dot_dimension_numbers<[1], [0], [0], [1], [0, 0, 1, 1], [], []>, transpose_lhs_hint = false} : vector<1024x16xf32>, vector<16x2048xf32>, vector<1024x2048xf32> -> vector<1024x2048xf32>
    %add3A = vector.broadcast %broadcast_in_dim3A : vector<1024x1xf32> to vector<1024x2048xf32>
    %add3A_13 = vector.broadcast %broadcast_in_dim3A_11 : vector<1x2048xf32> to vector<1024x2048xf32>
    %add3A_14 = arith.addf %add3A, %add3A_13 : vector<1024x2048xf32>
    %mul3A_15 = arith.constant 2.000000e+00 : f32
    %mul3A_16 = vector.broadcast %mul3A_15 : f32 to vector<1024x2048xf32>
    %mul3A_17 = arith.mulf %mul3A_16, %dot_general3A_12 : vector<1024x2048xf32>
    %sub3A = arith.subf %add3A_14, %mul3A_17 : vector<1024x2048xf32>
    %iota3A = tpu.iota {dimensions = array<i32: 1>} : vector<1024x2048xi32>
    %iota3A_18 = tpu.iota {dimensions = array<i32: 1>} : vector<1024x16xi32>
    %broadcast_in_dim3A_19 = arith.constant 0 : i32
    %broadcast_in_dim3A_20 = vector.broadcast %broadcast_in_dim3A_19 : i32 to vector<1024x16xi32>
    %scan3A = arith.constant 0 : i32
    %scan3A_21 = arith.constant 16 : i32
    %scan3A_22 = arith.addi %scan3A, %scan3A_21 : i32
    %scan3A_23 = arith.constant 1 : i32
    %scan3A_24:2 = scf.for %scan3A_32 = %scan3A to %scan3A_22 step %scan3A_23 iter_args(%scan3A_33 = %sub3A, %scan3A_34 = %broadcast_in_dim3A_20) -> (vector<1024x2048xf32>, vector<1024x16xi32>)  : i32 {
      %reduce_min3A = arith.constant dense<0x7F800000> : vector<1024xf32>
      %reduce_min3A_35 = vector.multi_reduction <minimumf>, %scan3A_33, %reduce_min3A [1] : vector<1024x2048xf32> to vector<1024xf32>
      %broadcast_in_dim3A_36 = vector.shape_cast %reduce_min3A_35 : vector<1024xf32> to vector<1024x1xf32>
      %eq3A = vector.broadcast %broadcast_in_dim3A_36 : vector<1024x1xf32> to vector<1024x2048xf32>
      %eq3A_37 = arith.cmpf oeq, %scan3A_33, %eq3A : vector<1024x2048xf32>
      %jit3A = arith.constant 2048 : i32
      %broadcast_in_dim3A_38 = vector.broadcast %jit3A : i32 to vector<1024x2048xi32>
      %select_n3A = arith.select %eq3A_37, %iota3A, %broadcast_in_dim3A_38 : vector<1024x2048xi1>, vector<1024x2048xi32>
      %reduce_min3A_39 = arith.constant dense<2147483647> : vector<1024xi32>
      %reduce_min3A_40 = vector.multi_reduction <minsi>, %select_n3A, %reduce_min3A_39 [1] : vector<1024x2048xi32> to vector<1024xi32>
      %broadcast_in_dim3A_41 = vector.shape_cast %reduce_min3A_40 : vector<1024xi32> to vector<1024x1xi32>
      %eq3A_42 = vector.broadcast %scan3A_32 : i32 to vector<1024x16xi32>
      %eq3A_43 = arith.cmpi eq, %iota3A_18, %eq3A_42 : vector<1024x16xi32>
      %broadcast_in_dim3A_44 = vector.shape_cast %broadcast_in_dim3A_41 : vector<1024x1xi32> to vector<1024x1xi32>
      %broadcast_in_dim3A_45 = vector.broadcast %broadcast_in_dim3A_44 : vector<1024x1xi32> to vector<1024x16xi32>
      %select_n3A_46 = arith.select %eq3A_43, %broadcast_in_dim3A_45, %scan3A_34 : vector<1024x16xi1>, vector<1024x16xi32>
      %eq3A_47 = vector.broadcast %broadcast_in_dim3A_41 : vector<1024x1xi32> to vector<1024x2048xi32>
      %eq3A_48 = arith.cmpi eq, %iota3A, %eq3A_47 : vector<1024x2048xi32>
      %jit3A_49 = arith.constant 3.000000e+38 : f32
      %broadcast_in_dim3A_50 = vector.broadcast %jit3A_49 : f32 to vector<1024x2048xf32>
      %select_n3A_51 = arith.select %eq3A_48, %broadcast_in_dim3A_50, %scan3A_33 : vector<1024x2048xi1>, vector<1024x2048xf32>
      scf.yield %select_n3A_51, %select_n3A_46 : vector<1024x2048xf32>, vector<1024x16xi32>
    }
    %scan3A_25 = arith.constant 16 : i32
    %mul3A_26 = arith.constant 2048 : i32
    %mul3A_27 = arith.muli %arg0, %mul3A_26 : i32
    %add3A_28 = vector.broadcast %mul3A_27 : i32 to vector<1024x16xi32>
    %add3A_29 = arith.addi %add3A_28, %scan3A_24#1 : vector<1024x16xi32>
    %swap3A = arith.constant 0 : index
    %swap3A_30 = arith.constant 0 : index
    %swap3A_31 = vector.load %arg4[%swap3A, %swap3A_30] : memref<1024x16xi32, #tpu.memory_space<vmem>>, vector<1024x16xi32>
    tpu.vector_store %arg4[%swap3A, %swap3A_30], %add3A_29 {strides = array<i32>} : memref<1024x16xi32, #tpu.memory_space<vmem>>, vector<1024x16xi32>,
    return
  }
  func.func @transform_0(%arg0: i32, %arg1: i32) -> (i32, i32) {
    %mul3A = arith.constant 2 : i32
    %mul3A_0 = arith.muli %arg0, %mul3A : i32
    %add3A = arith.addi %mul3A_0, %arg1 : i32
    %c0_i32 = arith.constant 0 : i32
    %c0_i32_1 = arith.constant 0 : i32
    return %add3A, %c0_i32 : i32, i32
  }
  func.func @transform_1(%arg0: i32, %arg1: i32) -> (i32, i32, i32) {
    %c0_i32 = arith.constant 0 : i32
    %c0_i32_0 = arith.constant 0 : i32
    %c0_i32_1 = arith.constant 0 : i32
    return %arg0, %c0_i32, %c0_i32_0 : i32, i32, i32
  }
  func.func @transform_2(%arg0: i32, %arg1: i32) -> (i32, i32) {
    %mul3A = arith.constant 2 : i32
    %mul3A_0 = arith.muli %arg0, %mul3A : i32
    %add3A = arith.addi %mul3A_0, %arg1 : i32
    %c0_i32 = arith.constant 0 : i32
    %c0_i32_1 = arith.constant 0 : i32
    return %add3A, %c0_i32 : i32, i32
  }
}

module attributes {stable_mosaic.version = 14 : i64} {
  func.func @_stage_body_plain(%arg0: i32, %arg1: memref<1024x16xf32, #tpu.memory_space<vmem>>, %arg2: memref<16x128xf32, #tpu.memory_space<vmem>>, %arg3: memref<1x128xf32, #tpu.memory_space<vmem>>, %arg4: memref<1024x128xf32, #tpu.memory_space<vmem>>, %arg5: memref<8x128xf32, #tpu.memory_space<vmem>>, %arg6: memref<8x128xf32, #tpu.memory_space<vmem>>) attributes {dimension_semantics = [#tpu.dimension_semantics<arbitrary>], iteration_bounds = array<i64: 8>, scalar_prefetch = 0 : i64, scratch_operands = 0 : i64, tpu.core_type = #tpu.core_type<tc>, window_params = [{transform_indices = @transform_0, window_bounds = array<i64: 1024, 16>}, {pipeline_mode = #tpu.pipeline_mode<synchronous>, transform_indices = @transform_1, window_bounds = array<i64: 16, 128>}, {pipeline_mode = #tpu.pipeline_mode<synchronous>, transform_indices = @transform_2, window_bounds = array<i64: 1, 128>}, {transform_indices = @transform_3, window_bounds = array<i64: 1024, 128>}, {pipeline_mode = #tpu.pipeline_mode<synchronous>, transform_indices = @transform_4, window_bounds = array<i64: 8, 128>}, {pipeline_mode = #tpu.pipeline_mode<synchronous>, transform_indices = @transform_5, window_bounds = array<i64: 8, 128>}]} {
    %get3A = arith.constant 0 : index
    %get3A_0 = arith.constant 0 : index
    %get3A_1 = vector.load %arg1[%get3A, %get3A_0] : memref<1024x16xf32, #tpu.memory_space<vmem>>, vector<1024x16xf32>
    %get3A_2 = arith.constant 0 : index
    %get3A_3 = arith.constant 0 : index
    %get3A_4 = vector.load %arg2[%get3A_2, %get3A_3] : memref<16x128xf32, #tpu.memory_space<vmem>>, vector<16x128xf32>
    %dot_general3A = arith.constant dense<0.000000e+00> : vector<1024x128xf32>
    %dot_general3A_5 = tpu.matmul %get3A_1, %get3A_4, %dot_general3A {dimension_numbers = #tpu.dot_dimension_numbers<[1], [0], [0], [1], [0, 0, 1, 1], [], []>, precision = #tpu.contract_precision<fp32>, transpose_lhs_hint = false} : vector<1024x16xf32>, vector<16x128xf32>, vector<1024x128xf32> -> vector<1024x128xf32>
    %get3A_6 = arith.constant 0 : index
    %get3A_7 = arith.constant 0 : index
    %get3A_8 = vector.load %arg3[%get3A_6, %get3A_7] : memref<1x128xf32, #tpu.memory_space<vmem>>, vector<1x128xf32>
    %add3A = vector.broadcast %get3A_8 : vector<1x128xf32> to vector<1024x128xf32>
    %add3A_9 = arith.addf %dot_general3A_5, %add3A : vector<1024x128xf32>
    %swap3A = arith.constant 0 : index
    %swap3A_10 = arith.constant 0 : index
    %swap3A_11 = vector.load %arg4[%swap3A, %swap3A_10] : memref<1024x128xf32, #tpu.memory_space<vmem>>, vector<1024x128xf32>
    tpu.vector_store %arg4[%swap3A, %swap3A_10], %add3A_9 {strides = array<i32>} : memref<1024x128xf32, #tpu.memory_space<vmem>>, vector<1024x128xf32>,
    %reshape3A = vector.shape_cast %add3A_9 : vector<1024x128xf32> to vector<128x8x128xf32>
    %reduce_sum3A = arith.constant dense<0.000000e+00> : vector<8x128xf32>
    %reduce_sum3A_12 = vector.multi_reduction <add>, %reshape3A, %reduce_sum3A [0] : vector<128x8x128xf32> to vector<8x128xf32>
    %mul3A = arith.mulf %add3A_9, %add3A_9 : vector<1024x128xf32>
    %reshape3A_13 = vector.shape_cast %mul3A : vector<1024x128xf32> to vector<128x8x128xf32>
    %reduce_sum3A_14 = arith.constant dense<0.000000e+00> : vector<8x128xf32>
    %reduce_sum3A_15 = vector.multi_reduction <add>, %reshape3A_13, %reduce_sum3A_14 [0] : vector<128x8x128xf32> to vector<8x128xf32>
    %eq3A = arith.constant 0 : i32
    %eq3A_16 = arith.cmpi eq, %arg0, %eq3A : i32
    %convert_element_type3A = arith.extui %eq3A_16 : i1 to i32
    %cond3A = arith.constant 0 : i32
    %cond3A_17 = arith.cmpi ne, %convert_element_type3A, %cond3A : i32
    scf.if %cond3A_17 {
      %swap3A_22 = arith.constant 0 : index
      %swap3A_23 = arith.constant 0 : index
      %swap3A_24 = vector.load %arg5[%swap3A_22, %swap3A_23] : memref<8x128xf32, #tpu.memory_space<vmem>>, vector<8x128xf32>
      tpu.vector_store %arg5[%swap3A_22, %swap3A_23], %reduce_sum3A_12 {strides = array<i32>} : memref<8x128xf32, #tpu.memory_space<vmem>>, vector<8x128xf32>,
      %swap3A_25 = arith.constant 0 : index
      %swap3A_26 = arith.constant 0 : index
      %swap3A_27 = vector.load %arg6[%swap3A_25, %swap3A_26] : memref<8x128xf32, #tpu.memory_space<vmem>>, vector<8x128xf32>
      tpu.vector_store %arg6[%swap3A_25, %swap3A_26], %reduce_sum3A_15 {strides = array<i32>} : memref<8x128xf32, #tpu.memory_space<vmem>>, vector<8x128xf32>,
    } else {
    }
    %gt3A = arith.constant 0 : i32
    %gt3A_18 = arith.cmpi sgt, %arg0, %gt3A : i32
    %convert_element_type3A_19 = arith.extui %gt3A_18 : i1 to i32
    %cond3A_20 = arith.constant 0 : i32
    %cond3A_21 = arith.cmpi ne, %convert_element_type3A_19, %cond3A_20 : i32
    scf.if %cond3A_21 {
      %get3A_22 = arith.constant 0 : index
      %get3A_23 = arith.constant 0 : index
      %get3A_24 = vector.load %arg5[%get3A_22, %get3A_23] : memref<8x128xf32, #tpu.memory_space<vmem>>, vector<8x128xf32>
      %add3A_25 = arith.addf %get3A_24, %reduce_sum3A_12 : vector<8x128xf32>
      %swap3A_26 = arith.constant 0 : index
      %swap3A_27 = arith.constant 0 : index
      %swap3A_28 = vector.load %arg5[%swap3A_26, %swap3A_27] : memref<8x128xf32, #tpu.memory_space<vmem>>, vector<8x128xf32>
      tpu.vector_store %arg5[%swap3A_26, %swap3A_27], %add3A_25 {strides = array<i32>} : memref<8x128xf32, #tpu.memory_space<vmem>>, vector<8x128xf32>,
      %get3A_29 = arith.constant 0 : index
      %get3A_30 = arith.constant 0 : index
      %get3A_31 = vector.load %arg6[%get3A_29, %get3A_30] : memref<8x128xf32, #tpu.memory_space<vmem>>, vector<8x128xf32>
      %add3A_32 = arith.addf %get3A_31, %reduce_sum3A_15 : vector<8x128xf32>
      %swap3A_33 = arith.constant 0 : index
      %swap3A_34 = arith.constant 0 : index
      %swap3A_35 = vector.load %arg6[%swap3A_33, %swap3A_34] : memref<8x128xf32, #tpu.memory_space<vmem>>, vector<8x128xf32>
      tpu.vector_store %arg6[%swap3A_33, %swap3A_34], %add3A_32 {strides = array<i32>} : memref<8x128xf32, #tpu.memory_space<vmem>>, vector<8x128xf32>,
    } else {
    }
    return
  }
  func.func @transform_0(%arg0: i32) -> (i32, i32) {
    %c0_i32 = arith.constant 0 : i32
    %c0_i32_0 = arith.constant 0 : i32
    return %arg0, %c0_i32 : i32, i32
  }
  func.func @transform_1(%arg0: i32) -> (i32, i32) {
    %c0_i32 = arith.constant 0 : i32
    %c0_i32_0 = arith.constant 0 : i32
    %c0_i32_1 = arith.constant 0 : i32
    return %c0_i32, %c0_i32_0 : i32, i32
  }
  func.func @transform_2(%arg0: i32) -> (i32, i32) {
    %c0_i32 = arith.constant 0 : i32
    %c0_i32_0 = arith.constant 0 : i32
    %c0_i32_1 = arith.constant 0 : i32
    return %c0_i32, %c0_i32_0 : i32, i32
  }
  func.func @transform_3(%arg0: i32) -> (i32, i32) {
    %c0_i32 = arith.constant 0 : i32
    %c0_i32_0 = arith.constant 0 : i32
    return %arg0, %c0_i32 : i32, i32
  }
  func.func @transform_4(%arg0: i32) -> (i32, i32) {
    %c0_i32 = arith.constant 0 : i32
    %c0_i32_0 = arith.constant 0 : i32
    %c0_i32_1 = arith.constant 0 : i32
    return %c0_i32, %c0_i32_0 : i32, i32
  }
  func.func @transform_5(%arg0: i32) -> (i32, i32) {
    %c0_i32 = arith.constant 0 : i32
    %c0_i32_0 = arith.constant 0 : i32
    %c0_i32_1 = arith.constant 0 : i32
    return %c0_i32, %c0_i32_0 : i32, i32
  }
}

module attributes {stable_mosaic.version = 14 : i64} {
  func.func @_stage_body_plain(%arg0: i32, %arg1: memref<1024x128xf32, #tpu.memory_space<vmem>>, %arg2: memref<128x128xf32, #tpu.memory_space<vmem>>, %arg3: memref<1x128xf32, #tpu.memory_space<vmem>>, %arg4: memref<1024x128xf32, #tpu.memory_space<vmem>>, %arg5: memref<8x128xf32, #tpu.memory_space<vmem>>, %arg6: memref<8x128xf32, #tpu.memory_space<vmem>>) attributes {dimension_semantics = [#tpu.dimension_semantics<arbitrary>], iteration_bounds = array<i64: 8>, scalar_prefetch = 0 : i64, scratch_operands = 0 : i64, tpu.core_type = #tpu.core_type<tc>, window_params = [{transform_indices = @transform_0, window_bounds = array<i64: 1024, 128>}, {pipeline_mode = #tpu.pipeline_mode<synchronous>, transform_indices = @transform_1, window_bounds = array<i64: 128, 128>}, {pipeline_mode = #tpu.pipeline_mode<synchronous>, transform_indices = @transform_2, window_bounds = array<i64: 1, 128>}, {transform_indices = @transform_3, window_bounds = array<i64: 1024, 128>}, {pipeline_mode = #tpu.pipeline_mode<synchronous>, transform_indices = @transform_4, window_bounds = array<i64: 8, 128>}, {pipeline_mode = #tpu.pipeline_mode<synchronous>, transform_indices = @transform_5, window_bounds = array<i64: 8, 128>}]} {
    %get3A = arith.constant 0 : index
    %get3A_0 = arith.constant 0 : index
    %get3A_1 = vector.load %arg1[%get3A, %get3A_0] : memref<1024x128xf32, #tpu.memory_space<vmem>>, vector<1024x128xf32>
    %get3A_2 = arith.constant 0 : index
    %get3A_3 = arith.constant 0 : index
    %get3A_4 = vector.load %arg2[%get3A_2, %get3A_3] : memref<128x128xf32, #tpu.memory_space<vmem>>, vector<128x128xf32>
    %dot_general3A = arith.constant dense<0.000000e+00> : vector<1024x128xf32>
    %dot_general3A_5 = tpu.matmul %get3A_1, %get3A_4, %dot_general3A {dimension_numbers = #tpu.dot_dimension_numbers<[1], [0], [0], [1], [0, 0, 1, 1], [], []>, transpose_lhs_hint = false} : vector<1024x128xf32>, vector<128x128xf32>, vector<1024x128xf32> -> vector<1024x128xf32>
    %get3A_6 = arith.constant 0 : index
    %get3A_7 = arith.constant 0 : index
    %get3A_8 = vector.load %arg3[%get3A_6, %get3A_7] : memref<1x128xf32, #tpu.memory_space<vmem>>, vector<1x128xf32>
    %add3A = vector.broadcast %get3A_8 : vector<1x128xf32> to vector<1024x128xf32>
    %add3A_9 = arith.addf %dot_general3A_5, %add3A : vector<1024x128xf32>
    %swap3A = arith.constant 0 : index
    %swap3A_10 = arith.constant 0 : index
    %swap3A_11 = vector.load %arg4[%swap3A, %swap3A_10] : memref<1024x128xf32, #tpu.memory_space<vmem>>, vector<1024x128xf32>
    tpu.vector_store %arg4[%swap3A, %swap3A_10], %add3A_9 {strides = array<i32>} : memref<1024x128xf32, #tpu.memory_space<vmem>>, vector<1024x128xf32>,
    %reshape3A = vector.shape_cast %add3A_9 : vector<1024x128xf32> to vector<128x8x128xf32>
    %reduce_sum3A = arith.constant dense<0.000000e+00> : vector<8x128xf32>
    %reduce_sum3A_12 = vector.multi_reduction <add>, %reshape3A, %reduce_sum3A [0] : vector<128x8x128xf32> to vector<8x128xf32>
    %mul3A = arith.mulf %add3A_9, %add3A_9 : vector<1024x128xf32>
    %reshape3A_13 = vector.shape_cast %mul3A : vector<1024x128xf32> to vector<128x8x128xf32>
    %reduce_sum3A_14 = arith.constant dense<0.000000e+00> : vector<8x128xf32>
    %reduce_sum3A_15 = vector.multi_reduction <add>, %reshape3A_13, %reduce_sum3A_14 [0] : vector<128x8x128xf32> to vector<8x128xf32>
    %eq3A = arith.constant 0 : i32
    %eq3A_16 = arith.cmpi eq, %arg0, %eq3A : i32
    %convert_element_type3A = arith.extui %eq3A_16 : i1 to i32
    %cond3A = arith.constant 0 : i32
    %cond3A_17 = arith.cmpi ne, %convert_element_type3A, %cond3A : i32
    scf.if %cond3A_17 {
      %swap3A_22 = arith.constant 0 : index
      %swap3A_23 = arith.constant 0 : index
      %swap3A_24 = vector.load %arg5[%swap3A_22, %swap3A_23] : memref<8x128xf32, #tpu.memory_space<vmem>>, vector<8x128xf32>
      tpu.vector_store %arg5[%swap3A_22, %swap3A_23], %reduce_sum3A_12 {strides = array<i32>} : memref<8x128xf32, #tpu.memory_space<vmem>>, vector<8x128xf32>,
      %swap3A_25 = arith.constant 0 : index
      %swap3A_26 = arith.constant 0 : index
      %swap3A_27 = vector.load %arg6[%swap3A_25, %swap3A_26] : memref<8x128xf32, #tpu.memory_space<vmem>>, vector<8x128xf32>
      tpu.vector_store %arg6[%swap3A_25, %swap3A_26], %reduce_sum3A_15 {strides = array<i32>} : memref<8x128xf32, #tpu.memory_space<vmem>>, vector<8x128xf32>,
    } else {
    }
    %gt3A = arith.constant 0 : i32
    %gt3A_18 = arith.cmpi sgt, %arg0, %gt3A : i32
    %convert_element_type3A_19 = arith.extui %gt3A_18 : i1 to i32
    %cond3A_20 = arith.constant 0 : i32
    %cond3A_21 = arith.cmpi ne, %convert_element_type3A_19, %cond3A_20 : i32
    scf.if %cond3A_21 {
      %get3A_22 = arith.constant 0 : index
      %get3A_23 = arith.constant 0 : index
      %get3A_24 = vector.load %arg5[%get3A_22, %get3A_23] : memref<8x128xf32, #tpu.memory_space<vmem>>, vector<8x128xf32>
      %add3A_25 = arith.addf %get3A_24, %reduce_sum3A_12 : vector<8x128xf32>
      %swap3A_26 = arith.constant 0 : index
      %swap3A_27 = arith.constant 0 : index
      %swap3A_28 = vector.load %arg5[%swap3A_26, %swap3A_27] : memref<8x128xf32, #tpu.memory_space<vmem>>, vector<8x128xf32>
      tpu.vector_store %arg5[%swap3A_26, %swap3A_27], %add3A_25 {strides = array<i32>} : memref<8x128xf32, #tpu.memory_space<vmem>>, vector<8x128xf32>,
      %get3A_29 = arith.constant 0 : index
      %get3A_30 = arith.constant 0 : index
      %get3A_31 = vector.load %arg6[%get3A_29, %get3A_30] : memref<8x128xf32, #tpu.memory_space<vmem>>, vector<8x128xf32>
      %add3A_32 = arith.addf %get3A_31, %reduce_sum3A_15 : vector<8x128xf32>
      %swap3A_33 = arith.constant 0 : index
      %swap3A_34 = arith.constant 0 : index
      %swap3A_35 = vector.load %arg6[%swap3A_33, %swap3A_34] : memref<8x128xf32, #tpu.memory_space<vmem>>, vector<8x128xf32>
      tpu.vector_store %arg6[%swap3A_33, %swap3A_34], %add3A_32 {strides = array<i32>} : memref<8x128xf32, #tpu.memory_space<vmem>>, vector<8x128xf32>,
    } else {
    }
    return
  }
  func.func @transform_0(%arg0: i32) -> (i32, i32) {
    %c0_i32 = arith.constant 0 : i32
    %c0_i32_0 = arith.constant 0 : i32
    return %arg0, %c0_i32 : i32, i32
  }
  func.func @transform_1(%arg0: i32) -> (i32, i32) {
    %c0_i32 = arith.constant 0 : i32
    %c0_i32_0 = arith.constant 0 : i32
    %c0_i32_1 = arith.constant 0 : i32
    return %c0_i32, %c0_i32_0 : i32, i32
  }
  func.func @transform_2(%arg0: i32) -> (i32, i32) {
    %c0_i32 = arith.constant 0 : i32
    %c0_i32_0 = arith.constant 0 : i32
    %c0_i32_1 = arith.constant 0 : i32
    return %c0_i32, %c0_i32_0 : i32, i32
  }
  func.func @transform_3(%arg0: i32) -> (i32, i32) {
    %c0_i32 = arith.constant 0 : i32
    %c0_i32_0 = arith.constant 0 : i32
    return %arg0, %c0_i32 : i32, i32
  }
  func.func @transform_4(%arg0: i32) -> (i32, i32) {
    %c0_i32 = arith.constant 0 : i32
    %c0_i32_0 = arith.constant 0 : i32
    %c0_i32_1 = arith.constant 0 : i32
    return %c0_i32, %c0_i32_0 : i32, i32
  }
  func.func @transform_5(%arg0: i32) -> (i32, i32) {
    %c0_i32 = arith.constant 0 : i32
    %c0_i32_0 = arith.constant 0 : i32
    %c0_i32_1 = arith.constant 0 : i32
    return %c0_i32, %c0_i32_0 : i32, i32
  }
}

module attributes {stable_mosaic.version = 14 : i64} {
  func.func @_s2_body(%arg0: i32, %arg1: memref<1024x128xf32, #tpu.memory_space<vmem>>, %arg2: memref<1x128xf32, #tpu.memory_space<vmem>>, %arg3: memref<1x128xf32, #tpu.memory_space<vmem>>, %arg4: memref<128x128xf32, #tpu.memory_space<vmem>>, %arg5: memref<128x128xf32, #tpu.memory_space<vmem>>, %arg6: memref<128x128xf32, #tpu.memory_space<vmem>>, %arg7: memref<1x128xf32, #tpu.memory_space<vmem>>, %arg8: memref<1x128xf32, #tpu.memory_space<vmem>>, %arg9: memref<1x128xf32, #tpu.memory_space<vmem>>, %arg10: memref<1024x128xf32, #tpu.memory_space<vmem>>, %arg11: memref<1024x256xf32, #tpu.memory_space<vmem>>, %arg12: memref<8x128xf32, #tpu.memory_space<vmem>>, %arg13: memref<8x128xf32, #tpu.memory_space<vmem>>, %arg14: memref<8x128xf32, #tpu.memory_space<vmem>>, %arg15: memref<8x128xf32, #tpu.memory_space<vmem>>, %arg16: memref<8x128xf32, #tpu.memory_space<vmem>>, %arg17: memref<8x128xf32, #tpu.memory_space<vmem>>) attributes {dimension_semantics = [#tpu.dimension_semantics<arbitrary>], iteration_bounds = array<i64: 8>, scalar_prefetch = 0 : i64, scratch_operands = 0 : i64, tpu.core_type = #tpu.core_type<tc>, window_params = [{transform_indices = @transform_0, window_bounds = array<i64: 1024, 128>}, {pipeline_mode = #tpu.pipeline_mode<synchronous>, transform_indices = @transform_1, window_bounds = array<i64: 1, 128>}, {pipeline_mode = #tpu.pipeline_mode<synchronous>, transform_indices = @transform_2, window_bounds = array<i64: 1, 128>}, {pipeline_mode = #tpu.pipeline_mode<synchronous>, transform_indices = @transform_3, window_bounds = array<i64: 128, 128>}, {pipeline_mode = #tpu.pipeline_mode<synchronous>, transform_indices = @transform_4, window_bounds = array<i64: 128, 128>}, {pipeline_mode = #tpu.pipeline_mode<synchronous>, transform_indices = @transform_5, window_bounds = array<i64: 128, 128>}, {pipeline_mode = #tpu.pipeline_mode<synchronous>, transform_indices = @transform_6, window_bounds = array<i64: 1, 128>}, {pipeline_mode = #tpu.pipeline_mode<synchronous>, transform_indices = @transform_7, window_bounds = array<i64: 1, 128>}, {pipeline_mode = #tpu.pipeline_mode<synchronous>, transform_indices = @transform_8, window_bounds = array<i64: 1, 128>}, {transform_indices = @transform_9, window_bounds = array<i64: 1024, 128>}, {transform_indices = @transform_10, window_bounds = array<i64: 1024, 256>}, {pipeline_mode = #tpu.pipeline_mode<synchronous>, transform_indices = @transform_11, window_bounds = array<i64: 8, 128>}, {pipeline_mode = #tpu.pipeline_mode<synchronous>, transform_indices = @transform_12, window_bounds = array<i64: 8, 128>}, {pipeline_mode = #tpu.pipeline_mode<synchronous>, transform_indices = @transform_13, window_bounds = array<i64: 8, 128>}, {pipeline_mode = #tpu.pipeline_mode<synchronous>, transform_indices = @transform_14, window_bounds = array<i64: 8, 128>}, {pipeline_mode = #tpu.pipeline_mode<synchronous>, transform_indices = @transform_15, window_bounds = array<i64: 8, 128>}, {pipeline_mode = #tpu.pipeline_mode<synchronous>, transform_indices = @transform_16, window_bounds = array<i64: 8, 128>}]} {
    %get3A = arith.constant 0 : index
    %get3A_0 = arith.constant 0 : index
    %get3A_1 = vector.load %arg1[%get3A, %get3A_0] : memref<1024x128xf32, #tpu.memory_space<vmem>>, vector<1024x128xf32>
    %get3A_2 = arith.constant 0 : index
    %get3A_3 = arith.constant 0 : index
    %get3A_4 = vector.load %arg2[%get3A_2, %get3A_3] : memref<1x128xf32, #tpu.memory_space<vmem>>, vector<1x128xf32>
    %mul3A = vector.broadcast %get3A_4 : vector<1x128xf32> to vector<1024x128xf32>
    %mul3A_5 = arith.mulf %get3A_1, %mul3A : vector<1024x128xf32>
    %get3A_6 = arith.constant 0 : index
    %get3A_7 = arith.constant 0 : index
    %get3A_8 = vector.load %arg3[%get3A_6, %get3A_7] : memref<1x128xf32, #tpu.memory_space<vmem>>, vector<1x128xf32>
    %add3A = vector.broadcast %get3A_8 : vector<1x128xf32> to vector<1024x128xf32>
    %add3A_9 = arith.addf %mul3A_5, %add3A : vector<1024x128xf32>
    %get3A_10 = arith.constant 0 : index
    %get3A_11 = arith.constant 0 : index
    %get3A_12 = vector.load %arg4[%get3A_10, %get3A_11] : memref<128x128xf32, #tpu.memory_space<vmem>>, vector<128x128xf32>
    %dot_general3A = arith.constant dense<0.000000e+00> : vector<1024x128xf32>
    %dot_general3A_13 = tpu.matmul %add3A_9, %get3A_12, %dot_general3A {dimension_numbers = #tpu.dot_dimension_numbers<[1], [0], [0], [1], [0, 0, 1, 1], [], []>, transpose_lhs_hint = false} : vector<1024x128xf32>, vector<128x128xf32>, vector<1024x128xf32> -> vector<1024x128xf32>
    %get3A_14 = arith.constant 0 : index
    %get3A_15 = arith.constant 0 : index
    %get3A_16 = vector.load %arg7[%get3A_14, %get3A_15] : memref<1x128xf32, #tpu.memory_space<vmem>>, vector<1x128xf32>
    %add3A_17 = vector.broadcast %get3A_16 : vector<1x128xf32> to vector<1024x128xf32>
    %add3A_18 = arith.addf %dot_general3A_13, %add3A_17 : vector<1024x128xf32>
    %get3A_19 = arith.constant 0 : index
    %get3A_20 = arith.constant 0 : index
    %get3A_21 = vector.load %arg5[%get3A_19, %get3A_20] : memref<128x128xf32, #tpu.memory_space<vmem>>, vector<128x128xf32>
    %dot_general3A_22 = arith.constant dense<0.000000e+00> : vector<1024x128xf32>
    %dot_general3A_23 = tpu.matmul %add3A_9, %get3A_21, %dot_general3A_22 {dimension_numbers = #tpu.dot_dimension_numbers<[1], [0], [0], [1], [0, 0, 1, 1], [], []>, transpose_lhs_hint = false} : vector<1024x128xf32>, vector<128x128xf32>, vector<1024x128xf32> -> vector<1024x128xf32>
    %get3A_24 = arith.constant 0 : index
    %get3A_25 = arith.constant 0 : index
    %get3A_26 = vector.load %arg8[%get3A_24, %get3A_25] : memref<1x128xf32, #tpu.memory_space<vmem>>, vector<1x128xf32>
    %add3A_27 = vector.broadcast %get3A_26 : vector<1x128xf32> to vector<1024x128xf32>
    %add3A_28 = arith.addf %dot_general3A_23, %add3A_27 : vector<1024x128xf32>
    %get3A_29 = arith.constant 0 : index
    %get3A_30 = arith.constant 0 : index
    %get3A_31 = vector.load %arg6[%get3A_29, %get3A_30] : memref<128x128xf32, #tpu.memory_space<vmem>>, vector<128x128xf32>
    %dot_general3A_32 = arith.constant dense<0.000000e+00> : vector<1024x128xf32>
    %dot_general3A_33 = tpu.matmul %add3A_9, %get3A_31, %dot_general3A_32 {dimension_numbers = #tpu.dot_dimension_numbers<[1], [0], [0], [1], [0, 0, 1, 1], [], []>, transpose_lhs_hint = false} : vector<1024x128xf32>, vector<128x128xf32>, vector<1024x128xf32> -> vector<1024x128xf32>
    %get3A_34 = arith.constant 0 : index
    %get3A_35 = arith.constant 0 : index
    %get3A_36 = vector.load %arg9[%get3A_34, %get3A_35] : memref<1x128xf32, #tpu.memory_space<vmem>>, vector<1x128xf32>
    %add3A_37 = vector.broadcast %get3A_36 : vector<1x128xf32> to vector<1024x128xf32>
    %add3A_38 = arith.addf %dot_general3A_33, %add3A_37 : vector<1024x128xf32>
    %swap3A = arith.constant 0 : index
    %swap3A_39 = arith.constant 0 : index
    %swap3A_40 = vector.load %arg10[%swap3A, %swap3A_39] : memref<1024x128xf32, #tpu.memory_space<vmem>>, vector<1024x128xf32>
    tpu.vector_store %arg10[%swap3A, %swap3A_39], %add3A_18 {strides = array<i32>} : memref<1024x128xf32, #tpu.memory_space<vmem>>, vector<1024x128xf32>,
    %concatenate3A = tpu.concatenate %add3A_28, %add3A_38 in 1 : vector<1024x128xf32>, vector<1024x128xf32> -> vector<1024x256xf32>
    %swap3A_41 = arith.constant 0 : index
    %swap3A_42 = arith.constant 0 : index
    %swap3A_43 = vector.load %arg11[%swap3A_41, %swap3A_42] : memref<1024x256xf32, #tpu.memory_space<vmem>>, vector<1024x256xf32>
    tpu.vector_store %arg11[%swap3A_41, %swap3A_42], %concatenate3A {strides = array<i32>} : memref<1024x256xf32, #tpu.memory_space<vmem>>, vector<1024x256xf32>,
    %reshape3A = vector.shape_cast %add3A_18 : vector<1024x128xf32> to vector<128x8x128xf32>
    %reduce_sum3A = arith.constant dense<0.000000e+00> : vector<8x128xf32>
    %reduce_sum3A_44 = vector.multi_reduction <add>, %reshape3A, %reduce_sum3A [0] : vector<128x8x128xf32> to vector<8x128xf32>
    %mul3A_45 = arith.mulf %add3A_18, %add3A_18 : vector<1024x128xf32>
    %reshape3A_46 = vector.shape_cast %mul3A_45 : vector<1024x128xf32> to vector<128x8x128xf32>
    %reduce_sum3A_47 = arith.constant dense<0.000000e+00> : vector<8x128xf32>
    %reduce_sum3A_48 = vector.multi_reduction <add>, %reshape3A_46, %reduce_sum3A_47 [0] : vector<128x8x128xf32> to vector<8x128xf32>
    %eq3A = arith.constant 0 : i32
    %eq3A_49 = arith.cmpi eq, %arg0, %eq3A : i32
    %convert_element_type3A = arith.extui %eq3A_49 : i1 to i32
    %cond3A = arith.constant 0 : i32
    %cond3A_50 = arith.cmpi ne, %convert_element_type3A, %cond3A : i32
    scf.if %cond3A_50 {
      %swap3A_89 = arith.constant 0 : index
      %swap3A_90 = arith.constant 0 : index
      %swap3A_91 = vector.load %arg12[%swap3A_89, %swap3A_90] : memref<8x128xf32, #tpu.memory_space<vmem>>, vector<8x128xf32>
      tpu.vector_store %arg12[%swap3A_89, %swap3A_90], %reduce_sum3A_44 {strides = array<i32>} : memref<8x128xf32, #tpu.memory_space<vmem>>, vector<8x128xf32>,
      %swap3A_92 = arith.constant 0 : index
      %swap3A_93 = arith.constant 0 : index
      %swap3A_94 = vector.load %arg13[%swap3A_92, %swap3A_93] : memref<8x128xf32, #tpu.memory_space<vmem>>, vector<8x128xf32>
      tpu.vector_store %arg13[%swap3A_92, %swap3A_93], %reduce_sum3A_48 {strides = array<i32>} : memref<8x128xf32, #tpu.memory_space<vmem>>, vector<8x128xf32>,
    } else {
    }
    %gt3A = arith.constant 0 : i32
    %gt3A_51 = arith.cmpi sgt, %arg0, %gt3A : i32
    %convert_element_type3A_52 = arith.extui %gt3A_51 : i1 to i32
    %cond3A_53 = arith.constant 0 : i32
    %cond3A_54 = arith.cmpi ne, %convert_element_type3A_52, %cond3A_53 : i32
    scf.if %cond3A_54 {
      %get3A_89 = arith.constant 0 : index
      %get3A_90 = arith.constant 0 : index
      %get3A_91 = vector.load %arg12[%get3A_89, %get3A_90] : memref<8x128xf32, #tpu.memory_space<vmem>>, vector<8x128xf32>
      %add3A_92 = arith.addf %get3A_91, %reduce_sum3A_44 : vector<8x128xf32>
      %swap3A_93 = arith.constant 0 : index
      %swap3A_94 = arith.constant 0 : index
      %swap3A_95 = vector.load %arg12[%swap3A_93, %swap3A_94] : memref<8x128xf32, #tpu.memory_space<vmem>>, vector<8x128xf32>
      tpu.vector_store %arg12[%swap3A_93, %swap3A_94], %add3A_92 {strides = array<i32>} : memref<8x128xf32, #tpu.memory_space<vmem>>, vector<8x128xf32>,
      %get3A_96 = arith.constant 0 : index
      %get3A_97 = arith.constant 0 : index
      %get3A_98 = vector.load %arg13[%get3A_96, %get3A_97] : memref<8x128xf32, #tpu.memory_space<vmem>>, vector<8x128xf32>
      %add3A_99 = arith.addf %get3A_98, %reduce_sum3A_48 : vector<8x128xf32>
      %swap3A_100 = arith.constant 0 : index
      %swap3A_101 = arith.constant 0 : index
      %swap3A_102 = vector.load %arg13[%swap3A_100, %swap3A_101] : memref<8x128xf32, #tpu.memory_space<vmem>>, vector<8x128xf32>
      tpu.vector_store %arg13[%swap3A_100, %swap3A_101], %add3A_99 {strides = array<i32>} : memref<8x128xf32, #tpu.memory_space<vmem>>, vector<8x128xf32>,
    } else {
    }
    %reshape3A_55 = vector.shape_cast %add3A_28 : vector<1024x128xf32> to vector<128x8x128xf32>
    %reduce_sum3A_56 = arith.constant dense<0.000000e+00> : vector<8x128xf32>
    %reduce_sum3A_57 = vector.multi_reduction <add>, %reshape3A_55, %reduce_sum3A_56 [0] : vector<128x8x128xf32> to vector<8x128xf32>
    %mul3A_58 = arith.mulf %add3A_28, %add3A_28 : vector<1024x128xf32>
    %reshape3A_59 = vector.shape_cast %mul3A_58 : vector<1024x128xf32> to vector<128x8x128xf32>
    %reduce_sum3A_60 = arith.constant dense<0.000000e+00> : vector<8x128xf32>
    %reduce_sum3A_61 = vector.multi_reduction <add>, %reshape3A_59, %reduce_sum3A_60 [0] : vector<128x8x128xf32> to vector<8x128xf32>
    %eq3A_62 = arith.constant 0 : i32
    %eq3A_63 = arith.cmpi eq, %arg0, %eq3A_62 : i32
    %convert_element_type3A_64 = arith.extui %eq3A_63 : i1 to i32
    %cond3A_65 = arith.constant 0 : i32
    %cond3A_66 = arith.cmpi ne, %convert_element_type3A_64, %cond3A_65 : i32
    scf.if %cond3A_66 {
      %swap3A_89 = arith.constant 0 : index
      %swap3A_90 = arith.constant 0 : index
      %swap3A_91 = vector.load %arg14[%swap3A_89, %swap3A_90] : memref<8x128xf32, #tpu.memory_space<vmem>>, vector<8x128xf32>
      tpu.vector_store %arg14[%swap3A_89, %swap3A_90], %reduce_sum3A_57 {strides = array<i32>} : memref<8x128xf32, #tpu.memory_space<vmem>>, vector<8x128xf32>,
      %swap3A_92 = arith.constant 0 : index
      %swap3A_93 = arith.constant 0 : index
      %swap3A_94 = vector.load %arg15[%swap3A_92, %swap3A_93] : memref<8x128xf32, #tpu.memory_space<vmem>>, vector<8x128xf32>
      tpu.vector_store %arg15[%swap3A_92, %swap3A_93], %reduce_sum3A_61 {strides = array<i32>} : memref<8x128xf32, #tpu.memory_space<vmem>>, vector<8x128xf32>,
    } else {
    }
    %gt3A_67 = arith.constant 0 : i32
    %gt3A_68 = arith.cmpi sgt, %arg0, %gt3A_67 : i32
    %convert_element_type3A_69 = arith.extui %gt3A_68 : i1 to i32
    %cond3A_70 = arith.constant 0 : i32
    %cond3A_71 = arith.cmpi ne, %convert_element_type3A_69, %cond3A_70 : i32
    scf.if %cond3A_71 {
      %get3A_89 = arith.constant 0 : index
      %get3A_90 = arith.constant 0 : index
      %get3A_91 = vector.load %arg14[%get3A_89, %get3A_90] : memref<8x128xf32, #tpu.memory_space<vmem>>, vector<8x128xf32>
      %add3A_92 = arith.addf %get3A_91, %reduce_sum3A_57 : vector<8x128xf32>
      %swap3A_93 = arith.constant 0 : index
      %swap3A_94 = arith.constant 0 : index
      %swap3A_95 = vector.load %arg14[%swap3A_93, %swap3A_94] : memref<8x128xf32, #tpu.memory_space<vmem>>, vector<8x128xf32>
      tpu.vector_store %arg14[%swap3A_93, %swap3A_94], %add3A_92 {strides = array<i32>} : memref<8x128xf32, #tpu.memory_space<vmem>>, vector<8x128xf32>,
      %get3A_96 = arith.constant 0 : index
      %get3A_97 = arith.constant 0 : index
      %get3A_98 = vector.load %arg15[%get3A_96, %get3A_97] : memref<8x128xf32, #tpu.memory_space<vmem>>, vector<8x128xf32>
      %add3A_99 = arith.addf %get3A_98, %reduce_sum3A_61 : vector<8x128xf32>
      %swap3A_100 = arith.constant 0 : index
      %swap3A_101 = arith.constant 0 : index
      %swap3A_102 = vector.load %arg15[%swap3A_100, %swap3A_101] : memref<8x128xf32, #tpu.memory_space<vmem>>, vector<8x128xf32>
      tpu.vector_store %arg15[%swap3A_100, %swap3A_101], %add3A_99 {strides = array<i32>} : memref<8x128xf32, #tpu.memory_space<vmem>>, vector<8x128xf32>,
    } else {
    }
    %reshape3A_72 = vector.shape_cast %add3A_38 : vector<1024x128xf32> to vector<128x8x128xf32>
    %reduce_sum3A_73 = arith.constant dense<0.000000e+00> : vector<8x128xf32>
    %reduce_sum3A_74 = vector.multi_reduction <add>, %reshape3A_72, %reduce_sum3A_73 [0] : vector<128x8x128xf32> to vector<8x128xf32>
    %mul3A_75 = arith.mulf %add3A_38, %add3A_38 : vector<1024x128xf32>
    %reshape3A_76 = vector.shape_cast %mul3A_75 : vector<1024x128xf32> to vector<128x8x128xf32>
    %reduce_sum3A_77 = arith.constant dense<0.000000e+00> : vector<8x128xf32>
    %reduce_sum3A_78 = vector.multi_reduction <add>, %reshape3A_76, %reduce_sum3A_77 [0] : vector<128x8x128xf32> to vector<8x128xf32>
    %eq3A_79 = arith.constant 0 : i32
    %eq3A_80 = arith.cmpi eq, %arg0, %eq3A_79 : i32
    %convert_element_type3A_81 = arith.extui %eq3A_80 : i1 to i32
    %cond3A_82 = arith.constant 0 : i32
    %cond3A_83 = arith.cmpi ne, %convert_element_type3A_81, %cond3A_82 : i32
    scf.if %cond3A_83 {
      %swap3A_89 = arith.constant 0 : index
      %swap3A_90 = arith.constant 0 : index
      %swap3A_91 = vector.load %arg16[%swap3A_89, %swap3A_90] : memref<8x128xf32, #tpu.memory_space<vmem>>, vector<8x128xf32>
      tpu.vector_store %arg16[%swap3A_89, %swap3A_90], %reduce_sum3A_74 {strides = array<i32>} : memref<8x128xf32, #tpu.memory_space<vmem>>, vector<8x128xf32>,
      %swap3A_92 = arith.constant 0 : index
      %swap3A_93 = arith.constant 0 : index
      %swap3A_94 = vector.load %arg17[%swap3A_92, %swap3A_93] : memref<8x128xf32, #tpu.memory_space<vmem>>, vector<8x128xf32>
      tpu.vector_store %arg17[%swap3A_92, %swap3A_93], %reduce_sum3A_78 {strides = array<i32>} : memref<8x128xf32, #tpu.memory_space<vmem>>, vector<8x128xf32>,
    } else {
    }
    %gt3A_84 = arith.constant 0 : i32
    %gt3A_85 = arith.cmpi sgt, %arg0, %gt3A_84 : i32
    %convert_element_type3A_86 = arith.extui %gt3A_85 : i1 to i32
    %cond3A_87 = arith.constant 0 : i32
    %cond3A_88 = arith.cmpi ne, %convert_element_type3A_86, %cond3A_87 : i32
    scf.if %cond3A_88 {
      %get3A_89 = arith.constant 0 : index
      %get3A_90 = arith.constant 0 : index
      %get3A_91 = vector.load %arg16[%get3A_89, %get3A_90] : memref<8x128xf32, #tpu.memory_space<vmem>>, vector<8x128xf32>
      %add3A_92 = arith.addf %get3A_91, %reduce_sum3A_74 : vector<8x128xf32>
      %swap3A_93 = arith.constant 0 : index
      %swap3A_94 = arith.constant 0 : index
      %swap3A_95 = vector.load %arg16[%swap3A_93, %swap3A_94] : memref<8x128xf32, #tpu.memory_space<vmem>>, vector<8x128xf32>
      tpu.vector_store %arg16[%swap3A_93, %swap3A_94], %add3A_92 {strides = array<i32>} : memref<8x128xf32, #tpu.memory_space<vmem>>, vector<8x128xf32>,
      %get3A_96 = arith.constant 0 : index
      %get3A_97 = arith.constant 0 : index
      %get3A_98 = vector.load %arg17[%get3A_96, %get3A_97] : memref<8x128xf32, #tpu.memory_space<vmem>>, vector<8x128xf32>
      %add3A_99 = arith.addf %get3A_98, %reduce_sum3A_78 : vector<8x128xf32>
      %swap3A_100 = arith.constant 0 : index
      %swap3A_101 = arith.constant 0 : index
      %swap3A_102 = vector.load %arg17[%swap3A_100, %swap3A_101] : memref<8x128xf32, #tpu.memory_space<vmem>>, vector<8x128xf32>
      tpu.vector_store %arg17[%swap3A_100, %swap3A_101], %add3A_99 {strides = array<i32>} : memref<8x128xf32, #tpu.memory_space<vmem>>, vector<8x128xf32>,
    } else {
    }
    return
  }
  func.func @transform_0(%arg0: i32) -> (i32, i32) {
    %c0_i32 = arith.constant 0 : i32
    %c0_i32_0 = arith.constant 0 : i32
    return %arg0, %c0_i32 : i32, i32
  }
  func.func @transform_1(%arg0: i32) -> (i32, i32) {
    %c0_i32 = arith.constant 0 : i32
    %c0_i32_0 = arith.constant 0 : i32
    %c0_i32_1 = arith.constant 0 : i32
    return %c0_i32, %c0_i32_0 : i32, i32
  }
  func.func @transform_2(%arg0: i32) -> (i32, i32) {
    %c0_i32 = arith.constant 0 : i32
    %c0_i32_0 = arith.constant 0 : i32
    %c0_i32_1 = arith.constant 0 : i32
    return %c0_i32, %c0_i32_0 : i32, i32
  }
  func.func @transform_3(%arg0: i32) -> (i32, i32) {
    %c0_i32 = arith.constant 0 : i32
    %c0_i32_0 = arith.constant 0 : i32
    %c0_i32_1 = arith.constant 0 : i32
    return %c0_i32, %c0_i32_0 : i32, i32
  }
  func.func @transform_4(%arg0: i32) -> (i32, i32) {
    %c0_i32 = arith.constant 0 : i32
    %c0_i32_0 = arith.constant 0 : i32
    %c0_i32_1 = arith.constant 0 : i32
    return %c0_i32, %c0_i32_0 : i32, i32
  }
  func.func @transform_5(%arg0: i32) -> (i32, i32) {
    %c0_i32 = arith.constant 0 : i32
    %c0_i32_0 = arith.constant 0 : i32
    %c0_i32_1 = arith.constant 0 : i32
    return %c0_i32, %c0_i32_0 : i32, i32
  }
  func.func @transform_6(%arg0: i32) -> (i32, i32) {
    %c0_i32 = arith.constant 0 : i32
    %c0_i32_0 = arith.constant 0 : i32
    %c0_i32_1 = arith.constant 0 : i32
    return %c0_i32, %c0_i32_0 : i32, i32
  }
  func.func @transform_7(%arg0: i32) -> (i32, i32) {
    %c0_i32 = arith.constant 0 : i32
    %c0_i32_0 = arith.constant 0 : i32
    %c0_i32_1 = arith.constant 0 : i32
    return %c0_i32, %c0_i32_0 : i32, i32
  }
  func.func @transform_8(%arg0: i32) -> (i32, i32) {
    %c0_i32 = arith.constant 0 : i32
    %c0_i32_0 = arith.constant 0 : i32
    %c0_i32_1 = arith.constant 0 : i32
    return %c0_i32, %c0_i32_0 : i32, i32
  }
  func.func @transform_9(%arg0: i32) -> (i32, i32) {
    %c0_i32 = arith.constant 0 : i32
    %c0_i32_0 = arith.constant 0 : i32
    return %arg0, %c0_i32 : i32, i32
  }
  func.func @transform_10(%arg0: i32) -> (i32, i32) {
    %c0_i32 = arith.constant 0 : i32
    %c0_i32_0 = arith.constant 0 : i32
    return %arg0, %c0_i32 : i32, i32
  }
  func.func @transform_11(%arg0: i32) -> (i32, i32) {
    %c0_i32 = arith.constant 0 : i32
    %c0_i32_0 = arith.constant 0 : i32
    %c0_i32_1 = arith.constant 0 : i32
    return %c0_i32, %c0_i32_0 : i32, i32
  }
  func.func @transform_12(%arg0: i32) -> (i32, i32) {
    %c0_i32 = arith.constant 0 : i32
    %c0_i32_0 = arith.constant 0 : i32
    %c0_i32_1 = arith.constant 0 : i32
    return %c0_i32, %c0_i32_0 : i32, i32
  }
  func.func @transform_13(%arg0: i32) -> (i32, i32) {
    %c0_i32 = arith.constant 0 : i32
    %c0_i32_0 = arith.constant 0 : i32
    %c0_i32_1 = arith.constant 0 : i32
    return %c0_i32, %c0_i32_0 : i32, i32
  }
  func.func @transform_14(%arg0: i32) -> (i32, i32) {
    %c0_i32 = arith.constant 0 : i32
    %c0_i32_0 = arith.constant 0 : i32
    %c0_i32_1 = arith.constant 0 : i32
    return %c0_i32, %c0_i32_0 : i32, i32
  }
  func.func @transform_15(%arg0: i32) -> (i32, i32) {
    %c0_i32 = arith.constant 0 : i32
    %c0_i32_0 = arith.constant 0 : i32
    %c0_i32_1 = arith.constant 0 : i32
    return %c0_i32, %c0_i32_0 : i32, i32
  }
  func.func @transform_16(%arg0: i32) -> (i32, i32) {
    %c0_i32 = arith.constant 0 : i32
    %c0_i32_0 = arith.constant 0 : i32
    %c0_i32_1 = arith.constant 0 : i32
    return %c0_i32, %c0_i32_0 : i32, i32
  }
}

module attributes {stable_mosaic.version = 14 : i64} {
  func.func @_b1_body(%arg0: i32, %arg1: memref<16x512x128xf32, #tpu.memory_space<vmem>>, %arg2: memref<512x128xf32, #tpu.memory_space<vmem>>, %arg3: memref<1x128xf32, #tpu.memory_space<vmem>>, %arg4: memref<8x128xf32, #tpu.memory_space<vmem>>, %arg5: memref<8x128xf32, #tpu.memory_space<vmem>>) attributes {dimension_semantics = [#tpu.dimension_semantics<arbitrary>], iteration_bounds = array<i64: 16>, scalar_prefetch = 0 : i64, scratch_operands = 0 : i64, tpu.core_type = #tpu.core_type<tc>, window_params = [{transform_indices = @transform_0, window_bounds = array<i64: 16, 512, 128>}, {transform_indices = @transform_1, window_bounds = array<i64: 512, 128>}, {pipeline_mode = #tpu.pipeline_mode<synchronous>, transform_indices = @transform_2, window_bounds = array<i64: 1, 128>}, {pipeline_mode = #tpu.pipeline_mode<synchronous>, transform_indices = @transform_3, window_bounds = array<i64: 8, 128>}, {pipeline_mode = #tpu.pipeline_mode<synchronous>, transform_indices = @transform_4, window_bounds = array<i64: 8, 128>}]} {
    %get3A = arith.constant 0 : index
    %get3A_0 = arith.constant 0 : index
    %get3A_1 = arith.constant 0 : index
    %get3A_2 = vector.load %arg1[%get3A, %get3A_0, %get3A_1] : memref<16x512x128xf32, #tpu.memory_space<vmem>>, vector<16x512x128xf32>
    %get3A_3 = arith.constant 0 : index
    %get3A_4 = arith.constant 0 : index
    %get3A_5 = vector.load %arg2[%get3A_3, %get3A_4] : memref<512x128xf32, #tpu.memory_space<vmem>>, vector<512x128xf32>
    %broadcast_in_dim3A = vector.shape_cast %get3A_5 : vector<512x128xf32> to vector<1x512x128xf32>
    %sub3A = vector.broadcast %broadcast_in_dim3A : vector<1x512x128xf32> to vector<16x512x128xf32>
    %sub3A_6 = arith.subf %sub3A, %get3A_2 : vector<16x512x128xf32>
    %get3A_7 = arith.constant 0 : index
    %get3A_8 = arith.constant 0 : index
    %get3A_9 = vector.load %arg3[%get3A_7, %get3A_8] : memref<1x128xf32, #tpu.memory_space<vmem>>, vector<1x128xf32>
    %broadcast_in_dim3A_10 = vector.shape_cast %get3A_9 : vector<1x128xf32> to vector<1x1x128xf32>
    %add3A = vector.broadcast %broadcast_in_dim3A_10 : vector<1x1x128xf32> to vector<16x512x128xf32>
    %add3A_11 = arith.addf %sub3A_6, %add3A : vector<16x512x128xf32>
    %reshape3A = vector.shape_cast %add3A_11 : vector<16x512x128xf32> to vector<8192x128xf32>
    %reshape3A_12 = vector.shape_cast %reshape3A : vector<8192x128xf32> to vector<1024x8x128xf32>
    %reduce_sum3A = arith.constant dense<0.000000e+00> : vector<8x128xf32>
    %reduce_sum3A_13 = vector.multi_reduction <add>, %reshape3A_12, %reduce_sum3A [0] : vector<1024x8x128xf32> to vector<8x128xf32>
    %mul3A = arith.mulf %reshape3A, %reshape3A : vector<8192x128xf32>
    %reshape3A_14 = vector.shape_cast %mul3A : vector<8192x128xf32> to vector<1024x8x128xf32>
    %reduce_sum3A_15 = arith.constant dense<0.000000e+00> : vector<8x128xf32>
    %reduce_sum3A_16 = vector.multi_reduction <add>, %reshape3A_14, %reduce_sum3A_15 [0] : vector<1024x8x128xf32> to vector<8x128xf32>
    %eq3A = arith.constant 0 : i32
    %eq3A_17 = arith.cmpi eq, %arg0, %eq3A : i32
    %convert_element_type3A = arith.extui %eq3A_17 : i1 to i32
    %cond3A = arith.constant 0 : i32
    %cond3A_18 = arith.cmpi ne, %convert_element_type3A, %cond3A : i32
    scf.if %cond3A_18 {
      %swap3A = arith.constant 0 : index
      %swap3A_23 = arith.constant 0 : index
      %swap3A_24 = vector.load %arg4[%swap3A, %swap3A_23] : memref<8x128xf32, #tpu.memory_space<vmem>>, vector<8x128xf32>
      tpu.vector_store %arg4[%swap3A, %swap3A_23], %reduce_sum3A_13 {strides = array<i32>} : memref<8x128xf32, #tpu.memory_space<vmem>>, vector<8x128xf32>,
      %swap3A_25 = arith.constant 0 : index
      %swap3A_26 = arith.constant 0 : index
      %swap3A_27 = vector.load %arg5[%swap3A_25, %swap3A_26] : memref<8x128xf32, #tpu.memory_space<vmem>>, vector<8x128xf32>
      tpu.vector_store %arg5[%swap3A_25, %swap3A_26], %reduce_sum3A_16 {strides = array<i32>} : memref<8x128xf32, #tpu.memory_space<vmem>>, vector<8x128xf32>,
    } else {
    }
    %gt3A = arith.constant 0 : i32
    %gt3A_19 = arith.cmpi sgt, %arg0, %gt3A : i32
    %convert_element_type3A_20 = arith.extui %gt3A_19 : i1 to i32
    %cond3A_21 = arith.constant 0 : i32
    %cond3A_22 = arith.cmpi ne, %convert_element_type3A_20, %cond3A_21 : i32
    scf.if %cond3A_22 {
      %get3A_23 = arith.constant 0 : index
      %get3A_24 = arith.constant 0 : index
      %get3A_25 = vector.load %arg4[%get3A_23, %get3A_24] : memref<8x128xf32, #tpu.memory_space<vmem>>, vector<8x128xf32>
      %add3A_26 = arith.addf %get3A_25, %reduce_sum3A_13 : vector<8x128xf32>
      %swap3A = arith.constant 0 : index
      %swap3A_27 = arith.constant 0 : index
      %swap3A_28 = vector.load %arg4[%swap3A, %swap3A_27] : memref<8x128xf32, #tpu.memory_space<vmem>>, vector<8x128xf32>
      tpu.vector_store %arg4[%swap3A, %swap3A_27], %add3A_26 {strides = array<i32>} : memref<8x128xf32, #tpu.memory_space<vmem>>, vector<8x128xf32>,
      %get3A_29 = arith.constant 0 : index
      %get3A_30 = arith.constant 0 : index
      %get3A_31 = vector.load %arg5[%get3A_29, %get3A_30] : memref<8x128xf32, #tpu.memory_space<vmem>>, vector<8x128xf32>
      %add3A_32 = arith.addf %get3A_31, %reduce_sum3A_16 : vector<8x128xf32>
      %swap3A_33 = arith.constant 0 : index
      %swap3A_34 = arith.constant 0 : index
      %swap3A_35 = vector.load %arg5[%swap3A_33, %swap3A_34] : memref<8x128xf32, #tpu.memory_space<vmem>>, vector<8x128xf32>
      tpu.vector_store %arg5[%swap3A_33, %swap3A_34], %add3A_32 {strides = array<i32>} : memref<8x128xf32, #tpu.memory_space<vmem>>, vector<8x128xf32>,
    } else {
    }
    return
  }
  func.func @transform_0(%arg0: i32) -> (i32, i32, i32) {
    %c0_i32 = arith.constant 0 : i32
    %c0_i32_0 = arith.constant 0 : i32
    %c0_i32_1 = arith.constant 0 : i32
    return %c0_i32, %arg0, %c0_i32_0 : i32, i32, i32
  }
  func.func @transform_1(%arg0: i32) -> (i32, i32) {
    %c0_i32 = arith.constant 0 : i32
    %c0_i32_0 = arith.constant 0 : i32
    return %arg0, %c0_i32 : i32, i32
  }
  func.func @transform_2(%arg0: i32) -> (i32, i32) {
    %c0_i32 = arith.constant 0 : i32
    %c0_i32_0 = arith.constant 0 : i32
    %c0_i32_1 = arith.constant 0 : i32
    return %c0_i32, %c0_i32_0 : i32, i32
  }
  func.func @transform_3(%arg0: i32) -> (i32, i32) {
    %c0_i32 = arith.constant 0 : i32
    %c0_i32_0 = arith.constant 0 : i32
    %c0_i32_1 = arith.constant 0 : i32
    return %c0_i32, %c0_i32_0 : i32, i32
  }
  func.func @transform_4(%arg0: i32) -> (i32, i32) {
    %c0_i32 = arith.constant 0 : i32
    %c0_i32_0 = arith.constant 0 : i32
    %c0_i32_1 = arith.constant 0 : i32
    return %c0_i32, %c0_i32_0 : i32, i32
  }
}

module attributes {stable_mosaic.version = 14 : i64} {
  func.func @_b2_body(%arg0: i32, %arg1: memref<16x512x128xf32, #tpu.memory_space<vmem>>, %arg2: memref<512x128xf32, #tpu.memory_space<vmem>>, %arg3: memref<1x128xf32, #tpu.memory_space<vmem>>, %arg4: memref<1x128xf32, #tpu.memory_space<vmem>>, %arg5: memref<1x128xf32, #tpu.memory_space<vmem>>, %arg6: memref<128x128xf32, #tpu.memory_space<vmem>>, %arg7: memref<1x128xf32, #tpu.memory_space<vmem>>, %arg8: memref<16x512x128xbf16, #tpu.memory_space<vmem>>, %arg9: memref<8x128xf32, #tpu.memory_space<vmem>>, %arg10: memref<8x128xf32, #tpu.memory_space<vmem>>) attributes {dimension_semantics = [#tpu.dimension_semantics<arbitrary>], iteration_bounds = array<i64: 16>, scalar_prefetch = 0 : i64, scratch_operands = 0 : i64, tpu.core_type = #tpu.core_type<tc>, window_params = [{transform_indices = @transform_0, window_bounds = array<i64: 16, 512, 128>}, {transform_indices = @transform_1, window_bounds = array<i64: 512, 128>}, {pipeline_mode = #tpu.pipeline_mode<synchronous>, transform_indices = @transform_2, window_bounds = array<i64: 1, 128>}, {pipeline_mode = #tpu.pipeline_mode<synchronous>, transform_indices = @transform_3, window_bounds = array<i64: 1, 128>}, {pipeline_mode = #tpu.pipeline_mode<synchronous>, transform_indices = @transform_4, window_bounds = array<i64: 1, 128>}, {pipeline_mode = #tpu.pipeline_mode<synchronous>, transform_indices = @transform_5, window_bounds = array<i64: 128, 128>}, {pipeline_mode = #tpu.pipeline_mode<synchronous>, transform_indices = @transform_6, window_bounds = array<i64: 1, 128>}, {transform_indices = @transform_7, window_bounds = array<i64: 16, 512, 128>}, {pipeline_mode = #tpu.pipeline_mode<synchronous>, transform_indices = @transform_8, window_bounds = array<i64: 8, 128>}, {pipeline_mode = #tpu.pipeline_mode<synchronous>, transform_indices = @transform_9, window_bounds = array<i64: 8, 128>}]} {
    %get3A = arith.constant 0 : index
    %get3A_0 = arith.constant 0 : index
    %get3A_1 = arith.constant 0 : index
    %get3A_2 = vector.load %arg1[%get3A, %get3A_0, %get3A_1] : memref<16x512x128xf32, #tpu.memory_space<vmem>>, vector<16x512x128xf32>
    %get3A_3 = arith.constant 0 : index
    %get3A_4 = arith.constant 0 : index
    %get3A_5 = vector.load %arg2[%get3A_3, %get3A_4] : memref<512x128xf32, #tpu.memory_space<vmem>>, vector<512x128xf32>
    %broadcast_in_dim3A = vector.shape_cast %get3A_5 : vector<512x128xf32> to vector<1x512x128xf32>
    %sub3A = vector.broadcast %broadcast_in_dim3A : vector<1x512x128xf32> to vector<16x512x128xf32>
    %sub3A_6 = arith.subf %sub3A, %get3A_2 : vector<16x512x128xf32>
    %get3A_7 = arith.constant 0 : index
    %get3A_8 = arith.constant 0 : index
    %get3A_9 = vector.load %arg3[%get3A_7, %get3A_8] : memref<1x128xf32, #tpu.memory_space<vmem>>, vector<1x128xf32>
    %broadcast_in_dim3A_10 = vector.shape_cast %get3A_9 : vector<1x128xf32> to vector<1x1x128xf32>
    %add3A = vector.broadcast %broadcast_in_dim3A_10 : vector<1x1x128xf32> to vector<16x512x128xf32>
    %add3A_11 = arith.addf %sub3A_6, %add3A : vector<16x512x128xf32>
    %reshape3A = vector.shape_cast %add3A_11 : vector<16x512x128xf32> to vector<8192x128xf32>
    %get3A_12 = arith.constant 0 : index
    %get3A_13 = arith.constant 0 : index
    %get3A_14 = vector.load %arg4[%get3A_12, %get3A_13] : memref<1x128xf32, #tpu.memory_space<vmem>>, vector<1x128xf32>
    %mul3A = vector.broadcast %get3A_14 : vector<1x128xf32> to vector<8192x128xf32>
    %mul3A_15 = arith.mulf %reshape3A, %mul3A : vector<8192x128xf32>
    %get3A_16 = arith.constant 0 : index
    %get3A_17 = arith.constant 0 : index
    %get3A_18 = vector.load %arg5[%get3A_16, %get3A_17] : memref<1x128xf32, #tpu.memory_space<vmem>>, vector<1x128xf32>
    %add3A_19 = vector.broadcast %get3A_18 : vector<1x128xf32> to vector<8192x128xf32>
    %add3A_20 = arith.addf %mul3A_15, %add3A_19 : vector<8192x128xf32>
    %max3A = arith.constant 0.000000e+00 : f32
    %max3A_21 = vector.broadcast %max3A : f32 to vector<8192x128xf32>
    %max3A_22 = arith.maximumf %add3A_20, %max3A_21 : vector<8192x128xf32>
    %get3A_23 = arith.constant 0 : index
    %get3A_24 = arith.constant 0 : index
    %get3A_25 = vector.load %arg6[%get3A_23, %get3A_24] : memref<128x128xf32, #tpu.memory_space<vmem>>, vector<128x128xf32>
    %dot_general3A = arith.constant dense<0.000000e+00> : vector<8192x128xf32>
    %dot_general3A_26 = tpu.matmul %max3A_22, %get3A_25, %dot_general3A {dimension_numbers = #tpu.dot_dimension_numbers<[1], [0], [0], [1], [0, 0, 1, 1], [], []>, transpose_lhs_hint = false} : vector<8192x128xf32>, vector<128x128xf32>, vector<8192x128xf32> -> vector<8192x128xf32>
    %get3A_27 = arith.constant 0 : index
    %get3A_28 = arith.constant 0 : index
    %get3A_29 = vector.load %arg7[%get3A_27, %get3A_28] : memref<1x128xf32, #tpu.memory_space<vmem>>, vector<1x128xf32>
    %add3A_30 = vector.broadcast %get3A_29 : vector<1x128xf32> to vector<8192x128xf32>
    %add3A_31 = arith.addf %dot_general3A_26, %add3A_30 : vector<8192x128xf32>
    %convert_element_type3A = arith.truncf %add3A_31 : vector<8192x128xf32> to vector<8192x128xbf16>
    %reshape3A_32 = vector.shape_cast %convert_element_type3A : vector<8192x128xbf16> to vector<16x512x128xbf16>
    %swap3A = arith.constant 0 : index
    %swap3A_33 = arith.constant 0 : index
    %swap3A_34 = arith.constant 0 : index
    %swap3A_35 = vector.load %arg8[%swap3A, %swap3A_33, %swap3A_34] : memref<16x512x128xbf16, #tpu.memory_space<vmem>>, vector<16x512x128xbf16>
    tpu.vector_store %arg8[%swap3A, %swap3A_33, %swap3A_34], %reshape3A_32 {strides = array<i32>} : memref<16x512x128xbf16, #tpu.memory_space<vmem>>, vector<16x512x128xbf16>,
    %reshape3A_36 = vector.shape_cast %add3A_31 : vector<8192x128xf32> to vector<1024x8x128xf32>
    %reduce_sum3A = arith.constant dense<0.000000e+00> : vector<8x128xf32>
    %reduce_sum3A_37 = vector.multi_reduction <add>, %reshape3A_36, %reduce_sum3A [0] : vector<1024x8x128xf32> to vector<8x128xf32>
    %mul3A_38 = arith.mulf %add3A_31, %add3A_31 : vector<8192x128xf32>
    %reshape3A_39 = vector.shape_cast %mul3A_38 : vector<8192x128xf32> to vector<1024x8x128xf32>
    %reduce_sum3A_40 = arith.constant dense<0.000000e+00> : vector<8x128xf32>
    %reduce_sum3A_41 = vector.multi_reduction <add>, %reshape3A_39, %reduce_sum3A_40 [0] : vector<1024x8x128xf32> to vector<8x128xf32>
    %eq3A = arith.constant 0 : i32
    %eq3A_42 = arith.cmpi eq, %arg0, %eq3A : i32
    %convert_element_type3A_43 = arith.extui %eq3A_42 : i1 to i32
    %cond3A = arith.constant 0 : i32
    %cond3A_44 = arith.cmpi ne, %convert_element_type3A_43, %cond3A : i32
    scf.if %cond3A_44 {
      %swap3A_49 = arith.constant 0 : index
      %swap3A_50 = arith.constant 0 : index
      %swap3A_51 = vector.load %arg9[%swap3A_49, %swap3A_50] : memref<8x128xf32, #tpu.memory_space<vmem>>, vector<8x128xf32>
      tpu.vector_store %arg9[%swap3A_49, %swap3A_50], %reduce_sum3A_37 {strides = array<i32>} : memref<8x128xf32, #tpu.memory_space<vmem>>, vector<8x128xf32>,
      %swap3A_52 = arith.constant 0 : index
      %swap3A_53 = arith.constant 0 : index
      %swap3A_54 = vector.load %arg10[%swap3A_52, %swap3A_53] : memref<8x128xf32, #tpu.memory_space<vmem>>, vector<8x128xf32>
      tpu.vector_store %arg10[%swap3A_52, %swap3A_53], %reduce_sum3A_41 {strides = array<i32>} : memref<8x128xf32, #tpu.memory_space<vmem>>, vector<8x128xf32>,
    } else {
    }
    %gt3A = arith.constant 0 : i32
    %gt3A_45 = arith.cmpi sgt, %arg0, %gt3A : i32
    %convert_element_type3A_46 = arith.extui %gt3A_45 : i1 to i32
    %cond3A_47 = arith.constant 0 : i32
    %cond3A_48 = arith.cmpi ne, %convert_element_type3A_46, %cond3A_47 : i32
    scf.if %cond3A_48 {
      %get3A_49 = arith.constant 0 : index
      %get3A_50 = arith.constant 0 : index
      %get3A_51 = vector.load %arg9[%get3A_49, %get3A_50] : memref<8x128xf32, #tpu.memory_space<vmem>>, vector<8x128xf32>
      %add3A_52 = arith.addf %get3A_51, %reduce_sum3A_37 : vector<8x128xf32>
      %swap3A_53 = arith.constant 0 : index
      %swap3A_54 = arith.constant 0 : index
      %swap3A_55 = vector.load %arg9[%swap3A_53, %swap3A_54] : memref<8x128xf32, #tpu.memory_space<vmem>>, vector<8x128xf32>
      tpu.vector_store %arg9[%swap3A_53, %swap3A_54], %add3A_52 {strides = array<i32>} : memref<8x128xf32, #tpu.memory_space<vmem>>, vector<8x128xf32>,
      %get3A_56 = arith.constant 0 : index
      %get3A_57 = arith.constant 0 : index
      %get3A_58 = vector.load %arg10[%get3A_56, %get3A_57] : memref<8x128xf32, #tpu.memory_space<vmem>>, vector<8x128xf32>
      %add3A_59 = arith.addf %get3A_58, %reduce_sum3A_41 : vector<8x128xf32>
      %swap3A_60 = arith.constant 0 : index
      %swap3A_61 = arith.constant 0 : index
      %swap3A_62 = vector.load %arg10[%swap3A_60, %swap3A_61] : memref<8x128xf32, #tpu.memory_space<vmem>>, vector<8x128xf32>
      tpu.vector_store %arg10[%swap3A_60, %swap3A_61], %add3A_59 {strides = array<i32>} : memref<8x128xf32, #tpu.memory_space<vmem>>, vector<8x128xf32>,
    } else {
    }
    return
  }
  func.func @transform_0(%arg0: i32) -> (i32, i32, i32) {
    %c0_i32 = arith.constant 0 : i32
    %c0_i32_0 = arith.constant 0 : i32
    %c0_i32_1 = arith.constant 0 : i32
    return %c0_i32, %arg0, %c0_i32_0 : i32, i32, i32
  }
  func.func @transform_1(%arg0: i32) -> (i32, i32) {
    %c0_i32 = arith.constant 0 : i32
    %c0_i32_0 = arith.constant 0 : i32
    return %arg0, %c0_i32 : i32, i32
  }
  func.func @transform_2(%arg0: i32) -> (i32, i32) {
    %c0_i32 = arith.constant 0 : i32
    %c0_i32_0 = arith.constant 0 : i32
    %c0_i32_1 = arith.constant 0 : i32
    return %c0_i32, %c0_i32_0 : i32, i32
  }
  func.func @transform_3(%arg0: i32) -> (i32, i32) {
    %c0_i32 = arith.constant 0 : i32
    %c0_i32_0 = arith.constant 0 : i32
    %c0_i32_1 = arith.constant 0 : i32
    return %c0_i32, %c0_i32_0 : i32, i32
  }
  func.func @transform_4(%arg0: i32) -> (i32, i32) {
    %c0_i32 = arith.constant 0 : i32
    %c0_i32_0 = arith.constant 0 : i32
    %c0_i32_1 = arith.constant 0 : i32
    return %c0_i32, %c0_i32_0 : i32, i32
  }
  func.func @transform_5(%arg0: i32) -> (i32, i32) {
    %c0_i32 = arith.constant 0 : i32
    %c0_i32_0 = arith.constant 0 : i32
    %c0_i32_1 = arith.constant 0 : i32
    return %c0_i32, %c0_i32_0 : i32, i32
  }
  func.func @transform_6(%arg0: i32) -> (i32, i32) {
    %c0_i32 = arith.constant 0 : i32
    %c0_i32_0 = arith.constant 0 : i32
    %c0_i32_1 = arith.constant 0 : i32
    return %c0_i32, %c0_i32_0 : i32, i32
  }
  func.func @transform_7(%arg0: i32) -> (i32, i32, i32) {
    %c0_i32 = arith.constant 0 : i32
    %c0_i32_0 = arith.constant 0 : i32
    %c0_i32_1 = arith.constant 0 : i32
    return %c0_i32, %arg0, %c0_i32_0 : i32, i32, i32
  }
  func.func @transform_8(%arg0: i32) -> (i32, i32) {
    %c0_i32 = arith.constant 0 : i32
    %c0_i32_0 = arith.constant 0 : i32
    %c0_i32_1 = arith.constant 0 : i32
    return %c0_i32, %c0_i32_0 : i32, i32
  }
  func.func @transform_9(%arg0: i32) -> (i32, i32) {
    %c0_i32 = arith.constant 0 : i32
    %c0_i32_0 = arith.constant 0 : i32
    %c0_i32_1 = arith.constant 0 : i32
    return %c0_i32, %c0_i32_0 : i32, i32
  }
}

module attributes {stable_mosaic.version = 14 : i64} {
  func.func @_b3_body(%arg0: i32, %arg1: memref<16x512x128xbf16, #tpu.memory_space<vmem>>, %arg2: memref<16x512x128xf32, #tpu.memory_space<vmem>>, %arg3: memref<512x128xf32, #tpu.memory_space<vmem>>, %arg4: memref<1x128xf32, #tpu.memory_space<vmem>>, %arg5: memref<1x128xf32, #tpu.memory_space<vmem>>, %arg6: memref<1x128xf32, #tpu.memory_space<vmem>>, %arg7: memref<1x128xf32, #tpu.memory_space<vmem>>, %arg8: memref<1x128xf32, #tpu.memory_space<vmem>>, %arg9: memref<1x128xf32, #tpu.memory_space<vmem>>, %arg10: memref<128x128xf32, #tpu.memory_space<vmem>>, %arg11: memref<1x128xf32, #tpu.memory_space<vmem>>, %arg12: memref<16x512x128xbf16, #tpu.memory_space<vmem>>, %arg13: memref<8x128xf32, #tpu.memory_space<vmem>>, %arg14: memref<8x128xf32, #tpu.memory_space<vmem>>) attributes {dimension_semantics = [#tpu.dimension_semantics<arbitrary>], iteration_bounds = array<i64: 16>, scalar_prefetch = 0 : i64, scratch_operands = 0 : i64, tpu.core_type = #tpu.core_type<tc>, window_params = [{transform_indices = @transform_0, window_bounds = array<i64: 16, 512, 128>}, {transform_indices = @transform_1, window_bounds = array<i64: 16, 512, 128>}, {transform_indices = @transform_2, window_bounds = array<i64: 512, 128>}, {pipeline_mode = #tpu.pipeline_mode<synchronous>, transform_indices = @transform_3, window_bounds = array<i64: 1, 128>}, {pipeline_mode = #tpu.pipeline_mode<synchronous>, transform_indices = @transform_4, window_bounds = array<i64: 1, 128>}, {pipeline_mode = #tpu.pipeline_mode<synchronous>, transform_indices = @transform_5, window_bounds = array<i64: 1, 128>}, {pipeline_mode = #tpu.pipeline_mode<synchronous>, transform_indices = @transform_6, window_bounds = array<i64: 1, 128>}, {pipeline_mode = #tpu.pipeline_mode<synchronous>, transform_indices = @transform_7, window_bounds = array<i64: 1, 128>}, {pipeline_mode = #tpu.pipeline_mode<synchronous>, transform_indices = @transform_8, window_bounds = array<i64: 1, 128>}, {pipeline_mode = #tpu.pipeline_mode<synchronous>, transform_indices = @transform_9, window_bounds = array<i64: 128, 128>}, {pipeline_mode = #tpu.pipeline_mode<synchronous>, transform_indices = @transform_10, window_bounds = array<i64: 1, 128>}, {transform_indices = @transform_11, window_bounds = array<i64: 16, 512, 128>}, {pipeline_mode = #tpu.pipeline_mode<synchronous>, transform_indices = @transform_12, window_bounds = array<i64: 8, 128>}, {pipeline_mode = #tpu.pipeline_mode<synchronous>, transform_indices = @transform_13, window_bounds = array<i64: 8, 128>}]} {
    %get3A = arith.constant 0 : index
    %get3A_0 = arith.constant 0 : index
    %get3A_1 = arith.constant 0 : index
    %get3A_2 = vector.load %arg1[%get3A, %get3A_0, %get3A_1] : memref<16x512x128xbf16, #tpu.memory_space<vmem>>, vector<16x512x128xbf16>
    %convert_element_type3A = arith.extf %get3A_2 : vector<16x512x128xbf16> to vector<16x512x128xf32>
    %get3A_3 = arith.constant 0 : index
    %get3A_4 = arith.constant 0 : index
    %get3A_5 = vector.load %arg4[%get3A_3, %get3A_4] : memref<1x128xf32, #tpu.memory_space<vmem>>, vector<1x128xf32>
    %broadcast_in_dim3A = vector.shape_cast %get3A_5 : vector<1x128xf32> to vector<1x1x128xf32>
    %mul3A = vector.broadcast %broadcast_in_dim3A : vector<1x1x128xf32> to vector<16x512x128xf32>
    %mul3A_6 = arith.mulf %convert_element_type3A, %mul3A : vector<16x512x128xf32>
    %get3A_7 = arith.constant 0 : index
    %get3A_8 = arith.constant 0 : index
    %get3A_9 = vector.load %arg5[%get3A_7, %get3A_8] : memref<1x128xf32, #tpu.memory_space<vmem>>, vector<1x128xf32>
    %broadcast_in_dim3A_10 = vector.shape_cast %get3A_9 : vector<1x128xf32> to vector<1x1x128xf32>
    %add3A = vector.broadcast %broadcast_in_dim3A_10 : vector<1x1x128xf32> to vector<16x512x128xf32>
    %add3A_11 = arith.addf %mul3A_6, %add3A : vector<16x512x128xf32>
    %get3A_12 = arith.constant 0 : index
    %get3A_13 = arith.constant 0 : index
    %get3A_14 = vector.load %arg3[%get3A_12, %get3A_13] : memref<512x128xf32, #tpu.memory_space<vmem>>, vector<512x128xf32>
    %get3A_15 = arith.constant 0 : index
    %get3A_16 = arith.constant 0 : index
    %get3A_17 = vector.load %arg6[%get3A_15, %get3A_16] : memref<1x128xf32, #tpu.memory_space<vmem>>, vector<1x128xf32>
    %mul3A_18 = vector.broadcast %get3A_17 : vector<1x128xf32> to vector<512x128xf32>
    %mul3A_19 = arith.mulf %get3A_14, %mul3A_18 : vector<512x128xf32>
    %get3A_20 = arith.constant 0 : index
    %get3A_21 = arith.constant 0 : index
    %get3A_22 = vector.load %arg7[%get3A_20, %get3A_21] : memref<1x128xf32, #tpu.memory_space<vmem>>, vector<1x128xf32>
    %add3A_23 = vector.broadcast %get3A_22 : vector<1x128xf32> to vector<512x128xf32>
    %add3A_24 = arith.addf %mul3A_19, %add3A_23 : vector<512x128xf32>
    %get3A_25 = arith.constant 0 : index
    %get3A_26 = arith.constant 0 : index
    %get3A_27 = arith.constant 0 : index
    %get3A_28 = vector.load %arg2[%get3A_25, %get3A_26, %get3A_27] : memref<16x512x128xf32, #tpu.memory_space<vmem>>, vector<16x512x128xf32>
    %get3A_29 = arith.constant 0 : index
    %get3A_30 = arith.constant 0 : index
    %get3A_31 = vector.load %arg8[%get3A_29, %get3A_30] : memref<1x128xf32, #tpu.memory_space<vmem>>, vector<1x128xf32>
    %broadcast_in_dim3A_32 = vector.shape_cast %get3A_31 : vector<1x128xf32> to vector<1x1x128xf32>
    %mul3A_33 = vector.broadcast %broadcast_in_dim3A_32 : vector<1x1x128xf32> to vector<16x512x128xf32>
    %mul3A_34 = arith.mulf %get3A_28, %mul3A_33 : vector<16x512x128xf32>
    %get3A_35 = arith.constant 0 : index
    %get3A_36 = arith.constant 0 : index
    %get3A_37 = vector.load %arg9[%get3A_35, %get3A_36] : memref<1x128xf32, #tpu.memory_space<vmem>>, vector<1x128xf32>
    %broadcast_in_dim3A_38 = vector.shape_cast %get3A_37 : vector<1x128xf32> to vector<1x1x128xf32>
    %add3A_39 = vector.broadcast %broadcast_in_dim3A_38 : vector<1x1x128xf32> to vector<16x512x128xf32>
    %add3A_40 = arith.addf %mul3A_34, %add3A_39 : vector<16x512x128xf32>
    %broadcast_in_dim3A_41 = vector.shape_cast %add3A_24 : vector<512x128xf32> to vector<1x512x128xf32>
    %sub3A = vector.broadcast %broadcast_in_dim3A_41 : vector<1x512x128xf32> to vector<16x512x128xf32>
    %sub3A_42 = arith.subf %sub3A, %add3A_40 : vector<16x512x128xf32>
    %add3A_43 = arith.addf %sub3A_42, %add3A_11 : vector<16x512x128xf32>
    %reshape3A = vector.shape_cast %add3A_43 : vector<16x512x128xf32> to vector<8192x128xf32>
    %get3A_44 = arith.constant 0 : index
    %get3A_45 = arith.constant 0 : index
    %get3A_46 = vector.load %arg10[%get3A_44, %get3A_45] : memref<128x128xf32, #tpu.memory_space<vmem>>, vector<128x128xf32>
    %dot_general3A = arith.constant dense<0.000000e+00> : vector<8192x128xf32>
    %dot_general3A_47 = tpu.matmul %reshape3A, %get3A_46, %dot_general3A {dimension_numbers = #tpu.dot_dimension_numbers<[1], [0], [0], [1], [0, 0, 1, 1], [], []>, transpose_lhs_hint = false} : vector<8192x128xf32>, vector<128x128xf32>, vector<8192x128xf32> -> vector<8192x128xf32>
    %get3A_48 = arith.constant 0 : index
    %get3A_49 = arith.constant 0 : index
    %get3A_50 = vector.load %arg11[%get3A_48, %get3A_49] : memref<1x128xf32, #tpu.memory_space<vmem>>, vector<1x128xf32>
    %add3A_51 = vector.broadcast %get3A_50 : vector<1x128xf32> to vector<8192x128xf32>
    %add3A_52 = arith.addf %dot_general3A_47, %add3A_51 : vector<8192x128xf32>
    %convert_element_type3A_53 = arith.truncf %add3A_52 : vector<8192x128xf32> to vector<8192x128xbf16>
    %reshape3A_54 = vector.shape_cast %convert_element_type3A_53 : vector<8192x128xbf16> to vector<16x512x128xbf16>
    %swap3A = arith.constant 0 : index
    %swap3A_55 = arith.constant 0 : index
    %swap3A_56 = arith.constant 0 : index
    %swap3A_57 = vector.load %arg12[%swap3A, %swap3A_55, %swap3A_56] : memref<16x512x128xbf16, #tpu.memory_space<vmem>>, vector<16x512x128xbf16>
    tpu.vector_store %arg12[%swap3A, %swap3A_55, %swap3A_56], %reshape3A_54 {strides = array<i32>} : memref<16x512x128xbf16, #tpu.memory_space<vmem>>, vector<16x512x128xbf16>,
    %reshape3A_58 = vector.shape_cast %add3A_52 : vector<8192x128xf32> to vector<1024x8x128xf32>
    %reduce_sum3A = arith.constant dense<0.000000e+00> : vector<8x128xf32>
    %reduce_sum3A_59 = vector.multi_reduction <add>, %reshape3A_58, %reduce_sum3A [0] : vector<1024x8x128xf32> to vector<8x128xf32>
    %mul3A_60 = arith.mulf %add3A_52, %add3A_52 : vector<8192x128xf32>
    %reshape3A_61 = vector.shape_cast %mul3A_60 : vector<8192x128xf32> to vector<1024x8x128xf32>
    %reduce_sum3A_62 = arith.constant dense<0.000000e+00> : vector<8x128xf32>
    %reduce_sum3A_63 = vector.multi_reduction <add>, %reshape3A_61, %reduce_sum3A_62 [0] : vector<1024x8x128xf32> to vector<8x128xf32>
    %eq3A = arith.constant 0 : i32
    %eq3A_64 = arith.cmpi eq, %arg0, %eq3A : i32
    %convert_element_type3A_65 = arith.extui %eq3A_64 : i1 to i32
    %cond3A = arith.constant 0 : i32
    %cond3A_66 = arith.cmpi ne, %convert_element_type3A_65, %cond3A : i32
    scf.if %cond3A_66 {
      %swap3A_71 = arith.constant 0 : index
      %swap3A_72 = arith.constant 0 : index
      %swap3A_73 = vector.load %arg13[%swap3A_71, %swap3A_72] : memref<8x128xf32, #tpu.memory_space<vmem>>, vector<8x128xf32>
      tpu.vector_store %arg13[%swap3A_71, %swap3A_72], %reduce_sum3A_59 {strides = array<i32>} : memref<8x128xf32, #tpu.memory_space<vmem>>, vector<8x128xf32>,
      %swap3A_74 = arith.constant 0 : index
      %swap3A_75 = arith.constant 0 : index
      %swap3A_76 = vector.load %arg14[%swap3A_74, %swap3A_75] : memref<8x128xf32, #tpu.memory_space<vmem>>, vector<8x128xf32>
      tpu.vector_store %arg14[%swap3A_74, %swap3A_75], %reduce_sum3A_63 {strides = array<i32>} : memref<8x128xf32, #tpu.memory_space<vmem>>, vector<8x128xf32>,
    } else {
    }
    %gt3A = arith.constant 0 : i32
    %gt3A_67 = arith.cmpi sgt, %arg0, %gt3A : i32
    %convert_element_type3A_68 = arith.extui %gt3A_67 : i1 to i32
    %cond3A_69 = arith.constant 0 : i32
    %cond3A_70 = arith.cmpi ne, %convert_element_type3A_68, %cond3A_69 : i32
    scf.if %cond3A_70 {
      %get3A_71 = arith.constant 0 : index
      %get3A_72 = arith.constant 0 : index
      %get3A_73 = vector.load %arg13[%get3A_71, %get3A_72] : memref<8x128xf32, #tpu.memory_space<vmem>>, vector<8x128xf32>
      %add3A_74 = arith.addf %get3A_73, %reduce_sum3A_59 : vector<8x128xf32>
      %swap3A_75 = arith.constant 0 : index
      %swap3A_76 = arith.constant 0 : index
      %swap3A_77 = vector.load %arg13[%swap3A_75, %swap3A_76] : memref<8x128xf32, #tpu.memory_space<vmem>>, vector<8x128xf32>
      tpu.vector_store %arg13[%swap3A_75, %swap3A_76], %add3A_74 {strides = array<i32>} : memref<8x128xf32, #tpu.memory_space<vmem>>, vector<8x128xf32>,
      %get3A_78 = arith.constant 0 : index
      %get3A_79 = arith.constant 0 : index
      %get3A_80 = vector.load %arg14[%get3A_78, %get3A_79] : memref<8x128xf32, #tpu.memory_space<vmem>>, vector<8x128xf32>
      %add3A_81 = arith.addf %get3A_80, %reduce_sum3A_63 : vector<8x128xf32>
      %swap3A_82 = arith.constant 0 : index
      %swap3A_83 = arith.constant 0 : index
      %swap3A_84 = vector.load %arg14[%swap3A_82, %swap3A_83] : memref<8x128xf32, #tpu.memory_space<vmem>>, vector<8x128xf32>
      tpu.vector_store %arg14[%swap3A_82, %swap3A_83], %add3A_81 {strides = array<i32>} : memref<8x128xf32, #tpu.memory_space<vmem>>, vector<8x128xf32>,
    } else {
    }
    return
  }
  func.func @transform_0(%arg0: i32) -> (i32, i32, i32) {
    %c0_i32 = arith.constant 0 : i32
    %c0_i32_0 = arith.constant 0 : i32
    %c0_i32_1 = arith.constant 0 : i32
    return %c0_i32, %arg0, %c0_i32_0 : i32, i32, i32
  }
  func.func @transform_1(%arg0: i32) -> (i32, i32, i32) {
    %c0_i32 = arith.constant 0 : i32
    %c0_i32_0 = arith.constant 0 : i32
    %c0_i32_1 = arith.constant 0 : i32
    return %c0_i32, %arg0, %c0_i32_0 : i32, i32, i32
  }
  func.func @transform_2(%arg0: i32) -> (i32, i32) {
    %c0_i32 = arith.constant 0 : i32
    %c0_i32_0 = arith.constant 0 : i32
    return %arg0, %c0_i32 : i32, i32
  }
  func.func @transform_3(%arg0: i32) -> (i32, i32) {
    %c0_i32 = arith.constant 0 : i32
    %c0_i32_0 = arith.constant 0 : i32
    %c0_i32_1 = arith.constant 0 : i32
    return %c0_i32, %c0_i32_0 : i32, i32
  }
  func.func @transform_4(%arg0: i32) -> (i32, i32) {
    %c0_i32 = arith.constant 0 : i32
    %c0_i32_0 = arith.constant 0 : i32
    %c0_i32_1 = arith.constant 0 : i32
    return %c0_i32, %c0_i32_0 : i32, i32
  }
  func.func @transform_5(%arg0: i32) -> (i32, i32) {
    %c0_i32 = arith.constant 0 : i32
    %c0_i32_0 = arith.constant 0 : i32
    %c0_i32_1 = arith.constant 0 : i32
    return %c0_i32, %c0_i32_0 : i32, i32
  }
  func.func @transform_6(%arg0: i32) -> (i32, i32) {
    %c0_i32 = arith.constant 0 : i32
    %c0_i32_0 = arith.constant 0 : i32
    %c0_i32_1 = arith.constant 0 : i32
    return %c0_i32, %c0_i32_0 : i32, i32
  }
  func.func @transform_7(%arg0: i32) -> (i32, i32) {
    %c0_i32 = arith.constant 0 : i32
    %c0_i32_0 = arith.constant 0 : i32
    %c0_i32_1 = arith.constant 0 : i32
    return %c0_i32, %c0_i32_0 : i32, i32
  }
  func.func @transform_8(%arg0: i32) -> (i32, i32) {
    %c0_i32 = arith.constant 0 : i32
    %c0_i32_0 = arith.constant 0 : i32
    %c0_i32_1 = arith.constant 0 : i32
    return %c0_i32, %c0_i32_0 : i32, i32
  }
  func.func @transform_9(%arg0: i32) -> (i32, i32) {
    %c0_i32 = arith.constant 0 : i32
    %c0_i32_0 = arith.constant 0 : i32
    %c0_i32_1 = arith.constant 0 : i32
    return %c0_i32, %c0_i32_0 : i32, i32
  }
  func.func @transform_10(%arg0: i32) -> (i32, i32) {
    %c0_i32 = arith.constant 0 : i32
    %c0_i32_0 = arith.constant 0 : i32
    %c0_i32_1 = arith.constant 0 : i32
    return %c0_i32, %c0_i32_0 : i32, i32
  }
  func.func @transform_11(%arg0: i32) -> (i32, i32, i32) {
    %c0_i32 = arith.constant 0 : i32
    %c0_i32_0 = arith.constant 0 : i32
    %c0_i32_1 = arith.constant 0 : i32
    return %c0_i32, %arg0, %c0_i32_0 : i32, i32, i32
  }
  func.func @transform_12(%arg0: i32) -> (i32, i32) {
    %c0_i32 = arith.constant 0 : i32
    %c0_i32_0 = arith.constant 0 : i32
    %c0_i32_1 = arith.constant 0 : i32
    return %c0_i32, %c0_i32_0 : i32, i32
  }
  func.func @transform_13(%arg0: i32) -> (i32, i32) {
    %c0_i32 = arith.constant 0 : i32
    %c0_i32_0 = arith.constant 0 : i32
    %c0_i32_1 = arith.constant 0 : i32
    return %c0_i32, %c0_i32_0 : i32, i32
  }
}

module attributes {stable_mosaic.version = 14 : i64} {
  func.func @_b4_body(%arg0: i32, %arg1: memref<16x512x128xbf16, #tpu.memory_space<vmem>>, %arg2: memref<1x128xf32, #tpu.memory_space<vmem>>, %arg3: memref<1x128xf32, #tpu.memory_space<vmem>>, %arg4: memref<128x128xf32, #tpu.memory_space<vmem>>, %arg5: memref<1x128xf32, #tpu.memory_space<vmem>>, %arg6: memref<16x512x128xbf16, #tpu.memory_space<vmem>>, %arg7: memref<8x128xf32, #tpu.memory_space<vmem>>, %arg8: memref<8x128xf32, #tpu.memory_space<vmem>>) attributes {dimension_semantics = [#tpu.dimension_semantics<arbitrary>], iteration_bounds = array<i64: 16>, scalar_prefetch = 0 : i64, scratch_operands = 0 : i64, tpu.core_type = #tpu.core_type<tc>, window_params = [{transform_indices = @transform_0, window_bounds = array<i64: 16, 512, 128>}, {pipeline_mode = #tpu.pipeline_mode<synchronous>, transform_indices = @transform_1, window_bounds = array<i64: 1, 128>}, {pipeline_mode = #tpu.pipeline_mode<synchronous>, transform_indices = @transform_2, window_bounds = array<i64: 1, 128>}, {pipeline_mode = #tpu.pipeline_mode<synchronous>, transform_indices = @transform_3, window_bounds = array<i64: 128, 128>}, {pipeline_mode = #tpu.pipeline_mode<synchronous>, transform_indices = @transform_4, window_bounds = array<i64: 1, 128>}, {transform_indices = @transform_5, window_bounds = array<i64: 16, 512, 128>}, {pipeline_mode = #tpu.pipeline_mode<synchronous>, transform_indices = @transform_6, window_bounds = array<i64: 8, 128>}, {pipeline_mode = #tpu.pipeline_mode<synchronous>, transform_indices = @transform_7, window_bounds = array<i64: 8, 128>}]} {
    %get3A = arith.constant 0 : index
    %get3A_0 = arith.constant 0 : index
    %get3A_1 = arith.constant 0 : index
    %get3A_2 = vector.load %arg1[%get3A, %get3A_0, %get3A_1] : memref<16x512x128xbf16, #tpu.memory_space<vmem>>, vector<16x512x128xbf16>
    %convert_element_type3A = arith.extf %get3A_2 : vector<16x512x128xbf16> to vector<16x512x128xf32>
    %reshape3A = vector.shape_cast %convert_element_type3A : vector<16x512x128xf32> to vector<8192x128xf32>
    %get3A_3 = arith.constant 0 : index
    %get3A_4 = arith.constant 0 : index
    %get3A_5 = vector.load %arg2[%get3A_3, %get3A_4] : memref<1x128xf32, #tpu.memory_space<vmem>>, vector<1x128xf32>
    %mul3A = vector.broadcast %get3A_5 : vector<1x128xf32> to vector<8192x128xf32>
    %mul3A_6 = arith.mulf %reshape3A, %mul3A : vector<8192x128xf32>
    %get3A_7 = arith.constant 0 : index
    %get3A_8 = arith.constant 0 : index
    %get3A_9 = vector.load %arg3[%get3A_7, %get3A_8] : memref<1x128xf32, #tpu.memory_space<vmem>>, vector<1x128xf32>
    %add3A = vector.broadcast %get3A_9 : vector<1x128xf32> to vector<8192x128xf32>
    %add3A_10 = arith.addf %mul3A_6, %add3A : vector<8192x128xf32>
    %max3A = arith.constant 0.000000e+00 : f32
    %max3A_11 = vector.broadcast %max3A : f32 to vector<8192x128xf32>
    %max3A_12 = arith.maximumf %add3A_10, %max3A_11 : vector<8192x128xf32>
    %get3A_13 = arith.constant 0 : index
    %get3A_14 = arith.constant 0 : index
    %get3A_15 = vector.load %arg4[%get3A_13, %get3A_14] : memref<128x128xf32, #tpu.memory_space<vmem>>, vector<128x128xf32>
    %dot_general3A = arith.constant dense<0.000000e+00> : vector<8192x128xf32>
    %dot_general3A_16 = tpu.matmul %max3A_12, %get3A_15, %dot_general3A {dimension_numbers = #tpu.dot_dimension_numbers<[1], [0], [0], [1], [0, 0, 1, 1], [], []>, transpose_lhs_hint = false} : vector<8192x128xf32>, vector<128x128xf32>, vector<8192x128xf32> -> vector<8192x128xf32>
    %get3A_17 = arith.constant 0 : index
    %get3A_18 = arith.constant 0 : index
    %get3A_19 = vector.load %arg5[%get3A_17, %get3A_18] : memref<1x128xf32, #tpu.memory_space<vmem>>, vector<1x128xf32>
    %add3A_20 = vector.broadcast %get3A_19 : vector<1x128xf32> to vector<8192x128xf32>
    %add3A_21 = arith.addf %dot_general3A_16, %add3A_20 : vector<8192x128xf32>
    %convert_element_type3A_22 = arith.truncf %add3A_21 : vector<8192x128xf32> to vector<8192x128xbf16>
    %reshape3A_23 = vector.shape_cast %convert_element_type3A_22 : vector<8192x128xbf16> to vector<16x512x128xbf16>
    %swap3A = arith.constant 0 : index
    %swap3A_24 = arith.constant 0 : index
    %swap3A_25 = arith.constant 0 : index
    %swap3A_26 = vector.load %arg6[%swap3A, %swap3A_24, %swap3A_25] : memref<16x512x128xbf16, #tpu.memory_space<vmem>>, vector<16x512x128xbf16>
    tpu.vector_store %arg6[%swap3A, %swap3A_24, %swap3A_25], %reshape3A_23 {strides = array<i32>} : memref<16x512x128xbf16, #tpu.memory_space<vmem>>, vector<16x512x128xbf16>,
    %reshape3A_27 = vector.shape_cast %add3A_21 : vector<8192x128xf32> to vector<1024x8x128xf32>
    %reduce_sum3A = arith.constant dense<0.000000e+00> : vector<8x128xf32>
    %reduce_sum3A_28 = vector.multi_reduction <add>, %reshape3A_27, %reduce_sum3A [0] : vector<1024x8x128xf32> to vector<8x128xf32>
    %mul3A_29 = arith.mulf %add3A_21, %add3A_21 : vector<8192x128xf32>
    %reshape3A_30 = vector.shape_cast %mul3A_29 : vector<8192x128xf32> to vector<1024x8x128xf32>
    %reduce_sum3A_31 = arith.constant dense<0.000000e+00> : vector<8x128xf32>
    %reduce_sum3A_32 = vector.multi_reduction <add>, %reshape3A_30, %reduce_sum3A_31 [0] : vector<1024x8x128xf32> to vector<8x128xf32>
    %eq3A = arith.constant 0 : i32
    %eq3A_33 = arith.cmpi eq, %arg0, %eq3A : i32
    %convert_element_type3A_34 = arith.extui %eq3A_33 : i1 to i32
    %cond3A = arith.constant 0 : i32
    %cond3A_35 = arith.cmpi ne, %convert_element_type3A_34, %cond3A : i32
    scf.if %cond3A_35 {
      %swap3A_40 = arith.constant 0 : index
      %swap3A_41 = arith.constant 0 : index
      %swap3A_42 = vector.load %arg7[%swap3A_40, %swap3A_41] : memref<8x128xf32, #tpu.memory_space<vmem>>, vector<8x128xf32>
      tpu.vector_store %arg7[%swap3A_40, %swap3A_41], %reduce_sum3A_28 {strides = array<i32>} : memref<8x128xf32, #tpu.memory_space<vmem>>, vector<8x128xf32>,
      %swap3A_43 = arith.constant 0 : index
      %swap3A_44 = arith.constant 0 : index
      %swap3A_45 = vector.load %arg8[%swap3A_43, %swap3A_44] : memref<8x128xf32, #tpu.memory_space<vmem>>, vector<8x128xf32>
      tpu.vector_store %arg8[%swap3A_43, %swap3A_44], %reduce_sum3A_32 {strides = array<i32>} : memref<8x128xf32, #tpu.memory_space<vmem>>, vector<8x128xf32>,
    } else {
    }
    %gt3A = arith.constant 0 : i32
    %gt3A_36 = arith.cmpi sgt, %arg0, %gt3A : i32
    %convert_element_type3A_37 = arith.extui %gt3A_36 : i1 to i32
    %cond3A_38 = arith.constant 0 : i32
    %cond3A_39 = arith.cmpi ne, %convert_element_type3A_37, %cond3A_38 : i32
    scf.if %cond3A_39 {
      %get3A_40 = arith.constant 0 : index
      %get3A_41 = arith.constant 0 : index
      %get3A_42 = vector.load %arg7[%get3A_40, %get3A_41] : memref<8x128xf32, #tpu.memory_space<vmem>>, vector<8x128xf32>
      %add3A_43 = arith.addf %get3A_42, %reduce_sum3A_28 : vector<8x128xf32>
      %swap3A_44 = arith.constant 0 : index
      %swap3A_45 = arith.constant 0 : index
      %swap3A_46 = vector.load %arg7[%swap3A_44, %swap3A_45] : memref<8x128xf32, #tpu.memory_space<vmem>>, vector<8x128xf32>
      tpu.vector_store %arg7[%swap3A_44, %swap3A_45], %add3A_43 {strides = array<i32>} : memref<8x128xf32, #tpu.memory_space<vmem>>, vector<8x128xf32>,
      %get3A_47 = arith.constant 0 : index
      %get3A_48 = arith.constant 0 : index
      %get3A_49 = vector.load %arg8[%get3A_47, %get3A_48] : memref<8x128xf32, #tpu.memory_space<vmem>>, vector<8x128xf32>
      %add3A_50 = arith.addf %get3A_49, %reduce_sum3A_32 : vector<8x128xf32>
      %swap3A_51 = arith.constant 0 : index
      %swap3A_52 = arith.constant 0 : index
      %swap3A_53 = vector.load %arg8[%swap3A_51, %swap3A_52] : memref<8x128xf32, #tpu.memory_space<vmem>>, vector<8x128xf32>
      tpu.vector_store %arg8[%swap3A_51, %swap3A_52], %add3A_50 {strides = array<i32>} : memref<8x128xf32, #tpu.memory_space<vmem>>, vector<8x128xf32>,
    } else {
    }
    return
  }
  func.func @transform_0(%arg0: i32) -> (i32, i32, i32) {
    %c0_i32 = arith.constant 0 : i32
    %c0_i32_0 = arith.constant 0 : i32
    %c0_i32_1 = arith.constant 0 : i32
    return %c0_i32, %arg0, %c0_i32_0 : i32, i32, i32
  }
  func.func @transform_1(%arg0: i32) -> (i32, i32) {
    %c0_i32 = arith.constant 0 : i32
    %c0_i32_0 = arith.constant 0 : i32
    %c0_i32_1 = arith.constant 0 : i32
    return %c0_i32, %c0_i32_0 : i32, i32
  }
  func.func @transform_2(%arg0: i32) -> (i32, i32) {
    %c0_i32 = arith.constant 0 : i32
    %c0_i32_0 = arith.constant 0 : i32
    %c0_i32_1 = arith.constant 0 : i32
    return %c0_i32, %c0_i32_0 : i32, i32
  }
  func.func @transform_3(%arg0: i32) -> (i32, i32) {
    %c0_i32 = arith.constant 0 : i32
    %c0_i32_0 = arith.constant 0 : i32
    %c0_i32_1 = arith.constant 0 : i32
    return %c0_i32, %c0_i32_0 : i32, i32
  }
  func.func @transform_4(%arg0: i32) -> (i32, i32) {
    %c0_i32 = arith.constant 0 : i32
    %c0_i32_0 = arith.constant 0 : i32
    %c0_i32_1 = arith.constant 0 : i32
    return %c0_i32, %c0_i32_0 : i32, i32
  }
  func.func @transform_5(%arg0: i32) -> (i32, i32, i32) {
    %c0_i32 = arith.constant 0 : i32
    %c0_i32_0 = arith.constant 0 : i32
    %c0_i32_1 = arith.constant 0 : i32
    return %c0_i32, %arg0, %c0_i32_0 : i32, i32, i32
  }
  func.func @transform_6(%arg0: i32) -> (i32, i32) {
    %c0_i32 = arith.constant 0 : i32
    %c0_i32_0 = arith.constant 0 : i32
    %c0_i32_1 = arith.constant 0 : i32
    return %c0_i32, %c0_i32_0 : i32, i32
  }
  func.func @transform_7(%arg0: i32) -> (i32, i32) {
    %c0_i32 = arith.constant 0 : i32
    %c0_i32_0 = arith.constant 0 : i32
    %c0_i32_1 = arith.constant 0 : i32
    return %c0_i32, %c0_i32_0 : i32, i32
  }
}

module attributes {stable_mosaic.version = 14 : i64} {
  func.func @_b5_body(%arg0: i32, %arg1: memref<16x512x128xbf16, #tpu.memory_space<vmem>>, %arg2: memref<16x512x128xbf16, #tpu.memory_space<vmem>>, %arg3: memref<16x512x128xf32, #tpu.memory_space<vmem>>, %arg4: memref<1x128xf32, #tpu.memory_space<vmem>>, %arg5: memref<1x128xf32, #tpu.memory_space<vmem>>, %arg6: memref<1x128xf32, #tpu.memory_space<vmem>>, %arg7: memref<1x128xf32, #tpu.memory_space<vmem>>, %arg8: memref<1x128xf32, #tpu.memory_space<vmem>>, %arg9: memref<1x128xf32, #tpu.memory_space<vmem>>, %arg10: memref<128x128xf32, #tpu.memory_space<vmem>>, %arg11: memref<1x128xf32, #tpu.memory_space<vmem>>, %arg12: memref<512x128xf32, #tpu.memory_space<vmem>>, %arg13: memref<8x128xf32, #tpu.memory_space<vmem>>, %arg14: memref<8x128xf32, #tpu.memory_space<vmem>>) attributes {dimension_semantics = [#tpu.dimension_semantics<arbitrary>], iteration_bounds = array<i64: 16>, scalar_prefetch = 0 : i64, scratch_operands = 0 : i64, tpu.core_type = #tpu.core_type<tc>, window_params = [{transform_indices = @transform_0, window_bounds = array<i64: 16, 512, 128>}, {transform_indices = @transform_1, window_bounds = array<i64: 16, 512, 128>}, {transform_indices = @transform_2, window_bounds = array<i64: 16, 512, 128>}, {pipeline_mode = #tpu.pipeline_mode<synchronous>, transform_indices = @transform_3, window_bounds = array<i64: 1, 128>}, {pipeline_mode = #tpu.pipeline_mode<synchronous>, transform_indices = @transform_4, window_bounds = array<i64: 1, 128>}, {pipeline_mode = #tpu.pipeline_mode<synchronous>, transform_indices = @transform_5, window_bounds = array<i64: 1, 128>}, {pipeline_mode = #tpu.pipeline_mode<synchronous>, transform_indices = @transform_6, window_bounds = array<i64: 1, 128>}, {pipeline_mode = #tpu.pipeline_mode<synchronous>, transform_indices = @transform_7, window_bounds = array<i64: 1, 128>}, {pipeline_mode = #tpu.pipeline_mode<synchronous>, transform_indices = @transform_8, window_bounds = array<i64: 1, 128>}, {pipeline_mode = #tpu.pipeline_mode<synchronous>, transform_indices = @transform_9, window_bounds = array<i64: 128, 128>}, {pipeline_mode = #tpu.pipeline_mode<synchronous>, transform_indices = @transform_10, window_bounds = array<i64: 1, 128>}, {transform_indices = @transform_11, window_bounds = array<i64: 512, 128>}, {pipeline_mode = #tpu.pipeline_mode<synchronous>, transform_indices = @transform_12, window_bounds = array<i64: 8, 128>}, {pipeline_mode = #tpu.pipeline_mode<synchronous>, transform_indices = @transform_13, window_bounds = array<i64: 8, 128>}]} {
    %get3A = arith.constant 0 : index
    %get3A_0 = arith.constant 0 : index
    %get3A_1 = arith.constant 0 : index
    %get3A_2 = vector.load %arg1[%get3A, %get3A_0, %get3A_1] : memref<16x512x128xbf16, #tpu.memory_space<vmem>>, vector<16x512x128xbf16>
    %convert_element_type3A = arith.extf %get3A_2 : vector<16x512x128xbf16> to vector<16x512x128xf32>
    %get3A_3 = arith.constant 0 : index
    %get3A_4 = arith.constant 0 : index
    %get3A_5 = vector.load %arg4[%get3A_3, %get3A_4] : memref<1x128xf32, #tpu.memory_space<vmem>>, vector<1x128xf32>
    %broadcast_in_dim3A = vector.shape_cast %get3A_5 : vector<1x128xf32> to vector<1x1x128xf32>
    %mul3A = vector.broadcast %broadcast_in_dim3A : vector<1x1x128xf32> to vector<16x512x128xf32>
    %mul3A_6 = arith.mulf %convert_element_type3A, %mul3A : vector<16x512x128xf32>
    %get3A_7 = arith.constant 0 : index
    %get3A_8 = arith.constant 0 : index
    %get3A_9 = vector.load %arg5[%get3A_7, %get3A_8] : memref<1x128xf32, #tpu.memory_space<vmem>>, vector<1x128xf32>
    %broadcast_in_dim3A_10 = vector.shape_cast %get3A_9 : vector<1x128xf32> to vector<1x1x128xf32>
    %add3A = vector.broadcast %broadcast_in_dim3A_10 : vector<1x1x128xf32> to vector<16x512x128xf32>
    %add3A_11 = arith.addf %mul3A_6, %add3A : vector<16x512x128xf32>
    %reduce_max3A = arith.constant dense<0xFF800000> : vector<512x128xf32>
    %reduce_max3A_12 = vector.multi_reduction <maximumf>, %add3A_11, %reduce_max3A [0] : vector<16x512x128xf32> to vector<512x128xf32>
    %broadcast_in_dim3A_13 = vector.shape_cast %reduce_max3A_12 : vector<512x128xf32> to vector<1x512x128xf32>
    %sub3A = vector.broadcast %broadcast_in_dim3A_13 : vector<1x512x128xf32> to vector<16x512x128xf32>
    %sub3A_14 = arith.subf %add3A_11, %sub3A : vector<16x512x128xf32>
    %exp3A = math.exp %sub3A_14 : vector<16x512x128xf32>
    %reduce_sum3A = arith.constant dense<0.000000e+00> : vector<512x128xf32>
    %reduce_sum3A_15 = vector.multi_reduction <add>, %exp3A, %reduce_sum3A [0] : vector<16x512x128xf32> to vector<512x128xf32>
    %broadcast_in_dim3A_16 = vector.shape_cast %reduce_sum3A_15 : vector<512x128xf32> to vector<1x512x128xf32>
    %div3A = vector.broadcast %broadcast_in_dim3A_16 : vector<1x512x128xf32> to vector<16x512x128xf32>
    %div3A_17 = arith.divf %exp3A, %div3A : vector<16x512x128xf32>
    %get3A_18 = arith.constant 0 : index
    %get3A_19 = arith.constant 0 : index
    %get3A_20 = arith.constant 0 : index
    %get3A_21 = vector.load %arg2[%get3A_18, %get3A_19, %get3A_20] : memref<16x512x128xbf16, #tpu.memory_space<vmem>>, vector<16x512x128xbf16>
    %convert_element_type3A_22 = arith.extf %get3A_21 : vector<16x512x128xbf16> to vector<16x512x128xf32>
    %get3A_23 = arith.constant 0 : index
    %get3A_24 = arith.constant 0 : index
    %get3A_25 = vector.load %arg6[%get3A_23, %get3A_24] : memref<1x128xf32, #tpu.memory_space<vmem>>, vector<1x128xf32>
    %broadcast_in_dim3A_26 = vector.shape_cast %get3A_25 : vector<1x128xf32> to vector<1x1x128xf32>
    %mul3A_27 = vector.broadcast %broadcast_in_dim3A_26 : vector<1x1x128xf32> to vector<16x512x128xf32>
    %mul3A_28 = arith.mulf %convert_element_type3A_22, %mul3A_27 : vector<16x512x128xf32>
    %get3A_29 = arith.constant 0 : index
    %get3A_30 = arith.constant 0 : index
    %get3A_31 = vector.load %arg7[%get3A_29, %get3A_30] : memref<1x128xf32, #tpu.memory_space<vmem>>, vector<1x128xf32>
    %broadcast_in_dim3A_32 = vector.shape_cast %get3A_31 : vector<1x128xf32> to vector<1x1x128xf32>
    %add3A_33 = vector.broadcast %broadcast_in_dim3A_32 : vector<1x1x128xf32> to vector<16x512x128xf32>
    %add3A_34 = arith.addf %mul3A_28, %add3A_33 : vector<16x512x128xf32>
    %get3A_35 = arith.constant 0 : index
    %get3A_36 = arith.constant 0 : index
    %get3A_37 = arith.constant 0 : index
    %get3A_38 = vector.load %arg3[%get3A_35, %get3A_36, %get3A_37] : memref<16x512x128xf32, #tpu.memory_space<vmem>>, vector<16x512x128xf32>
    %get3A_39 = arith.constant 0 : index
    %get3A_40 = arith.constant 0 : index
    %get3A_41 = vector.load %arg8[%get3A_39, %get3A_40] : memref<1x128xf32, #tpu.memory_space<vmem>>, vector<1x128xf32>
    %broadcast_in_dim3A_42 = vector.shape_cast %get3A_41 : vector<1x128xf32> to vector<1x1x128xf32>
    %mul3A_43 = vector.broadcast %broadcast_in_dim3A_42 : vector<1x1x128xf32> to vector<16x512x128xf32>
    %mul3A_44 = arith.mulf %get3A_38, %mul3A_43 : vector<16x512x128xf32>
    %get3A_45 = arith.constant 0 : index
    %get3A_46 = arith.constant 0 : index
    %get3A_47 = vector.load %arg9[%get3A_45, %get3A_46] : memref<1x128xf32, #tpu.memory_space<vmem>>, vector<1x128xf32>
    %broadcast_in_dim3A_48 = vector.shape_cast %get3A_47 : vector<1x128xf32> to vector<1x1x128xf32>
    %add3A_49 = vector.broadcast %broadcast_in_dim3A_48 : vector<1x1x128xf32> to vector<16x512x128xf32>
    %add3A_50 = arith.addf %mul3A_44, %add3A_49 : vector<16x512x128xf32>
    %add3A_51 = arith.addf %add3A_50, %add3A_34 : vector<16x512x128xf32>
    %mul3A_52 = arith.mulf %div3A_17, %add3A_51 : vector<16x512x128xf32>
    %reduce_sum3A_53 = arith.constant dense<0.000000e+00> : vector<512x128xf32>
    %reduce_sum3A_54 = vector.multi_reduction <add>, %mul3A_52, %reduce_sum3A_53 [0] : vector<16x512x128xf32> to vector<512x128xf32>
    %get3A_55 = arith.constant 0 : index
    %get3A_56 = arith.constant 0 : index
    %get3A_57 = vector.load %arg10[%get3A_55, %get3A_56] : memref<128x128xf32, #tpu.memory_space<vmem>>, vector<128x128xf32>
    %dot_general3A = arith.constant dense<0.000000e+00> : vector<512x128xf32>
    %dot_general3A_58 = tpu.matmul %reduce_sum3A_54, %get3A_57, %dot_general3A {dimension_numbers = #tpu.dot_dimension_numbers<[1], [0], [0], [1], [0, 0, 1, 1], [], []>, transpose_lhs_hint = false} : vector<512x128xf32>, vector<128x128xf32>, vector<512x128xf32> -> vector<512x128xf32>
    %get3A_59 = arith.constant 0 : index
    %get3A_60 = arith.constant 0 : index
    %get3A_61 = vector.load %arg11[%get3A_59, %get3A_60] : memref<1x128xf32, #tpu.memory_space<vmem>>, vector<1x128xf32>
    %add3A_62 = vector.broadcast %get3A_61 : vector<1x128xf32> to vector<512x128xf32>
    %add3A_63 = arith.addf %dot_general3A_58, %add3A_62 : vector<512x128xf32>
    %swap3A = arith.constant 0 : index
    %swap3A_64 = arith.constant 0 : index
    %swap3A_65 = vector.load %arg12[%swap3A, %swap3A_64] : memref<512x128xf32, #tpu.memory_space<vmem>>, vector<512x128xf32>
    tpu.vector_store %arg12[%swap3A, %swap3A_64], %add3A_63 {strides = array<i32>} : memref<512x128xf32, #tpu.memory_space<vmem>>, vector<512x128xf32>,
    %reshape3A = vector.shape_cast %add3A_63 : vector<512x128xf32> to vector<64x8x128xf32>
    %reduce_sum3A_66 = arith.constant dense<0.000000e+00> : vector<8x128xf32>
    %reduce_sum3A_67 = vector.multi_reduction <add>, %reshape3A, %reduce_sum3A_66 [0] : vector<64x8x128xf32> to vector<8x128xf32>
    %mul3A_68 = arith.mulf %add3A_63, %add3A_63 : vector<512x128xf32>
    %reshape3A_69 = vector.shape_cast %mul3A_68 : vector<512x128xf32> to vector<64x8x128xf32>
    %reduce_sum3A_70 = arith.constant dense<0.000000e+00> : vector<8x128xf32>
    %reduce_sum3A_71 = vector.multi_reduction <add>, %reshape3A_69, %reduce_sum3A_70 [0] : vector<64x8x128xf32> to vector<8x128xf32>
    %eq3A = arith.constant 0 : i32
    %eq3A_72 = arith.cmpi eq, %arg0, %eq3A : i32
    %convert_element_type3A_73 = arith.extui %eq3A_72 : i1 to i32
    %cond3A = arith.constant 0 : i32
    %cond3A_74 = arith.cmpi ne, %convert_element_type3A_73, %cond3A : i32
    scf.if %cond3A_74 {
      %swap3A_79 = arith.constant 0 : index
      %swap3A_80 = arith.constant 0 : index
      %swap3A_81 = vector.load %arg13[%swap3A_79, %swap3A_80] : memref<8x128xf32, #tpu.memory_space<vmem>>, vector<8x128xf32>
      tpu.vector_store %arg13[%swap3A_79, %swap3A_80], %reduce_sum3A_67 {strides = array<i32>} : memref<8x128xf32, #tpu.memory_space<vmem>>, vector<8x128xf32>,
      %swap3A_82 = arith.constant 0 : index
      %swap3A_83 = arith.constant 0 : index
      %swap3A_84 = vector.load %arg14[%swap3A_82, %swap3A_83] : memref<8x128xf32, #tpu.memory_space<vmem>>, vector<8x128xf32>
      tpu.vector_store %arg14[%swap3A_82, %swap3A_83], %reduce_sum3A_71 {strides = array<i32>} : memref<8x128xf32, #tpu.memory_space<vmem>>, vector<8x128xf32>,
    } else {
    }
    %gt3A = arith.constant 0 : i32
    %gt3A_75 = arith.cmpi sgt, %arg0, %gt3A : i32
    %convert_element_type3A_76 = arith.extui %gt3A_75 : i1 to i32
    %cond3A_77 = arith.constant 0 : i32
    %cond3A_78 = arith.cmpi ne, %convert_element_type3A_76, %cond3A_77 : i32
    scf.if %cond3A_78 {
      %get3A_79 = arith.constant 0 : index
      %get3A_80 = arith.constant 0 : index
      %get3A_81 = vector.load %arg13[%get3A_79, %get3A_80] : memref<8x128xf32, #tpu.memory_space<vmem>>, vector<8x128xf32>
      %add3A_82 = arith.addf %get3A_81, %reduce_sum3A_67 : vector<8x128xf32>
      %swap3A_83 = arith.constant 0 : index
      %swap3A_84 = arith.constant 0 : index
      %swap3A_85 = vector.load %arg13[%swap3A_83, %swap3A_84] : memref<8x128xf32, #tpu.memory_space<vmem>>, vector<8x128xf32>
      tpu.vector_store %arg13[%swap3A_83, %swap3A_84], %add3A_82 {strides = array<i32>} : memref<8x128xf32, #tpu.memory_space<vmem>>, vector<8x128xf32>,
      %get3A_86 = arith.constant 0 : index
      %get3A_87 = arith.constant 0 : index
      %get3A_88 = vector.load %arg14[%get3A_86, %get3A_87] : memref<8x128xf32, #tpu.memory_space<vmem>>, vector<8x128xf32>
      %add3A_89 = arith.addf %get3A_88, %reduce_sum3A_71 : vector<8x128xf32>
      %swap3A_90 = arith.constant 0 : index
      %swap3A_91 = arith.constant 0 : index
      %swap3A_92 = vector.load %arg14[%swap3A_90, %swap3A_91] : memref<8x128xf32, #tpu.memory_space<vmem>>, vector<8x128xf32>
      tpu.vector_store %arg14[%swap3A_90, %swap3A_91], %add3A_89 {strides = array<i32>} : memref<8x128xf32, #tpu.memory_space<vmem>>, vector<8x128xf32>,
    } else {
    }
    return
  }
  func.func @transform_0(%arg0: i32) -> (i32, i32, i32) {
    %c0_i32 = arith.constant 0 : i32
    %c0_i32_0 = arith.constant 0 : i32
    %c0_i32_1 = arith.constant 0 : i32
    return %c0_i32, %arg0, %c0_i32_0 : i32, i32, i32
  }
  func.func @transform_1(%arg0: i32) -> (i32, i32, i32) {
    %c0_i32 = arith.constant 0 : i32
    %c0_i32_0 = arith.constant 0 : i32
    %c0_i32_1 = arith.constant 0 : i32
    return %c0_i32, %arg0, %c0_i32_0 : i32, i32, i32
  }
  func.func @transform_2(%arg0: i32) -> (i32, i32, i32) {
    %c0_i32 = arith.constant 0 : i32
    %c1_i32 = arith.constant 1 : i32
    %c0_i32_0 = arith.constant 0 : i32
    return %c0_i32, %arg0, %c1_i32 : i32, i32, i32
  }
  func.func @transform_3(%arg0: i32) -> (i32, i32) {
    %c0_i32 = arith.constant 0 : i32
    %c0_i32_0 = arith.constant 0 : i32
    %c0_i32_1 = arith.constant 0 : i32
    return %c0_i32, %c0_i32_0 : i32, i32
  }
  func.func @transform_4(%arg0: i32) -> (i32, i32) {
    %c0_i32 = arith.constant 0 : i32
    %c0_i32_0 = arith.constant 0 : i32
    %c0_i32_1 = arith.constant 0 : i32
    return %c0_i32, %c0_i32_0 : i32, i32
  }
  func.func @transform_5(%arg0: i32) -> (i32, i32) {
    %c0_i32 = arith.constant 0 : i32
    %c0_i32_0 = arith.constant 0 : i32
    %c0_i32_1 = arith.constant 0 : i32
    return %c0_i32, %c0_i32_0 : i32, i32
  }
  func.func @transform_6(%arg0: i32) -> (i32, i32) {
    %c0_i32 = arith.constant 0 : i32
    %c0_i32_0 = arith.constant 0 : i32
    %c0_i32_1 = arith.constant 0 : i32
    return %c0_i32, %c0_i32_0 : i32, i32
  }
  func.func @transform_7(%arg0: i32) -> (i32, i32) {
    %c0_i32 = arith.constant 0 : i32
    %c0_i32_0 = arith.constant 0 : i32
    %c0_i32_1 = arith.constant 0 : i32
    return %c0_i32, %c0_i32_0 : i32, i32
  }
  func.func @transform_8(%arg0: i32) -> (i32, i32) {
    %c0_i32 = arith.constant 0 : i32
    %c0_i32_0 = arith.constant 0 : i32
    %c0_i32_1 = arith.constant 0 : i32
    return %c0_i32, %c0_i32_0 : i32, i32
  }
  func.func @transform_9(%arg0: i32) -> (i32, i32) {
    %c0_i32 = arith.constant 0 : i32
    %c0_i32_0 = arith.constant 0 : i32
    %c0_i32_1 = arith.constant 0 : i32
    return %c0_i32, %c0_i32_0 : i32, i32
  }
  func.func @transform_10(%arg0: i32) -> (i32, i32) {
    %c0_i32 = arith.constant 0 : i32
    %c0_i32_0 = arith.constant 0 : i32
    %c0_i32_1 = arith.constant 0 : i32
    return %c0_i32, %c0_i32_0 : i32, i32
  }
  func.func @transform_11(%arg0: i32) -> (i32, i32) {
    %c0_i32 = arith.constant 0 : i32
    %c0_i32_0 = arith.constant 0 : i32
    return %arg0, %c0_i32 : i32, i32
  }
  func.func @transform_12(%arg0: i32) -> (i32, i32) {
    %c0_i32 = arith.constant 0 : i32
    %c0_i32_0 = arith.constant 0 : i32
    %c0_i32_1 = arith.constant 0 : i32
    return %c0_i32, %c0_i32_0 : i32, i32
  }
  func.func @transform_13(%arg0: i32) -> (i32, i32) {
    %c0_i32 = arith.constant 0 : i32
    %c0_i32_0 = arith.constant 0 : i32
    %c0_i32_1 = arith.constant 0 : i32
    return %c0_i32, %c0_i32_0 : i32, i32
  }
}

module attributes {stable_mosaic.version = 14 : i64} {
  func.func @_b6_body(%arg0: i32, %arg1: memref<1024x128xf32, #tpu.memory_space<vmem>>, %arg2: memref<1024x128xf32, #tpu.memory_space<vmem>>, %arg3: memref<1x128xf32, #tpu.memory_space<vmem>>, %arg4: memref<1x128xf32, #tpu.memory_space<vmem>>, %arg5: memref<1024x128xf32, #tpu.memory_space<vmem>>) attributes {dimension_semantics = [#tpu.dimension_semantics<arbitrary>], iteration_bounds = array<i64: 8>, scalar_prefetch = 0 : i64, scratch_operands = 0 : i64, tpu.core_type = #tpu.core_type<tc>, window_params = [{transform_indices = @transform_0, window_bounds = array<i64: 1024, 128>}, {transform_indices = @transform_1, window_bounds = array<i64: 1024, 128>}, {pipeline_mode = #tpu.pipeline_mode<synchronous>, transform_indices = @transform_2, window_bounds = array<i64: 1, 128>}, {pipeline_mode = #tpu.pipeline_mode<synchronous>, transform_indices = @transform_3, window_bounds = array<i64: 1, 128>}, {transform_indices = @transform_4, window_bounds = array<i64: 1024, 128>}]} {
    %get3A = arith.constant 0 : index
    %get3A_0 = arith.constant 0 : index
    %get3A_1 = vector.load %arg1[%get3A, %get3A_0] : memref<1024x128xf32, #tpu.memory_space<vmem>>, vector<1024x128xf32>
    %get3A_2 = arith.constant 0 : index
    %get3A_3 = arith.constant 0 : index
    %get3A_4 = vector.load %arg3[%get3A_2, %get3A_3] : memref<1x128xf32, #tpu.memory_space<vmem>>, vector<1x128xf32>
    %mul3A = vector.broadcast %get3A_4 : vector<1x128xf32> to vector<1024x128xf32>
    %mul3A_5 = arith.mulf %get3A_1, %mul3A : vector<1024x128xf32>
    %get3A_6 = arith.constant 0 : index
    %get3A_7 = arith.constant 0 : index
    %get3A_8 = vector.load %arg4[%get3A_6, %get3A_7] : memref<1x128xf32, #tpu.memory_space<vmem>>, vector<1x128xf32>
    %add3A = vector.broadcast %get3A_8 : vector<1x128xf32> to vector<1024x128xf32>
    %add3A_9 = arith.addf %mul3A_5, %add3A : vector<1024x128xf32>
    %get3A_10 = arith.constant 0 : index
    %get3A_11 = arith.constant 0 : index
    %get3A_12 = vector.load %arg2[%get3A_10, %get3A_11] : memref<1024x128xf32, #tpu.memory_space<vmem>>, vector<1024x128xf32>
    %add3A_13 = arith.addf %add3A_9, %get3A_12 : vector<1024x128xf32>
    %swap3A = arith.constant 0 : index
    %swap3A_14 = arith.constant 0 : index
    %swap3A_15 = vector.load %arg5[%swap3A, %swap3A_14] : memref<1024x128xf32, #tpu.memory_space<vmem>>, vector<1024x128xf32>
    tpu.vector_store %arg5[%swap3A, %swap3A_14], %add3A_13 {strides = array<i32>} : memref<1024x128xf32, #tpu.memory_space<vmem>>, vector<1024x128xf32>,
    return
  }
  func.func @transform_0(%arg0: i32) -> (i32, i32) {
    %c0_i32 = arith.constant 0 : i32
    %c0_i32_0 = arith.constant 0 : i32
    return %arg0, %c0_i32 : i32, i32
  }
  func.func @transform_1(%arg0: i32) -> (i32, i32) {
    %c0_i32 = arith.constant 0 : i32
    %c0_i32_0 = arith.constant 0 : i32
    return %arg0, %c0_i32 : i32, i32
  }
  func.func @transform_2(%arg0: i32) -> (i32, i32) {
    %c0_i32 = arith.constant 0 : i32
    %c0_i32_0 = arith.constant 0 : i32
    %c0_i32_1 = arith.constant 0 : i32
    return %c0_i32, %c0_i32_0 : i32, i32
  }
  func.func @transform_3(%arg0: i32) -> (i32, i32) {
    %c0_i32 = arith.constant 0 : i32
    %c0_i32_0 = arith.constant 0 : i32
    %c0_i32_1 = arith.constant 0 : i32
    return %c0_i32, %c0_i32_0 : i32, i32
  }
  func.func @transform_4(%arg0: i32) -> (i32, i32) {
    %c0_i32 = arith.constant 0 : i32
    %c0_i32_0 = arith.constant 0 : i32
    return %arg0, %c0_i32 : i32, i32
  }
}

</mosaic_0001>

<sc_bundles>
// kernel: kernel.14.cloned.1.call-start
scs
__scs_entry_jumppad:
0x0: {  	(pc) =	sbr.rel $0x88, $3  }
0x1: {  	(tag) =	ssettag $0x0;
	lr =	simm.s32 $0x1  }
0x2: {  	[smem:$0x3F7B] =	sst lr;
	_ =	strace $0xD0000000  }
0x3: {  	_ = 	snop  }
0x4: {  	_ = 	snop  }
0x5: {  	_ = 	snop  }
0x6: {  	_ = 	snop  }
0x7: {  	_ = 	snop  }
__scs_overlays_trampoline_lowered:
0x8: {  	[smem:$0x3F8A] =	sst s0  }
0x9: {  	[smem:$0x3F8B] =	sst s1  }
0xa: {  	[smem:$0x3F8C] =	sst s2  }
0xb: {  	[smem:$0x3F8D] =	sst s3  }
0xc: {  	[smem:$0x3F8E] =	sst s4  }
0xd: {  	[smem:$0x3F8F] =	sst s5  }
0xe: {  	[smem:$0x3F90] =	sst s6  }
0xf: {  	[smem:$0x3F91] =	sst s7  }
0x10: {  	[smem:$0x3F92] =	sst s8  }
0x11: {  	[smem:$0x3F93] =	sst s9;
	s0 =	simm.s32 @!p0 $0x0  }
0x12: {  	s1 =	sld [smem:$0x3F79];
	s0 =	simm.s32 @p0 $0x1  }
0x13: {  	[smem:$0x3F94] =	sst s0;
	s0 =	simm.s32 @!p1 $0x0  }
0x14: {  	s2 =	sld [smem:$0x3F78];
	s0 =	simm.s32 @p1 $0x1  }
0x15: {  	[smem:$0x3F95] =	sst s0;
	s0 =	simm.s32 @!p2 $0x0  }
0x16: {  	s3 =	sld [smem:$0x3FDB];
	s0 =	simm.s32 @p2 $0x1  }
0x17: {  	s4 =	simm.s32 $0x1BF5;
	[smem:$0x3F97] =	sst s0  }
0x18: {  	s0 =	sld [smem:$0x3F7A];
	_ =	swait.ge [sflag:s4], $0x0  }
0x19: {  	s7 =	sld [smem:$0x3F7B]  }
0x1a: {  	s8 =	sadd.s32 $0xFFFFE003, lr  }
0x1b: {  	s9 =	sadd.s32 $0xFFFFFEF7, lr;
	s5 =	simm.s32 $0xFFFFFFFF;
	p2 =	slt.u32 s8, $0xFFFFF086  }
0x1c: {  	p1 =	slt.u32 s9, $0xF7A;
	s5 =	simm.s32 @!p2 $0x0  }
0x1d: {  	s5 =	simm.s32 @p1 $0x1;
	p0 =	seq.s32 s7, s2  }
0x1e: {  	s7 =	smul.u32 @!p0 $0xF7A, s2;
	p2 =	seq.s32 @!p0 s5, $0x0  }
0x1f: {  	s9 =	smul.u32 $0xF7A, s1;
	s8 =	simm.s32 @!p0 $0x1BF5;
	p2 =	por !p2, p0  }
0x20: {  	[sflag:s8] =	ssyncset.s32 @!p0 $0xFFFFF086;
	s6 =	sadd.s32 @!p0 s3, s7;
	s7 =	simm.s32 @!p0 $0x108  }
0x21: {  	s3 =	sadd.s32 s3, s9;
	s6 =	sadd.s32 @!p0 $0x88, s6;
	s7 =	simm.s32 @p2 $0x1082  }
0x22: {  	[simem:s7], [sflag:s8] =	dma.local @!p0 [hbm:s6], $0xF7A  }
0x23: {  	s9 =	sor.u32 $0xD0000000, s2;
	s6 =	simm.s32 $0x108;
	_ =	swait.ge @!p0 [sflag:s8], $0x0  }
0x24: {  	s3 =	sadd.s32 $0x88, s3;
	s6 =	simm.s32 @!p1 $0x1082;
	[sflag:s4] =	ssyncset.s32 $0xFFFFF086  }
0x25: {  	[simem:s6], [sflag:s4] =	dma.local [hbm:s3], $0xF7A  }
0x26: {  	[smem:$0x3F7B] =	sst s1;
	(tag) =	ssettag s2;
	_ =	strace s9  }
0x27: {  	s1 =	sld [smem:$0x3F8B]  }
0x28: {  	s2 =	sld [smem:$0x3F8C]  }
0x29: {  	s4 =	sld [smem:$0x3F8E]  }
0x2a: {  	p0 =	seq.s32 s5, $0x0;
	s5 =	sld [smem:$0x3F8F]  }
0x2b: {  	s6 =	sld [smem:$0x3F90]  }
0x2c: {  	s7 =	sld [smem:$0x3F91]  }
0x2d: {  	s3 =	simm.s32 $0x108;
	s8 =	sld [smem:$0x3F92]  }
0x2e: {  	s3 =	simm.s32 @!p0 $0x1082;
	s9 =	sld [smem:$0x3F93]  }
0x2f: {  	lr =	sadd.s32 s0, s3;
	s0 =	sld [smem:$0x3F8A]  }
0x30: {  	s3 =	sld [smem:$0x3F8D]  }
0x31: {  	[smem:$0x3F96] =	sst s10  }
0x32: {  	s10 =	sld [smem:$0x3F94];
	_ =	sdelay $0x3  }
0x33: {  	p0 =	seq.s32 s10, $0x1;
	s10 =	sld [smem:$0x3F96];
	_ =	sdelay $0x3  }
0x34: {  	[smem:$0x3F96] =	sst s10  }
0x35: {  	s10 =	sld [smem:$0x3F95];
	_ =	sdelay $0x3  }
0x36: {  	p1 =	seq.s32 s10, $0x1;
	s10 =	sld [smem:$0x3F96];
	_ =	sdelay $0x3  }
0x37: {  	[smem:$0x3F96] =	sst s10  }
0x38: {  	s10 =	sld [smem:$0x3F97]  }
0x39: {  	_ = 	snop;
	(pc) =	sbr.ind lr, $3  }
0x3a: {  	_ = 	snop  }
0x3b: {  	_ = 	snop  }
0x3c: {  	p2 =	seq.s32 s10, $0x1;
	s10 =	sld [smem:$0x3F96]  }
0x3d: {  	_ =	shalt  }
0x3e: {  	_ =	shalt  }
0x3f: {  	_ =	shalt  }
0x40: {  	_ =	shalt  }
0x41: {  	_ =	shalt  }
0x42: {  	_ =	shalt  }
0x43: {  	_ =	shalt  }
0x44: {  	_ =	shalt  }
0x45: {  	_ =	shalt  }
0x46: {  	_ =	shalt  }
0x47: {  	_ =	shalt  }
0x48: {  	_ =	shalt  }
0x49: {  	_ =	shalt  }
0x4a: {  	_ =	shalt  }
0x4b: {  	_ =	shalt  }
0x4c: {  	_ =	shalt  }
0x4d: {  	_ =	shalt  }
0x4e: {  	_ =	shalt  }
0x4f: {  	_ =	shalt  }
0x50: {  	_ =	shalt  }
0x51: {  	_ =	shalt  }
0x52: {  	_ =	shalt  }
0x53: {  	_ =	shalt  }
0x54: {  	_ =	shalt  }
0x55: {  	_ =	shalt  }
0x56: {  	_ =	shalt  }
0x57: {  	_ =	shalt  }
0x58: {  	_ =	shalt  }
0x59: {  	_ =	shalt  }
0x5a: {  	_ =	shalt  }
0x5b: {  	_ =	shalt  }
0x5c: {  	_ =	shalt  }
0x5d: {  	_ =	shalt  }
0x5e: {  	_ =	shalt  }
0x5f: {  	_ =	shalt  }
0x60: {  	_ =	shalt  }
0x61: {  	_ =	shalt  }
0x62: {  	_ =	shalt  }
0x63: {  	_ =	shalt  }
0x64: {  	_ =	shalt  }
0x65: {  	_ =	shalt  }
0x66: {  	_ =	shalt  }
0x67: {  	_ =	shalt  }
0x68: {  	_ =	shalt  }
0x69: {  	_ =	shalt  }
0x6a: {  	_ =	shalt  }
0x6b: {  	_ =	shalt  }
0x6c: {  	_ =	shalt  }
0x6d: {  	_ =	shalt  }
0x6e: {  	_ =	shalt  }
0x6f: {  	_ =	shalt  }
0x70: {  	_ =	shalt  }
0x71: {  	_ =	shalt  }
0x72: {  	_ =	shalt  }
0x73: {  	_ =	shalt  }
0x74: {  	_ =	shalt  }
0x75: {  	_ =	shalt  }
0x76: {  	_ =	shalt  }
0x77: {  	_ =	shalt  }
0x78: {  	_ =	shalt  }
0x79: {  	_ =	shalt  }
0x7a: {  	_ =	shalt  }
0x7b: {  	_ =	shalt  }
0x7c: {  	_ =	shalt  }
0x7d: {  	_ =	shalt  }
0x7e: {  	_ =	shalt  }
0x7f: {  	_ =	shalt  }
0x80: {  	_ =	shalt  }
0x81: {  	_ =	shalt  }
0x82: {  	_ =	shalt  }
0x83: {  	_ =	shalt  }
0x84: {  	_ =	shalt  }
0x85: {  	_ =	shalt  }
0x86: {  	_ =	shalt  }
0x87: {  	_ =	shalt  }
.Lfunc_end0:
.L_simem_size_0:
called_computation_lowered:
.L_overlay_start_0:
0x88: {  	s2 =	sld [smem:$0x3FD9]  }
0x89: {  	s3 =	sld [smem:$0x3FFE];
	_ =	sdelay $0x1  }
0x8a: {  	s1 =	srdreg.scid  }
0x8b: {  	s0 =	sand.u32 $0x1, s1  }
0x8c: {  	s17 =	sshll.u32 s0, $0xA;
	s2 =	sadd.s32 s3, s2  }
0x8d: {  	s2 =	sadd.s32 s2, s17  }
0x8e: {  	[smem:$0x3FA2] =	sst s2  }
0x8f: {  	_ = 	snop  }
0x90: {  	s2 =	sld [smem:$0x3FD0];
	(tm) =	ssettm $0x1  }
0x91: {  	s18 =	sld [smem:$0x3FFB];
	_ =	sdelay $0x3  }
0x92: {  	_ =	strace s18  }
0x93: {  	s3 =	sld [smem:$0x3FFC];
	_ =	sdelay $0x3  }
0x94: {  	_ =	strace s3  }
0x95: {  	s3 =	sld [smem:$0x3FFD];
	_ =	sdelay $0x3  }
0x96: {  	_ =	strace s3  }
0x97: {  	_ =	strace $0x8FFFFFFF  }
0x98: {  	s19 =	sld [smem:$0x3FDB];
	_ =	sdelay $0x1  }
0x99: {  	s4 =	simm.s32 $_scs_section_size  }
0x9a: {  	s5 =	simm.s32 $_size__tile_overlayer_lowered;
	s6 =	simm.s32 $_tile_overlayer_lowered  }
0x9b: {  	s22 =	simm.s32 $0x1BFF;
	s21 =	sshll.u32 s6, $0x1;
	s3 =	sadd.s32 s4, s19  }
0x9c: {  	s7 =	simm.s32 $0x0;
	s20 =	sshll.u32 s5, $0x1;
	s5 =	sadd.s32 s21, s3  }
0x9d: {  	[timem:s7], [sflag:s22] =	dma.local [hbm:s5], s20  }
0x9e: {  	_ =	swait.ge [sflag:s22], s20  }
0x9f: {  	s4 =	ssub.s32 $0x0, s20;
	[sflag:s22] =	ssyncset.done $0x0  }
0xa0: {  	[sflag:s22] =	ssyncadd.s32 s4;
	_ =	sdelay $0x1  }
0xa1: {  	s23 =	simm.s32 $0x1B8B  }
0xa2: {  	_ =	swait.ge [sflag:s23], $0x1  }
0xa3: {  	[sflag:s23] =	ssyncset.done $0x0  }
0xa4: {  	s25 =	simm.s32 $0x1B8E;
	s24 =	sld [smem:$0x3FFE];
	[sflag:s23] =	ssyncadd.s32 $0xFFFFFFFF  }
0xa5: {  	s26 =	simm.s32 $execute0_lowered;
	[smem:$0x3FD2] =	sst s25  }
0xa6: {  	s5 =	sshll.u32 s26, $0x1;
	_ =	strace $0x80000046;
	[dreg:$0x1] =	wrdreg $0xFFFFFFFF  }
0xa7: {  	s28 =	simm.s32 $_size_execute0_lowered;
	s3 =	sadd.s32 s3, s5;
	[dreg:$0x0] =	wrdreg $0x0  }
0xa8: {  	s5 =	sshll.u32 s28, $0x1;
	[dreg:$0x2] =	wrdreg s3  }
0xa9: {  	[dreg:$0x3] =	wrdreg s5  }
0xaa: {  	[dreg:$0x4] =	wrdreg $0xC0  }
0xab: {  	_ =	task [dreg:s7], $0x5FFFF  }
0xac: {  	[dreg:$0x1] =	wrdreg $0xFFFFFFFF  }
0xad: {  	[dreg:$0x0] =	wrdreg $0x60  }
0xae: {  	[dreg:$0x2] =	wrdreg s24  }
0xaf: {  	[dreg:$0x3] =	wrdreg s2  }
0xb0: {  	[dreg:$0x4] =	wrdreg $0x9  }
0xb1: {  	_ =	task.clear_ibuf [dreg:s7], $0x5FFFF;
	_ =	strace $0x90000046  }
0xb2: {  	s29 =	simm.s32 $0x9;
	_ =	strace $0x80000048  }
0xb3: {  	_ =	swait.ge [sflag:s29], $0x1  }
0xb4: {  	[sflag:s29] =	ssyncadd.s32 $0xFFFFFFFF  }
0xb5: {  	_ =	strace $0x90000048  }
0xb6: {  	_ =	sfence  }
0xb7: {  	s30 =	sld [smem:$0x0];
	_ =	sdelay $0x2  }
0xb8: {  	s31 =	sshll.u32 s1, $0xD;
	s1 =	sshrl.u32 s1, $0x2  }
0xb9: {  	s3 =	sand.u32 $0x4000, s31;
	s1 =	sadd.s32 s1, s30  }
0xba: {  	s0 =	sor.u32 s3, s0;
	s1 =	sshll.u32 s1, $0x11  }
0xbb: {  	s0 =	sor.u32 s1, s0  }
0xbc: {  	s0 =	sadd.s32 $0x8F2B, s0  }
0xbd: {  	[sflag:s0] =	ssyncadd.remote.s32 $0x1  }
0xbe: {  	_ =	sfence.sel $0xFFFF  }
0xbf: {  	[dreg:$0x0] =	wrdreg $0xFFFFFFFF;
	(pc) =	sbr.abs _section_cstart, $3  }
0xc0: {  	[dreg:$0x1] =	wrdreg $0xFFFFFFFF  }
0xc1: {  	_ =	task.clear_ibuf [dreg:s7], $0x2FFFF;
	_ =	strace $0x9FFFFFFF  }
0xc2: {  	(tm) =	ssettm $0x7FFFFFFF  }
0xc3: {  	_ =	shalt  }
tec
execute0_lowered:
.L_overlay_start_1:
0x0: {  	(tag) =	ssettag $0x1  }
0x1: {  	s4 =	rddreg [dreg:$0x0]  }
0x2: {  	s2 =	rddreg [dreg:$0x1]  }
0x3: {  	s0 =	rddreg [dreg:$0x2]  }
0x4: {  	s5 =	srdreg.scid;
	s3 =	simm.s32 $0x0;
	s1 =	stileid.u32  }
0x5: {  	s14 =	simm.s32 $0x200;
	s15 =	simm.s32 $0x8200;
	s16 =	simm.s32 $0x1  }
0x6: {  	s17 =	simm.s32 $0x2;
	s18 =	simm.s32 $0x0;
	s9 =	sand.u32 $0x1, s5  }
0x7: {  	[smem:$0x7FF] =	sst s3;
	s24 =	sshll.u32 s1, $0xD;
	s11 =	sadd.s32 $0x2200, s4  }
0x8: {  	s12 =	sadd.s32 $0x6200, s4;
	s13 =	sshll.u32 s1, $0x11;
	s6 =	sshll.u32 s9, $0xC  }
0x9: {  	_ =	strace $0x80000047;
	s25 =	ssub.s32 $0x2, s9;
	s10 =	sor.u32 s6, s24  }
0xa: {  	s9 =	sshll.u32 s9, $0x10;
	s7 =	sshrl.u32 s25, $0x1;
	s6 =	sshrl.u32 s10, $0x3  }
0xb: {  	s26 =	ssub.s32 s25, s7;
	s28 =	sshll.u32 s10, $0x4;
	s29 =	sor.u32 $0x300, s10  }
0xc: {  	s10 =	sor.u32 $0x200, s10;
	s4 =	sadd.s32 s11, s6;
	s8 =	sadd.s32 s12, s28  }
0xd: {  	s6 =	smax.u32 s26, $0x1;
	s12 =	sadd.s32 s13, s12;
	s30 =	sshrl.u32 s29, $0x3  }
0xe: {  	s31 =	sshrl.u32 s10, $0x3;
	s13 =	simm.s32 $0x100;
	s5 =	sadd.s32 $0x20, s4  }
0xf: {  	s7 =	sadd.s32 $0xE000, s8;
	s8 =	sadd.s32 $0xF000, s8;
	s9 =	sadd.s32 s9, s12  }
0x10: {  	s10 =	sadd.s32 s30, s11;
	s11 =	sadd.s32 s31, s11;
	s12 =	simm.s32 $0x3  }
.LBB2_1:
0x11: {  	[tilespmem:s3], [sflag:$0x3] =	stream.linear.gather [hbm4b:s4+s3], $0x100, $0x38;
	[tilespmem:$0x10200] =	vst v63  }
0x12: {  	_ =	swait.ge [sflag:s12], $0x100  }
0x13: {  	[sflag:s12] =	ssyncset.done $0x0  }
0x14: {  	[sflag:s12] =	ssyncadd.s32 $0xFFFFFF00  }
0x15: {  	[tilespmem:s14], [sflag:$0x1] =	stream.indirect.gather [hbm4b:s2+s13], $0x80, s3, s13, $0xb8;
	[tilespmem:$0x10200] =	vst v63  }
0x16: {  	_ = 	snop  }
0x17: {  	[tilespmem:s13], [sflag:$0x3] =	stream.linear.gather [hbm4b:s5+s3], $0x100, $0x38;
	[tilespmem:$0x10200] =	vst v63  }
0x18: {  	_ =	swait.ge [sflag:s12], $0x100  }
0x19: {  	[sflag:s12] =	ssyncset.done $0x0  }
0x1a: {  	[sflag:s12] =	ssyncadd.s32 $0xFFFFFF00  }
0x1b: {  	[tilespmem:s15], [sflag:$0x2] =	stream.indirect.gather [hbm4b:s2+s13], $0x80, s13, s13, $0xb8;
	[tilespmem:$0x10200] =	vst v63  }
0x1c: {  	_ =	swait.ge [sflag:s16], $0x8000  }
0x1d: {  	[sflag:s16] =	ssyncset.done $0x0  }
0x1e: {  	[sflag:s16] =	ssyncadd.s32 $0xFFFF8000  }
0x1f: {  	[hbm4b:s9+s3] =	stream.linear.scatter [tilespmem:s14], [sflag:$0x3], $0x8000, $0x38;
	[tilespmem:$0x10200] =	vst v63  }
0x20: {  	_ =	swait.ge [sflag:s12], $0x8000  }
0x21: {  	[sflag:s12] =	ssyncset.done $0x0  }
0x22: {  	s19 =	sadd.s32 $0x0, s11;
	[sflag:s12] =	ssyncadd.s32 $0xFFFF8000  }
0x23: {  	[tilespmem:s3], [sflag:$0x3] =	stream.linear.gather [hbm4b:s19+s3], $0x100, $0x38;
	[tilespmem:$0x10200] =	vst v63  }
0x24: {  	_ =	swait.ge [sflag:s12], $0x100  }
0x25: {  	[sflag:s12] =	ssyncset.done $0x0  }
0x26: {  	[sflag:s12] =	ssyncadd.s32 $0xFFFFFF00  }
0x27: {  	[tilespmem:s14], [sflag:$0x1] =	stream.indirect.gather [hbm4b:s2+s13], $0x80, s3, s13, $0xb8;
	[tilespmem:$0x10200] =	vst v63  }
0x28: {  	_ =	swait.ge [sflag:s17], $0x8000  }
0x29: {  	[sflag:s17] =	ssyncset.done $0x0  }
0x2a: {  	s30 =	sadd.s32 $0x1000, s9;
	[sflag:s17] =	ssyncadd.s32 $0xFFFF8000  }
0x2b: {  	[hbm4b:s30+s3] =	stream.linear.scatter [tilespmem:s15], [sflag:$0x3], $0x8000, $0x38;
	[tilespmem:$0x10200] =	vst v63  }
0x2c: {  	_ =	swait.ge [sflag:s12], $0x8000  }
0x2d: {  	[sflag:s12] =	ssyncset.done $0x0  }
0x2e: {  	s31 =	sadd.s32 $0x0, s10;
	[sflag:s12] =	ssyncadd.s32 $0xFFFF8000  }
0x2f: {  	[tilespmem:s13], [sflag:$0x3] =	stream.linear.gather [hbm4b:s31+s3], $0x100, $0x38;
	[tilespmem:$0x10200] =	vst v63  }
0x30: {  	_ =	swait.ge [sflag:s12], $0x100  }
0x31: {  	[sflag:s12] =	ssyncset.done $0x0  }
0x32: {  	s20 =	sadd.s32 $0x2000, s9;
	s19 =	simm.s32 $0x40;
	[sflag:s12] =	ssyncadd.s32 $0xFFFFFF00  }
.LBB2_2:
0x33: {  	[tilespmem:s15], [sflag:$0x2] =	stream.indirect.gather [hbm4b:s2+s13], $0x80, s13, s13, $0xb8;
	[tilespmem:$0x10200] =	vst v63  }
0x34: {  	s21 =	smov.u32 s19  }
0x35: {  	p0 =	sne.s32 s19, $0x180;
	s19 =	sadd.s32 $0x40, s19;
	_ =	swait.ge [sflag:s16], $0x8000  }
0x36: {  	[sflag:s16] =	ssyncset.done $0x0  }
0x37: {  	[sflag:s16] =	ssyncadd.s32 $0xFFFF8000  }
0x38: {  	[hbm4b:s20+s3] =	stream.linear.scatter [tilespmem:s14], [sflag:$0x3], $0x8000, $0x38;
	[tilespmem:$0x10200] =	vst v63  }
0x39: {  	_ =	swait.ge [sflag:s12], $0x8000  }
0x3a: {  	[sflag:s12] =	ssyncset.done $0x0  }
0x3b: {  	s22 =	sadd.s32 s21, s11;
	[sflag:s12] =	ssyncadd.s32 $0xFFFF8000  }
0x3c: {  	[tilespmem:s3], [sflag:$0x3] =	stream.linear.gather [hbm4b:s22+s3], $0x100, $0x38;
	[tilespmem:$0x10200] =	vst v63  }
0x3d: {  	_ =	swait.ge [sflag:s12], $0x100  }
0x3e: {  	[sflag:s12] =	ssyncset.done $0x0  }
0x3f: {  	[sflag:s12] =	ssyncadd.s32 $0xFFFFFF00  }
0x40: {  	[tilespmem:s14], [sflag:$0x1] =	stream.indirect.gather [hbm4b:s2+s13], $0x80, s3, s13, $0xb8;
	[tilespmem:$0x10200] =	vst v63  }
0x41: {  	_ =	swait.ge [sflag:s17], $0x8000  }
0x42: {  	[sflag:s17] =	ssyncset.done $0x0  }
0x43: {  	s22 =	sadd.s32 $0x1000, s20;
	[sflag:s17] =	ssyncadd.s32 $0xFFFF8000  }
0x44: {  	[hbm4b:s22+s3] =	stream.linear.scatter [tilespmem:s15], [sflag:$0x3], $0x8000, $0x38;
	[tilespmem:$0x10200] =	vst v63  }
0x45: {  	_ =	swait.ge [sflag:s12], $0x8000  }
0x46: {  	[sflag:s12] =	ssyncset.done $0x0  }
.Ltmp0:
0x47: {  	s21 =	sadd.s32 s21, s10;
	[sflag:s12] =	ssyncadd.s32 $0xFFFF8000;
	(pc) =	sbr.rel @p0 .LBB2_2-.Ltmp0, $4  }
0x48: {  	[tilespmem:s13], [sflag:$0x3] =	stream.linear.gather [hbm4b:s21+s3], $0x100, $0x38;
	[tilespmem:$0x10200] =	vst v63  }
0x49: {  	_ =	swait.ge [sflag:s12], $0x100  }
0x4a: {  	[sflag:s12] =	ssyncset.done $0x0  }
0x4b: {  	s20 =	sadd.s32 $0x2000, s20;
	[sflag:s12] =	ssyncadd.s32 $0xFFFFFF00  }
0x4c: {  	[tilespmem:s15], [sflag:$0x2] =	stream.indirect.gather [hbm4b:s2+s13], $0x80, s13, s13, $0xb8;
	[tilespmem:$0x10200] =	vst v63  }
0x4d: {  	_ =	swait.ge [sflag:s16], $0x8000  }
0x4e: {  	[sflag:s16] =	ssyncset.done $0x0  }
0x4f: {  	[sflag:s16] =	ssyncadd.s32 $0xFFFF8000  }
0x50: {  	[hbm4b:s7+s3] =	stream.linear.scatter [tilespmem:s14], [sflag:$0x3], $0x8000, $0x38;
	[tilespmem:$0x10200] =	vst v63  }
0x51: {  	_ =	swait.ge [sflag:s12], $0x8000  }
0x52: {  	[sflag:s12] =	ssyncset.done $0x0  }
0x53: {  	[sflag:s12] =	ssyncadd.s32 $0xFFFF8000  }
0x54: {  	s18 =	sadd.s32 $0x1, s18;
	_ =	swait.ge [sflag:s17], $0x8000  }
0x55: {  	p0 =	sne.s32 s18, s6;
	[sflag:s17] =	ssyncset.done $0x0  }
.Ltmp1:
0x56: {  	[sflag:s17] =	ssyncadd.s32 $0xFFFF8000;
	(pc) =	sbr.rel @p0 .LBB2_1-.Ltmp1, $4  }
0x57: {  	[hbm4b:s8+s3] =	stream.linear.scatter [tilespmem:s15], [sflag:$0x3], $0x8000, $0x38;
	[tilespmem:$0x10200] =	vst v63  }
0x58: {  	_ =	swait.ge [sflag:s12], $0x8000  }
0x59: {  	[sflag:s12] =	ssyncset.done $0x0  }
0x5a: {  	[sflag:s12] =	ssyncadd.s32 $0xFFFF8000  }
0x5b: {  	_ =	sfence.sel $0x180000  }
0x5c: {  	[bflag:$0x0] =	sbarrier.arrive $0xFFFF  }
0x5d: {  	p0 =	sne.s32 s1, $0x0;
	_ =	strace $0x90000047  }
0x5e: {  	s0 =	sadd.s32 @!p0 $0x100000, s0;
	[bflag:$0x2] =	sbarrier.arrive $0xFFFF  }
0x5f: {  	[sflag:s0] =	ssyncadd.tile.s32 @!p0 $0x1;
	_ =	shalt  }
.Lfunc_end2:
_tile_overlayer_lowered:
.L_overlay_start_2:
0x60: {  	(tag) =	ssettag $0x2  }
0x61: {  	s0 =	rddreg [dreg:$0x0];
	s2 =	stileid.u32  }
0x62: {  	s1 =	rddreg [dreg:$0x1];
	p0 =	sne.s32 s2, $0x0  }
0x63: {  	s3 =	rddreg [dreg:$0x2];
	[bflag:$0x3] =	sbarrier.arrive $0xFFFF;
	s2 =	simm.s32 @!p0 $0x1C03  }
0x64: {  	[timem:s3], [sflag:s2] =	dma.local @!p0 [hbm:s0], s1  }
0x65: {  	s0 =	simm.s32 @!p0 $0x3  }
0x66: {  	_ =	swait.ge @!p0 [sflag:s0], s1  }
0x67: {  	s1 =	ssub.s32 @!p0 $0x0, s1;
	[sflag:s0] =	ssyncset.done @!p0 $0x0  }
0x68: {  	[sflag:s0] =	ssyncadd.s32 @!p0 s1  }
0x69: {  	[bflag:$0x3] =	sbarrier.arrive $0xFFFF  }
0x6a: {  	_ =	shalt  }

// kernel: kernel.17.cloned.1.call-start
scs
__scs_entry_jumppad:
0x0: {  	(pc) =	sbr.rel $0x88, $3  }
0x1: {  	(tag) =	ssettag $0x0;
	lr =	simm.s32 $0x1  }
0x2: {  	[smem:$0x3F7B] =	sst lr;
	_ =	strace $0xD0000000  }
0x3: {  	_ = 	snop  }
0x4: {  	_ = 	snop  }
0x5: {  	_ = 	snop  }
0x6: {  	_ = 	snop  }
0x7: {  	_ = 	snop  }
__scs_overlays_trampoline_lowered:
0x8: {  	[smem:$0x3F8A] =	sst s0  }
0x9: {  	[smem:$0x3F8B] =	sst s1  }
0xa: {  	[smem:$0x3F8C] =	sst s2  }
0xb: {  	[smem:$0x3F8D] =	sst s3  }
0xc: {  	[smem:$0x3F8E] =	sst s4  }
0xd: {  	[smem:$0x3F8F] =	sst s5  }
0xe: {  	[smem:$0x3F90] =	sst s6  }
0xf: {  	[smem:$0x3F91] =	sst s7  }
0x10: {  	[smem:$0x3F92] =	sst s8  }
0x11: {  	[smem:$0x3F93] =	sst s9;
	s0 =	simm.s32 @!p0 $0x0  }
0x12: {  	s1 =	sld [smem:$0x3F79];
	s0 =	simm.s32 @p0 $0x1  }
0x13: {  	[smem:$0x3F94] =	sst s0;
	s0 =	simm.s32 @!p1 $0x0  }
0x14: {  	s2 =	sld [smem:$0x3F78];
	s0 =	simm.s32 @p1 $0x1  }
0x15: {  	[smem:$0x3F95] =	sst s0;
	s0 =	simm.s32 @!p2 $0x0  }
0x16: {  	s3 =	sld [smem:$0x3FDB];
	s0 =	simm.s32 @p2 $0x1  }
0x17: {  	s4 =	simm.s32 $0x1BF5;
	[smem:$0x3F97] =	sst s0  }
0x18: {  	s0 =	sld [smem:$0x3F7A];
	_ =	swait.ge [sflag:s4], $0x0  }
0x19: {  	s7 =	sld [smem:$0x3F7B]  }
0x1a: {  	s8 =	sadd.s32 $0xFFFFE003, lr  }
0x1b: {  	s9 =	sadd.s32 $0xFFFFFEF7, lr;
	s5 =	simm.s32 $0xFFFFFFFF;
	p2 =	slt.u32 s8, $0xFFFFF086  }
0x1c: {  	p1 =	slt.u32 s9, $0xF7A;
	s5 =	simm.s32 @!p2 $0x0  }
0x1d: {  	s5 =	simm.s32 @p1 $0x1;
	p0 =	seq.s32 s7, s2  }
0x1e: {  	s7 =	smul.u32 @!p0 $0xF7A, s2;
	p2 =	seq.s32 @!p0 s5, $0x0  }
0x1f: {  	s9 =	smul.u32 $0xF7A, s1;
	s8 =	simm.s32 @!p0 $0x1BF5;
	p2 =	por !p2, p0  }
0x20: {  	[sflag:s8] =	ssyncset.s32 @!p0 $0xFFFFF086;
	s6 =	sadd.s32 @!p0 s3, s7;
	s7 =	simm.s32 @!p0 $0x108  }
0x21: {  	s3 =	sadd.s32 s3, s9;
	s6 =	sadd.s32 @!p0 $0x88, s6;
	s7 =	simm.s32 @p2 $0x1082  }
0x22: {  	[simem:s7], [sflag:s8] =	dma.local @!p0 [hbm:s6], $0xF7A  }
0x23: {  	s9 =	sor.u32 $0xD0000000, s2;
	s6 =	simm.s32 $0x108;
	_ =	swait.ge @!p0 [sflag:s8], $0x0  }
0x24: {  	s3 =	sadd.s32 $0x88, s3;
	s6 =	simm.s32 @!p1 $0x1082;
	[sflag:s4] =	ssyncset.s32 $0xFFFFF086  }
0x25: {  	[simem:s6], [sflag:s4] =	dma.local [hbm:s3], $0xF7A  }
0x26: {  	[smem:$0x3F7B] =	sst s1;
	(tag) =	ssettag s2;
	_ =	strace s9  }
0x27: {  	s1 =	sld [smem:$0x3F8B]  }
0x28: {  	s2 =	sld [smem:$0x3F8C]  }
0x29: {  	s4 =	sld [smem:$0x3F8E]  }
0x2a: {  	p0 =	seq.s32 s5, $0x0;
	s5 =	sld [smem:$0x3F8F]  }
0x2b: {  	s6 =	sld [smem:$0x3F90]  }
0x2c: {  	s7 =	sld [smem:$0x3F91]  }
0x2d: {  	s3 =	simm.s32 $0x108;
	s8 =	sld [smem:$0x3F92]  }
0x2e: {  	s3 =	simm.s32 @!p0 $0x1082;
	s9 =	sld [smem:$0x3F93]  }
0x2f: {  	lr =	sadd.s32 s0, s3;
	s0 =	sld [smem:$0x3F8A]  }
0x30: {  	s3 =	sld [smem:$0x3F8D]  }
0x31: {  	[smem:$0x3F96] =	sst s10  }
0x32: {  	s10 =	sld [smem:$0x3F94];
	_ =	sdelay $0x3  }
0x33: {  	p0 =	seq.s32 s10, $0x1;
	s10 =	sld [smem:$0x3F96];
	_ =	sdelay $0x3  }
0x34: {  	[smem:$0x3F96] =	sst s10  }
0x35: {  	s10 =	sld [smem:$0x3F95];
	_ =	sdelay $0x3  }
0x36: {  	p1 =	seq.s32 s10, $0x1;
	s10 =	sld [smem:$0x3F96];
	_ =	sdelay $0x3  }
0x37: {  	[smem:$0x3F96] =	sst s10  }
0x38: {  	s10 =	sld [smem:$0x3F97]  }
0x39: {  	_ = 	snop;
	(pc) =	sbr.ind lr, $3  }
0x3a: {  	_ = 	snop  }
0x3b: {  	_ = 	snop  }
0x3c: {  	p2 =	seq.s32 s10, $0x1;
	s10 =	sld [smem:$0x3F96]  }
0x3d: {  	_ =	shalt  }
0x3e: {  	_ =	shalt  }
0x3f: {  	_ =	shalt  }
0x40: {  	_ =	shalt  }
0x41: {  	_ =	shalt  }
0x42: {  	_ =	shalt  }
0x43: {  	_ =	shalt  }
0x44: {  	_ =	shalt  }
0x45: {  	_ =	shalt  }
0x46: {  	_ =	shalt  }
0x47: {  	_ =	shalt  }
0x48: {  	_ =	shalt  }
0x49: {  	_ =	shalt  }
0x4a: {  	_ =	shalt  }
0x4b: {  	_ =	shalt  }
0x4c: {  	_ =	shalt  }
0x4d: {  	_ =	shalt  }
0x4e: {  	_ =	shalt  }
0x4f: {  	_ =	shalt  }
0x50: {  	_ =	shalt  }
0x51: {  	_ =	shalt  }
0x52: {  	_ =	shalt  }
0x53: {  	_ =	shalt  }
0x54: {  	_ =	shalt  }
0x55: {  	_ =	shalt  }
0x56: {  	_ =	shalt  }
0x57: {  	_ =	shalt  }
0x58: {  	_ =	shalt  }
0x59: {  	_ =	shalt  }
0x5a: {  	_ =	shalt  }
0x5b: {  	_ =	shalt  }
0x5c: {  	_ =	shalt  }
0x5d: {  	_ =	shalt  }
0x5e: {  	_ =	shalt  }
0x5f: {  	_ =	shalt  }
0x60: {  	_ =	shalt  }
0x61: {  	_ =	shalt  }
0x62: {  	_ =	shalt  }
0x63: {  	_ =	shalt  }
0x64: {  	_ =	shalt  }
0x65: {  	_ =	shalt  }
0x66: {  	_ =	shalt  }
0x67: {  	_ =	shalt  }
0x68: {  	_ =	shalt  }
0x69: {  	_ =	shalt  }
0x6a: {  	_ =	shalt  }
0x6b: {  	_ =	shalt  }
0x6c: {  	_ =	shalt  }
0x6d: {  	_ =	shalt  }
0x6e: {  	_ =	shalt  }
0x6f: {  	_ =	shalt  }
0x70: {  	_ =	shalt  }
0x71: {  	_ =	shalt  }
0x72: {  	_ =	shalt  }
0x73: {  	_ =	shalt  }
0x74: {  	_ =	shalt  }
0x75: {  	_ =	shalt  }
0x76: {  	_ =	shalt  }
0x77: {  	_ =	shalt  }
0x78: {  	_ =	shalt  }
0x79: {  	_ =	shalt  }
0x7a: {  	_ =	shalt  }
0x7b: {  	_ =	shalt  }
0x7c: {  	_ =	shalt  }
0x7d: {  	_ =	shalt  }
0x7e: {  	_ =	shalt  }
0x7f: {  	_ =	shalt  }
0x80: {  	_ =	shalt  }
0x81: {  	_ =	shalt  }
0x82: {  	_ =	shalt  }
0x83: {  	_ =	shalt  }
0x84: {  	_ =	shalt  }
0x85: {  	_ =	shalt  }
0x86: {  	_ =	shalt  }
0x87: {  	_ =	shalt  }
.Lfunc_end0:
.L_simem_size_0:
called_computation.1_lowered:
.L_overlay_start_0:
0x88: {  	s2 =	sld [smem:$0x3FD9]  }
0x89: {  	s3 =	sld [smem:$0x3FFE];
	_ =	sdelay $0x1  }
0x8a: {  	s1 =	srdreg.scid  }
0x8b: {  	s0 =	sand.u32 $0x1, s1  }
0x8c: {  	s17 =	sshll.u32 s0, $0xA;
	s2 =	sadd.s32 s3, s2  }
0x8d: {  	s2 =	sadd.s32 s2, s17  }
0x8e: {  	[smem:$0x3FA2] =	sst s2  }
0x8f: {  	_ = 	snop  }
0x90: {  	(tm) =	ssettm $0x1  }
0x91: {  	s18 =	sld [smem:$0x3FFB];
	_ =	sdelay $0x3  }
0x92: {  	_ =	strace s18  }
0x93: {  	s2 =	sld [smem:$0x3FFC];
	_ =	sdelay $0x3  }
0x94: {  	_ =	strace s2  }
0x95: {  	s2 =	sld [smem:$0x3FFD];
	_ =	sdelay $0x3  }
0x96: {  	_ =	strace s2  }
0x97: {  	_ =	strace $0x8FFFFFFF  }
0x98: {  	s19 =	sld [smem:$0x3FDB];
	_ =	sdelay $0x1  }
0x99: {  	s20 =	simm.s32 $_scs_section_size  }
0x9a: {  	s4 =	simm.s32 $_size__tile_overlayer_lowered;
	s5 =	simm.s32 $_tile_overlayer_lowered  }
0x9b: {  	s6 =	simm.s32 $0x1BFF;
	s21 =	sshll.u32 s5, $0x1;
	s3 =	sadd.s32 s20, s19  }
0x9c: {  	s22 =	simm.s32 $0x0;
	s4 =	sshll.u32 s4, $0x1;
	s5 =	sadd.s32 s21, s3  }
0x9d: {  	[timem:s22], [sflag:s6] =	dma.local [hbm:s5], s4  }
0x9e: {  	_ =	swait.ge [sflag:s6], s4  }
0x9f: {  	s4 =	ssub.s32 $0x0, s4;
	[sflag:s6] =	ssyncset.done $0x0  }
0xa0: {  	[sflag:s6] =	ssyncadd.s32 s4;
	_ =	sdelay $0x1  }
0xa1: {  	s23 =	simm.s32 $0x1B8B  }
0xa2: {  	_ =	swait.ge [sflag:s23], $0x1  }
0xa3: {  	[sflag:s23] =	ssyncset.done $0x0  }
0xa4: {  	[sflag:s23] =	ssyncadd.s32 $0xFFFFFFFF  }
0xa5: {  	s4 =	sld [smem:$0x0]  }
0xa6: {  	s5 =	sand.u32 $0xFFFFFFFE, s1  }
0xa7: {  	p0 =	sne.s32 s1, s5  }
0xa8: {  	s5 =	sshll.u32 @p0 s5, $0xE  }
0xa9: {  	s5 =	sadd.s32 @p0 $0x11B8D, s5;
	s6 =	sshll.u32 @p0 s4, $0x11  }
0xaa: {  	s5 =	sor.u32 @p0 s6, s5  }
0xab: {  	[sflag:s5] =	ssyncadd.remote.s32 @p0 $0x1;
	_ =	sdelay $0x1  }
0xac: {  	s5 =	simm.s32 @p0 $0x1B8D  }
0xad: {  	_ =	swait.eq @p0 [sflag:s5], $0x1  }
0xae: {  	[sflag:s5] =	ssyncadd.s32 @p0 $0xFFFFFFFF  }
0xaf: {  	s6 =	sshll.u32 @!p0 s1, $0xE  }
0xb0: {  	s6 =	sor.u32 @!p0 $0x4000, s6;
	s5 =	simm.s32 @!p0 $0x1B8D  }
0xb1: {  	s4 =	sshll.u32 @!p0 s4, $0x11;
	s6 =	sadd.s32 @!p0 $0x11B8D, s6;
	_ =	swait.eq @!p0 [sflag:s5], $0x1  }
0xb2: {  	s4 =	sor.u32 @!p0 s4, s6;
	[sflag:s5] =	ssyncadd.s32 @!p0 $0xFFFFFFFF  }
0xb3: {  	s25 =	simm.s32 $0x1B8E;
	s24 =	sld [smem:$0x3FFE];
	[sflag:s4] =	ssyncadd.remote.s32 @!p0 $0x1  }
0xb4: {  	s26 =	simm.s32 $execute0_lowered;
	[smem:$0x3FD2] =	sst s25  }
0xb5: {  	s5 =	sshll.u32 s26, $0x1;
	_ =	strace $0x80000049;
	[dreg:$0x1] =	wrdreg $0xFFFFFFFF  }
0xb6: {  	s28 =	simm.s32 $_size_execute0_lowered;
	s3 =	sadd.s32 s3, s5;
	[dreg:$0x0] =	wrdreg $0x0  }
0xb7: {  	s5 =	sshll.u32 s28, $0x1;
	[dreg:$0x2] =	wrdreg s3  }
0xb8: {  	[dreg:$0x3] =	wrdreg s5  }
0xb9: {  	[dreg:$0x4] =	wrdreg $0xC0  }
0xba: {  	_ =	task [dreg:s22], $0x5FFFF  }
0xbb: {  	[dreg:$0x1] =	wrdreg $0xFFFFFFFF  }
0xbc: {  	[dreg:$0x0] =	wrdreg $0x60  }
0xbd: {  	[dreg:$0x2] =	wrdreg s24  }
0xbe: {  	[dreg:$0x3] =	wrdreg $0xA  }
0xbf: {  	_ =	task.clear_ibuf [dreg:s22], $0x4FFFF;
	_ =	strace $0x90000049  }
0xc0: {  	s29 =	simm.s32 $0xA;
	_ =	strace $0x8000004B  }
0xc1: {  	_ =	swait.ge [sflag:s29], $0x1  }
0xc2: {  	[sflag:s29] =	ssyncadd.s32 $0xFFFFFFFF  }
0xc3: {  	_ =	strace $0x9000004B  }
0xc4: {  	_ =	sfence  }
0xc5: {  	s30 =	sld [smem:$0x0];
	_ =	sdelay $0x2  }
0xc6: {  	s31 =	sshll.u32 s1, $0xD;
	s1 =	sshrl.u32 s1, $0x2  }
0xc7: {  	s4 =	sand.u32 $0x4000, s31;
	s1 =	sadd.s32 s1, s30  }
0xc8: {  	s0 =	sor.u32 s4, s0;
	s1 =	sshll.u32 s1, $0x11  }
0xc9: {  	s0 =	sor.u32 s1, s0  }
0xca: {  	s0 =	sadd.s32 $0x8F2B, s0  }
0xcb: {  	[sflag:s0] =	ssyncadd.remote.s32 $0x1  }
0xcc: {  	_ =	sfence.sel $0xFFFF  }
0xcd: {  	[dreg:$0x0] =	wrdreg $0xFFFFFFFF;
	(pc) =	sbr.abs _section_cstart, $3  }
0xce: {  	[dreg:$0x1] =	wrdreg $0xFFFFFFFF  }
0xcf: {  	_ =	task.clear_ibuf [dreg:s22], $0x2FFFF;
	_ =	strace $0x9FFFFFFF  }
0xd0: {  	(tm) =	ssettm $0x7FFFFFFF  }
0xd1: {  	_ =	shalt  }
tec
execute0_lowered:
.L_overlay_start_1:
0x0: {  	(tag) =	ssettag $0x1  }
0x1: {  	s0 =	rddreg [dreg:$0x0];
	s2 =	simm.s32 $0x0;
	s1 =	srdreg.scid  }
0x2: {  	s8 =	stileid.u32;
	s10 =	simm.s32 $0x3;
	s11 =	simm.s32 $0x100  }
0x3: {  	s28 =	simm.s32 $0x80;
	s29 =	simm.s32 $0x8100;
	s30 =	simm.s32 $0x8900  }
0x4: {  	s31 =	simm.s32 $0x9100;
	s12 =	simm.s32 $0xC900;
	s13 =	simm.s32 $0xD100  }
0x5: {  	s14 =	simm.s32 $0xD900;
	s15 =	simm.s32 $0xE100;
	s16 =	simm.s32 $0xE900  }
0x6: {  	s17 =	simm.s32 $0xF100;
	s18 =	simm.s32 $0xF900;
	s19 =	simm.s32 $0x1  }
0x7: {  	[smem:$0x7FF] =	sst s2;
	s1 =	sand.u32 $0x1, s1;
	s4 =	sadd.s32 $0x2200, s0  }
0x8: {  	s5 =	sshll.u32 s8, $0xD;
	s3 =	sadd.s32 $0x226200, s0;
	s20 =	sshll.u32 s8, $0x12  }
0x9: {  	_ =	strace $0x8000004A;
	s6 =	sshll.u32 s1, $0xC;
	s7 =	ssub.s32 $0x2, s1  }
0xa: {  	s0 =	sadd.s32 s20, s0;
	s1 =	sshll.u32 s1, $0x11;
	s20 =	simm.s32 $0x2  }
0xb: {  	s5 =	sor.u32 s6, s5;
	s21 =	sshrl.u32 s7, $0x1;
	s0 =	sadd.s32 s1, s0  }
0xc: {  	s1 =	simm.s32 $0xA100;
	s9 =	sshrl.u32 s5, $0x3;
	s22 =	ssub.s32 s7, s21  }
0xd: {  	s24 =	sor.u32 $0x180, s5;
	s5 =	sor.u32 $0x100, s5;
	s0 =	sadd.s32 $0x286E00, s0  }
0xe: {  	s23 =	sadd.s32 s4, s9;
	s6 =	smax.u32 s22, $0x1;
	[dreg:$0x5] =	wrdreg s0  }
0xf: {  	s25 =	sshrl.u32 s24, $0x3;
	s26 =	sshrl.u32 s5, $0x3;
	s24 =	simm.s32 $0x6900  }
.Ltmp0:
0x10: {  	s0 =	simm.s32 $0x9900;
	s5 =	simm.s32 $0xA900;
	(pc) =	sbr.rel .LBB2_1-.Ltmp0, $4  }
0x11: {  	s22 =	simm.s32 $0x0;
	[dreg:$0x2] =	wrdreg s23;
	s7 =	sadd.s32 $0x10, s23  }
0x12: {  	v2 =	vlaneseq.u32;
	[dreg:$0x4] =	wrdreg s6;
	s8 =	sadd.s32 s25, s4;
	s9 =	sadd.s32 s26, s4  }
0x13: {  	vm0 =	vmmov $0xffff;
	v1 =	vshrl.u32 v2, $0x3;
	s25 =	simm.s32 $0x7100;
	s26 =	simm.s32 $0x7900;
	s6 =	simm.s32 $0xB100  }
0x14: {  	v0 =	vand.u32 $0x7, v2;
	v2 =	vor.u32 $0x8, v2;
	v1 =	vmul.u32 $0x8, v1;
	s4 =	simm.s32 $0xC100;
	[dreg:$0x3] =	wrdreg s7;
	s7 =	simm.s32 $0xB900  }
.LBB2_6:
0x15: {  	s22 =	rddreg [dreg:$0x6]  }
0x16: {  	s21 =	rddreg [dreg:$0x4];
	s22 =	sadd.s32 $0x1, s22  }
0x17: {  	p0 =	sne.s32 s22, s21  }
.Ltmp1:
0x18: {  	_ = 	snop;
	(pc) =	sbr.rel @!p0 .LBB2_7-.Ltmp1, $1  }
0x19: {  	_ =	sdelay $0x3  }
.LBB2_1:
0x1a: {  	[dreg:$0x6] =	wrdreg s22  }
0x1b: {  	s21 =	rddreg [dreg:$0x2]  }
0x1c: {  	[tilespmem:s2], [sflag:$0x3] =	stream.linear.gather [hbm4b:s21+s2], $0x80, $0x38;
	[tilespmem:$0x10100] =	vst v63  }
0x1d: {  	_ =	swait.ge [sflag:s10], $0x80  }
0x1e: {  	[sflag:s10] =	ssyncset.done $0x0  }
0x1f: {  	[sflag:s10] =	ssyncadd.s32 $0xFFFFFF80  }
0x20: {  	v3 =	vld [tilespmem:$0x0];
	_ =	sdelay $0x4  }
0x21: {  	v4 =	vshll.u32 v3, $0x1  }
0x22: {  	v3 =	vand.u32 $0x7, v3;
	v4 =	vand.u32 $0xFFFFFFF0, v4  }
0x23: {  	v3 =	vor.u32 v3, v4  }
0x24: {  	v4 =	vperm.xlane v3, v0;
	_ =	sdelay $0x1  }
0x25: {  	v3 =	vperm.xlane v3, v2;
	v4 =	vadd.s32 v1, v4;
	_ =	sdelay $0x1  }
0x26: {  	v3 =	vadd.s32 v1, v3;
	_ =	sdelay $0x2  }
0x27: {  	[tilespmem:s11], [sflag:$0x1] =	stream.indirect_vreg.gather [hbm4b:s3+s2], $0x80, v4, vm0, $0xb8;
	[tilespmem:$0x10100] =	vst v63  }
0x28: {  	s23 =	simm.s32 $0x900  }
0x29: {  	[tilespmem:s23], [sflag:$0x1] =	stream.indirect_vreg.gather [hbm4b:s3+s2], $0x80, v3, vm0, $0xb8;
	[tilespmem:$0x10100] =	vst v63  }
0x2a: {  	v3 =	vld [tilespmem:$0x10];
	_ =	sdelay $0x4  }
0x2b: {  	v49 =	vshll.u32 v3, $0x1  }
0x2c: {  	v3 =	vand.u32 $0x7, v3;
	v4 =	vand.u32 $0xFFFFFFF0, v49  }
0x2d: {  	v3 =	vor.u32 v3, v4  }
0x2e: {  	v4 =	vperm.xlane v3, v0;
	_ =	sdelay $0x1  }
0x2f: {  	v3 =	vperm.xlane v3, v2;
	v4 =	vadd.s32 v1, v4;
	_ =	sdelay $0x1  }
0x30: {  	v3 =	vadd.s32 v1, v3;
	_ =	sdelay $0x1  }
0x31: {  	s22 =	simm.s32 $0x1100  }
0x32: {  	[tilespmem:s22], [sflag:$0x1] =	stream.indirect_vreg.gather [hbm4b:s3+s2], $0x80, v4, vm0, $0xb8;
	[tilespmem:$0x10100] =	vst v63  }
0x33: {  	s23 =	simm.s32 $0x1900  }
0x34: {  	[tilespmem:s23], [sflag:$0x1] =	stream.indirect_vreg.gather [hbm4b:s3+s2], $0x80, v3, vm0, $0xb8;
	[tilespmem:$0x10100] =	vst v63  }
0x35: {  	v3 =	vld [tilespmem:$0x20];
	_ =	sdelay $0x4  }
0x36: {  	v50 =	vshll.u32 v3, $0x1  }
0x37: {  	v3 =	vand.u32 $0x7, v3;
	v4 =	vand.u32 $0xFFFFFFF0, v50  }
0x38: {  	v3 =	vor.u32 v3, v4  }
0x39: {  	v4 =	vperm.xlane v3, v0;
	_ =	sdelay $0x1  }
0x3a: {  	v3 =	vperm.xlane v3, v2;
	v4 =	vadd.s32 v1, v4;
	_ =	sdelay $0x1  }
0x3b: {  	v3 =	vadd.s32 v1, v3;
	_ =	sdelay $0x1  }
0x3c: {  	s22 =	simm.s32 $0x2100  }
0x3d: {  	[tilespmem:s22], [sflag:$0x1] =	stream.indirect_vreg.gather [hbm4b:s3+s2], $0x80, v4, vm0, $0xb8;
	[tilespmem:$0x10100] =	vst v63  }
0x3e: {  	s23 =	simm.s32 $0x2900  }
0x3f: {  	[tilespmem:s23], [sflag:$0x1] =	stream.indirect_vreg.gather [hbm4b:s3+s2], $0x80, v3, vm0, $0xb8;
	[tilespmem:$0x10100] =	vst v63  }
0x40: {  	v3 =	vld [tilespmem:$0x30];
	_ =	sdelay $0x4  }
0x41: {  	v51 =	vshll.u32 v3, $0x1  }
0x42: {  	v3 =	vand.u32 $0x7, v3;
	v4 =	vand.u32 $0xFFFFFFF0, v51  }
0x43: {  	v3 =	vor.u32 v3, v4  }
0x44: {  	v4 =	vperm.xlane v3, v0;
	_ =	sdelay $0x1  }
0x45: {  	v3 =	vperm.xlane v3, v2;
	v4 =	vadd.s32 v1, v4;
	_ =	sdelay $0x1  }
0x46: {  	v3 =	vadd.s32 v1, v3;
	_ =	sdelay $0x1  }
0x47: {  	s22 =	simm.s32 $0x3100  }
0x48: {  	[tilespmem:s22], [sflag:$0x1] =	stream.indirect_vreg.gather [hbm4b:s3+s2], $0x80, v4, vm0, $0xb8;
	[tilespmem:$0x10100] =	vst v63  }
0x49: {  	s23 =	simm.s32 $0x3900  }
0x4a: {  	[tilespmem:s23], [sflag:$0x1] =	stream.indirect_vreg.gather [hbm4b:s3+s2], $0x80, v3, vm0, $0xb8;
	[tilespmem:$0x10100] =	vst v63  }
0x4b: {  	v3 =	vld [tilespmem:$0x40];
	_ =	sdelay $0x4  }
0x4c: {  	v52 =	vshll.u32 v3, $0x1  }
0x4d: {  	v3 =	vand.u32 $0x7, v3;
	v4 =	vand.u32 $0xFFFFFFF0, v52  }
0x4e: {  	v3 =	vor.u32 v3, v4  }
0x4f: {  	v4 =	vperm.xlane v3, v0;
	_ =	sdelay $0x1  }
0x50: {  	v3 =	vperm.xlane v3, v2;
	v4 =	vadd.s32 v1, v4;
	_ =	sdelay $0x1  }
0x51: {  	v3 =	vadd.s32 v1, v3;
	_ =	sdelay $0x1  }
0x52: {  	s22 =	simm.s32 $0x4100  }
0x53: {  	[tilespmem:s22], [sflag:$0x1] =	stream.indirect_vreg.gather [hbm4b:s3+s2], $0x80, v4, vm0, $0xb8;
	[tilespmem:$0x10100] =	vst v63  }
0x54: {  	s23 =	simm.s32 $0x4900  }
0x55: {  	[tilespmem:s23], [sflag:$0x1] =	stream.indirect_vreg.gather [hbm4b:s3+s2], $0x80, v3, vm0, $0xb8;
	[tilespmem:$0x10100] =	vst v63  }
0x56: {  	v3 =	vld [tilespmem:$0x50];
	_ =	sdelay $0x4  }
0x57: {  	v53 =	vshll.u32 v3, $0x1  }
0x58: {  	v3 =	vand.u32 $0x7, v3;
	v4 =	vand.u32 $0xFFFFFFF0, v53  }
0x59: {  	v3 =	vor.u32 v3, v4  }
0x5a: {  	v4 =	vperm.xlane v3, v0;
	_ =	sdelay $0x1  }
0x5b: {  	v3 =	vperm.xlane v3, v2;
	v4 =	vadd.s32 v1, v4;
	_ =	sdelay $0x1  }
0x5c: {  	v3 =	vadd.s32 v1, v3;
	_ =	sdelay $0x1  }
0x5d: {  	s22 =	simm.s32 $0x5100  }
0x5e: {  	[tilespmem:s22], [sflag:$0x1] =	stream.indirect_vreg.gather [hbm4b:s3+s2], $0x80, v4, vm0, $0xb8;
	[tilespmem:$0x10100] =	vst v63  }
0x5f: {  	s23 =	simm.s32 $0x5900  }
0x60: {  	[tilespmem:s23], [sflag:$0x1] =	stream.indirect_vreg.gather [hbm4b:s3+s2], $0x80, v3, vm0, $0xb8;
	[tilespmem:$0x10100] =	vst v63  }
0x61: {  	v3 =	vld [tilespmem:$0x60];
	_ =	sdelay $0x4  }
0x62: {  	v54 =	vshll.u32 v3, $0x1  }
0x63: {  	v3 =	vand.u32 $0x7, v3;
	v4 =	vand.u32 $0xFFFFFFF0, v54  }
0x64: {  	v3 =	vor.u32 v3, v4  }
0x65: {  	v4 =	vperm.xlane v3, v0;
	_ =	sdelay $0x1  }
0x66: {  	v3 =	vperm.xlane v3, v2;
	v4 =	vadd.s32 v1, v4;
	_ =	sdelay $0x1  }
0x67: {  	v3 =	vadd.s32 v1, v3;
	_ =	sdelay $0x1  }
0x68: {  	s22 =	simm.s32 $0x6100  }
0x69: {  	[tilespmem:s22], [sflag:$0x1] =	stream.indirect_vreg.gather [hbm4b:s3+s2], $0x80, v4, vm0, $0xb8;
	[tilespmem:$0x10100] =	vst v63  }
0x6a: {  	_ = 	snop  }
0x6b: {  	[tilespmem:s24], [sflag:$0x1] =	stream.indirect_vreg.gather [hbm4b:s3+s2], $0x80, v3, vm0, $0xb8;
	[tilespmem:$0x10100] =	vst v63  }
0x6c: {  	v3 =	vld [tilespmem:$0x70];
	_ =	sdelay $0x4  }
0x6d: {  	v55 =	vshll.u32 v3, $0x1  }
0x6e: {  	v3 =	vand.u32 $0x7, v3;
	v4 =	vand.u32 $0xFFFFFFF0, v55  }
0x6f: {  	v3 =	vor.u32 v3, v4  }
0x70: {  	v4 =	vperm.xlane v3, v0;
	_ =	sdelay $0x1  }
0x71: {  	v3 =	vperm.xlane v3, v2;
	v4 =	vadd.s32 v1, v4;
	_ =	sdelay $0x1  }
0x72: {  	v3 =	vadd.s32 v1, v3;
	_ =	sdelay $0x2  }
0x73: {  	[tilespmem:s25], [sflag:$0x1] =	stream.indirect_vreg.gather [hbm4b:s3+s2], $0x80, v4, vm0, $0xb8;
	[tilespmem:$0x10100] =	vst v63  }
0x74: {  	_ = 	snop  }
0x75: {  	[tilespmem:s26], [sflag:$0x1] =	stream.indirect_vreg.gather [hbm4b:s3+s2], $0x80, v3, vm0, $0xb8;
	[tilespmem:$0x10100] =	vst v63  }
0x76: {  	s23 =	rddreg [dreg:$0x3]  }
0x77: {  	[tilespmem:s28], [sflag:$0x3] =	stream.linear.gather [hbm4b:s23+s2], $0x80, $0x38;
	[tilespmem:$0x10100] =	vst v63  }
0x78: {  	_ =	swait.ge [sflag:s10], $0x80  }
0x79: {  	[sflag:s10] =	ssyncset.done $0x0  }
0x7a: {  	[sflag:s10] =	ssyncadd.s32 $0xFFFFFF80  }
0x7b: {  	v3 =	vld [tilespmem:$0x80];
	_ =	sdelay $0x4  }
0x7c: {  	v56 =	vshll.u32 v3, $0x1  }
0x7d: {  	v3 =	vand.u32 $0x7, v3;
	v4 =	vand.u32 $0xFFFFFFF0, v56  }
0x7e: {  	v3 =	vor.u32 v3, v4  }
0x7f: {  	v4 =	vperm.xlane v3, v0;
	_ =	sdelay $0x1  }
0x80: {  	v3 =	vperm.xlane v3, v2;
	v4 =	vadd.s32 v1, v4;
	_ =	sdelay $0x1  }
0x81: {  	v3 =	vadd.s32 v1, v3;
	_ =	sdelay $0x2  }
0x82: {  	[tilespmem:s29], [sflag:$0x2] =	stream.indirect_vreg.gather [hbm4b:s3+s2], $0x80, v4, vm0, $0xb8;
	[tilespmem:$0x10100] =	vst v63  }
0x83: {  	_ = 	snop  }
0x84: {  	[tilespmem:s30], [sflag:$0x2] =	stream.indirect_vreg.gather [hbm4b:s3+s2], $0x80, v3, vm0, $0xb8;
	[tilespmem:$0x10100] =	vst v63  }
0x85: {  	v3 =	vld [tilespmem:$0x90];
	_ =	sdelay $0x4  }
0x86: {  	v57 =	vshll.u32 v3, $0x1  }
0x87: {  	v3 =	vand.u32 $0x7, v3;
	v4 =	vand.u32 $0xFFFFFFF0, v57  }
0x88: {  	v3 =	vor.u32 v3, v4  }
0x89: {  	v4 =	vperm.xlane v3, v0;
	_ =	sdelay $0x1  }
0x8a: {  	v3 =	vperm.xlane v3, v2;
	v4 =	vadd.s32 v1, v4;
	_ =	sdelay $0x1  }
0x8b: {  	v3 =	vadd.s32 v1, v3;
	_ =	sdelay $0x2  }
0x8c: {  	[tilespmem:s31], [sflag:$0x2] =	stream.indirect_vreg.gather [hbm4b:s3+s2], $0x80, v4, vm0, $0xb8;
	[tilespmem:$0x10100] =	vst v63  }
0x8d: {  	_ = 	snop  }
0x8e: {  	[tilespmem:s0], [sflag:$0x2] =	stream.indirect_vreg.gather [hbm4b:s3+s2], $0x80, v3, vm0, $0xb8;
	[tilespmem:$0x10100] =	vst v63  }
0x8f: {  	v3 =	vld [tilespmem:$0xA0];
	_ =	sdelay $0x4  }
0x90: {  	v58 =	vshll.u32 v3, $0x1  }
0x91: {  	v3 =	vand.u32 $0x7, v3;
	v4 =	vand.u32 $0xFFFFFFF0, v58  }
0x92: {  	v3 =	vor.u32 v3, v4  }
0x93: {  	v4 =	vperm.xlane v3, v0;
	_ =	sdelay $0x1  }
0x94: {  	v3 =	vperm.xlane v3, v2;
	v4 =	vadd.s32 v1, v4;
	_ =	sdelay $0x1  }
0x95: {  	v3 =	vadd.s32 v1, v3;
	_ =	sdelay $0x2  }
0x96: {  	[tilespmem:s1], [sflag:$0x2] =	stream.indirect_vreg.gather [hbm4b:s3+s2], $0x80, v4, vm0, $0xb8;
	[tilespmem:$0x10100] =	vst v63  }
0x97: {  	_ = 	snop  }
0x98: {  	[tilespmem:s5], [sflag:$0x2] =	stream.indirect_vreg.gather [hbm4b:s3+s2], $0x80, v3, vm0, $0xb8;
	[tilespmem:$0x10100] =	vst v63  }
0x99: {  	v3 =	vld [tilespmem:$0xB0];
	_ =	sdelay $0x4  }
0x9a: {  	v59 =	vshll.u32 v3, $0x1  }
0x9b: {  	v3 =	vand.u32 $0x7, v3;
	v4 =	vand.u32 $0xFFFFFFF0, v59  }
0x9c: {  	v3 =	vor.u32 v3, v4  }
0x9d: {  	v4 =	vperm.xlane v3, v0;
	_ =	sdelay $0x1  }
0x9e: {  	v3 =	vperm.xlane v3, v2;
	v4 =	vadd.s32 v1, v4;
	_ =	sdelay $0x1  }
0x9f: {  	v3 =	vadd.s32 v1, v3;
	_ =	sdelay $0x2  }
0xa0: {  	[tilespmem:s6], [sflag:$0x2] =	stream.indirect_vreg.gather [hbm4b:s3+s2], $0x80, v4, vm0, $0xb8;
	[tilespmem:$0x10100] =	vst v63  }
0xa1: {  	_ = 	snop  }
0xa2: {  	[tilespmem:s7], [sflag:$0x2] =	stream.indirect_vreg.gather [hbm4b:s3+s2], $0x80, v3, vm0, $0xb8;
	[tilespmem:$0x10100] =	vst v63  }
0xa3: {  	v3 =	vld [tilespmem:$0xC0];
	_ =	sdelay $0x4  }
0xa4: {  	v60 =	vshll.u32 v3, $0x1  }
0xa5: {  	v3 =	vand.u32 $0x7, v3;
	v4 =	vand.u32 $0xFFFFFFF0, v60  }
0xa6: {  	v3 =	vor.u32 v3, v4  }
0xa7: {  	v4 =	vperm.xlane v3, v0;
	_ =	sdelay $0x1  }
0xa8: {  	v3 =	vperm.xlane v3, v2;
	v4 =	vadd.s32 v1, v4;
	_ =	sdelay $0x1  }
0xa9: {  	v3 =	vadd.s32 v1, v3;
	_ =	sdelay $0x2  }
0xaa: {  	[tilespmem:s4], [sflag:$0x2] =	stream.indirect_vreg.gather [hbm4b:s3+s2], $0x80, v4, vm0, $0xb8;
	[tilespmem:$0x10100] =	vst v63  }
0xab: {  	_ = 	snop  }
0xac: {  	[tilespmem:s12], [sflag:$0x2] =	stream.indirect_vreg.gather [hbm4b:s3+s2], $0x80, v3, vm0, $0xb8;
	[tilespmem:$0x10100] =	vst v63  }
0xad: {  	v3 =	vld [tilespmem:$0xD0];
	_ =	sdelay $0x4  }
0xae: {  	v61 =	vshll.u32 v3, $0x1  }
0xaf: {  	v3 =	vand.u32 $0x7, v3;
	v4 =	vand.u32 $0xFFFFFFF0, v61  }
0xb0: {  	v3 =	vor.u32 v3, v4  }
0xb1: {  	v4 =	vperm.xlane v3, v0;
	_ =	sdelay $0x1  }
0xb2: {  	v3 =	vperm.xlane v3, v2;
	v4 =	vadd.s32 v1, v4;
	_ =	sdelay $0x1  }
0xb3: {  	v3 =	vadd.s32 v1, v3;
	_ =	sdelay $0x2  }
0xb4: {  	[tilespmem:s13], [sflag:$0x2] =	stream.indirect_vreg.gather [hbm4b:s3+s2], $0x80, v4, vm0, $0xb8;
	[tilespmem:$0x10100] =	vst v63  }
0xb5: {  	_ = 	snop  }
0xb6: {  	[tilespmem:s14], [sflag:$0x2] =	stream.indirect_vreg.gather [hbm4b:s3+s2], $0x80, v3, vm0, $0xb8;
	[tilespmem:$0x10100] =	vst v63  }
0xb7: {  	v3 =	vld [tilespmem:$0xE0];
	_ =	sdelay $0x4  }
0xb8: {  	v62 =	vshll.u32 v3, $0x1  }
0xb9: {  	v3 =	vand.u32 $0x7, v3;
	v4 =	vand.u32 $0xFFFFFFF0, v62  }
0xba: {  	v3 =	vor.u32 v3, v4  }
0xbb: {  	v4 =	vperm.xlane v3, v0;
	_ =	sdelay $0x1  }
0xbc: {  	v3 =	vperm.xlane v3, v2;
	v4 =	vadd.s32 v1, v4;
	_ =	sdelay $0x1  }
0xbd: {  	v3 =	vadd.s32 v1, v3;
	_ =	sdelay $0x2  }
0xbe: {  	[tilespmem:s15], [sflag:$0x2] =	stream.indirect_vreg.gather [hbm4b:s3+s2], $0x80, v4, vm0, $0xb8;
	[tilespmem:$0x10100] =	vst v63  }
0xbf: {  	_ = 	snop  }
0xc0: {  	[tilespmem:s16], [sflag:$0x2] =	stream.indirect_vreg.gather [hbm4b:s3+s2], $0x80, v3, vm0, $0xb8;
	[tilespmem:$0x10100] =	vst v63  }
0xc1: {  	v3 =	vld [tilespmem:$0xF0];
	_ =	sdelay $0x4  }
0xc2: {  	v63 =	vshll.u32 v3, $0x1  }
0xc3: {  	v3 =	vand.u32 $0x7, v3;
	v4 =	vand.u32 $0xFFFFFFF0, v63  }
0xc4: {  	v3 =	vor.u32 v3, v4  }
0xc5: {  	v4 =	vperm.xlane v3, v0;
	_ =	sdelay $0x1  }
0xc6: {  	v3 =	vperm.xlane v3, v2;
	v4 =	vadd.s32 v1, v4;
	_ =	sdelay $0x1  }
0xc7: {  	v3 =	vadd.s32 v1, v3;
	_ =	sdelay $0x2  }
0xc8: {  	[tilespmem:s17], [sflag:$0x2] =	stream.indirect_vreg.gather [hbm4b:s3+s2], $0x80, v4, vm0, $0xb8;
	[tilespmem:$0x10100] =	vst v63  }
0xc9: {  	s21 =	simm.s32 $0x0;
	s22 =	rddreg [dreg:$0x5]  }
0xca: {  	[tilespmem:s18], [sflag:$0x2] =	stream.indirect_vreg.gather [hbm4b:s3+s2], $0x80, v3, vm0, $0xb8;
	[tilespmem:$0x10100] =	vst v63  }
.LBB2_2:
0xcb: {  	_ =	swait.ge [sflag:s19], $0x8000  }
0xcc: {  	p0 =	seq.s32 s21, $0x1E0;
	[sflag:s19] =	ssyncset.done $0x0  }
.Ltmp2:
0xcd: {  	[sflag:s19] =	ssyncadd.s32 $0xFFFF8000;
	(pc) =	sbr.rel @p0 .LBB2_4-.Ltmp2, $4  }
0xce: {  	[hbm4b:s22+s2] =	stream.linear.scatter [tilespmem:s11], [sflag:$0x3], $0x8000, $0x38;
	[tilespmem:$0x10100] =	vst v63  }
0xcf: {  	_ =	swait.ge [sflag:s10], $0x8000  }
0xd0: {  	[sflag:s10] =	ssyncset.done $0x0  }
0xd1: {  	[sflag:s10] =	ssyncadd.s32 $0xFFFF8000  }
0xd2: {  	s23 =	sadd.s32 s21, s9  }
0xd3: {  	[tilespmem:s2], [sflag:$0x3] =	stream.linear.gather [hbm4b:s23+s2], $0x80, $0x38;
	[tilespmem:$0x10100] =	vst v63  }
0xd4: {  	_ =	swait.ge [sflag:s10], $0x80  }
0xd5: {  	[sflag:s10] =	ssyncset.done $0x0  }
0xd6: {  	[sflag:s10] =	ssyncadd.s32 $0xFFFFFF80  }
0xd7: {  	v3 =	vld [tilespmem:$0x0];
	_ =	sdelay $0x4  }
0xd8: {  	v4 =	vshll.u32 v3, $0x1  }
0xd9: {  	v3 =	vand.u32 $0x7, v3;
	v4 =	vand.u32 $0xFFFFFFF0, v4  }
0xda: {  	v3 =	vor.u32 v3, v4  }
0xdb: {  	v4 =	vperm.xlane v3, v0;
	_ =	sdelay $0x1  }
0xdc: {  	v3 =	vperm.xlane v3, v2;
	v4 =	vadd.s32 v1, v4;
	_ =	sdelay $0x1  }
0xdd: {  	v3 =	vadd.s32 v1, v3;
	_ =	sdelay $0x2  }
0xde: {  	[tilespmem:s11], [sflag:$0x1] =	stream.indirect_vreg.gather [hbm4b:s3+s2], $0x80, v4, vm0, $0xb8;
	[tilespmem:$0x10100] =	vst v63  }
0xdf: {  	s23 =	simm.s32 $0x900  }
0xe0: {  	[tilespmem:s23], [sflag:$0x1] =	stream.indirect_vreg.gather [hbm4b:s3+s2], $0x80, v3, vm0, $0xb8;
	[tilespmem:$0x10100] =	vst v63  }
0xe1: {  	v3 =	vld [tilespmem:$0x10];
	_ =	sdelay $0x4  }
0xe2: {  	v57 =	vshll.u32 v3, $0x1  }
0xe3: {  	v3 =	vand.u32 $0x7, v3;
	v4 =	vand.u32 $0xFFFFFFF0, v57  }
0xe4: {  	v3 =	vor.u32 v3, v4  }
0xe5: {  	v4 =	vperm.xlane v3, v0;
	_ =	sdelay $0x1  }
0xe6: {  	v3 =	vperm.xlane v3, v2;
	v4 =	vadd.s32 v1, v4;
	_ =	sdelay $0x1  }
0xe7: {  	v3 =	vadd.s32 v1, v3;
	_ =	sdelay $0x1  }
0xe8: {  	s23 =	simm.s32 $0x1100  }
0xe9: {  	[tilespmem:s23], [sflag:$0x1] =	stream.indirect_vreg.gather [hbm4b:s3+s2], $0x80, v4, vm0, $0xb8;
	[tilespmem:$0x10100] =	vst v63  }
0xea: {  	s23 =	simm.s32 $0x1900  }
0xeb: {  	[tilespmem:s23], [sflag:$0x1] =	stream.indirect_vreg.gather [hbm4b:s3+s2], $0x80, v3, vm0, $0xb8;
	[tilespmem:$0x10100] =	vst v63  }
0xec: {  	v3 =	vld [tilespmem:$0x20];
	_ =	sdelay $0x4  }
0xed: {  	v58 =	vshll.u32 v3, $0x1  }
0xee: {  	v3 =	vand.u32 $0x7, v3;
	v4 =	vand.u32 $0xFFFFFFF0, v58  }
0xef: {  	v3 =	vor.u32 v3, v4  }
0xf0: {  	v4 =	vperm.xlane v3, v0;
	_ =	sdelay $0x1  }
0xf1: {  	v3 =	vperm.xlane v3, v2;
	v4 =	vadd.s32 v1, v4;
	_ =	sdelay $0x1  }
0xf2: {  	v3 =	vadd.s32 v1, v3;
	_ =	sdelay $0x1  }
0xf3: {  	s23 =	simm.s32 $0x2100  }
0xf4: {  	[tilespmem:s23], [sflag:$0x1] =	stream.indirect_vreg.gather [hbm4b:s3+s2], $0x80, v4, vm0, $0xb8;
	[tilespmem:$0x10100] =	vst v63  }
0xf5: {  	s23 =	simm.s32 $0x2900  }
0xf6: {  	[tilespmem:s23], [sflag:$0x1] =	stream.indirect_vreg.gather [hbm4b:s3+s2], $0x80, v3, vm0, $0xb8;
	[tilespmem:$0x10100] =	vst v63  }
0xf7: {  	v3 =	vld [tilespmem:$0x30];
	_ =	sdelay $0x4  }
0xf8: {  	v59 =	vshll.u32 v3, $0x1  }
0xf9: {  	v3 =	vand.u32 $0x7, v3;
	v4 =	vand.u32 $0xFFFFFFF0, v59  }
0xfa: {  	v3 =	vor.u32 v3, v4  }
0xfb: {  	v4 =	vperm.xlane v3, v0;
	_ =	sdelay $0x1  }
0xfc: {  	v3 =	vperm.xlane v3, v2;
	v4 =	vadd.s32 v1, v4;
	_ =	sdelay $0x1  }
0xfd: {  	v3 =	vadd.s32 v1, v3;
	_ =	sdelay $0x1  }
0xfe: {  	s23 =	simm.s32 $0x3100  }
0xff: {  	[tilespmem:s23], [sflag:$0x1] =	stream.indirect_vreg.gather [hbm4b:s3+s2], $0x80, v4, vm0, $0xb8;
	[tilespmem:$0x10100] =	vst v63  }
0x100: {  	s23 =	simm.s32 $0x3900  }
0x101: {  	[tilespmem:s23], [sflag:$0x1] =	stream.indirect_vreg.gather [hbm4b:s3+s2], $0x80, v3, vm0, $0xb8;
	[tilespmem:$0x10100] =	vst v63  }
0x102: {  	v3 =	vld [tilespmem:$0x40];
	_ =	sdelay $0x4  }
0x103: {  	v60 =	vshll.u32 v3, $0x1  }
0x104: {  	v3 =	vand.u32 $0x7, v3;
	v4 =	vand.u32 $0xFFFFFFF0, v60  }
0x105: {  	v3 =	vor.u32 v3, v4  }
0x106: {  	v4 =	vperm.xlane v3, v0;
	_ =	sdelay $0x1  }
0x107: {  	v3 =	vperm.xlane v3, v2;
	v4 =	vadd.s32 v1, v4;
	_ =	sdelay $0x1  }
0x108: {  	v3 =	vadd.s32 v1, v3;
	_ =	sdelay $0x1  }
0x109: {  	s23 =	simm.s32 $0x4100  }
0x10a: {  	[tilespmem:s23], [sflag:$0x1] =	stream.indirect_vreg.gather [hbm4b:s3+s2], $0x80, v4, vm0, $0xb8;
	[tilespmem:$0x10100] =	vst v63  }
0x10b: {  	s23 =	simm.s32 $0x4900  }
0x10c: {  	[tilespmem:s23], [sflag:$0x1] =	stream.indirect_vreg.gather [hbm4b:s3+s2], $0x80, v3, vm0, $0xb8;
	[tilespmem:$0x10100] =	vst v63  }
0x10d: {  	v3 =	vld [tilespmem:$0x50];
	_ =	sdelay $0x4  }
0x10e: {  	v61 =	vshll.u32 v3, $0x1  }
0x10f: {  	v3 =	vand.u32 $0x7, v3;
	v4 =	vand.u32 $0xFFFFFFF0, v61  }
0x110: {  	v3 =	vor.u32 v3, v4  }
0x111: {  	v4 =	vperm.xlane v3, v0;
	_ =	sdelay $0x1  }
0x112: {  	v3 =	vperm.xlane v3, v2;
	v4 =	vadd.s32 v1, v4;
	_ =	sdelay $0x1  }
0x113: {  	v3 =	vadd.s32 v1, v3;
	_ =	sdelay $0x1  }
0x114: {  	s23 =	simm.s32 $0x5100  }
0x115: {  	[tilespmem:s23], [sflag:$0x1] =	stream.indirect_vreg.gather [hbm4b:s3+s2], $0x80, v4, vm0, $0xb8;
	[tilespmem:$0x10100] =	vst v63  }
0x116: {  	s23 =	simm.s32 $0x5900  }
0x117: {  	[tilespmem:s23], [sflag:$0x1] =	stream.indirect_vreg.gather [hbm4b:s3+s2], $0x80, v3, vm0, $0xb8;
	[tilespmem:$0x10100] =	vst v63  }
0x118: {  	v3 =	vld [tilespmem:$0x60];
	_ =	sdelay $0x4  }
0x119: {  	v62 =	vshll.u32 v3, $0x1  }
0x11a: {  	v3 =	vand.u32 $0x7, v3;
	v4 =	vand.u32 $0xFFFFFFF0, v62  }
0x11b: {  	v3 =	vor.u32 v3, v4  }
0x11c: {  	v4 =	vperm.xlane v3, v0;
	_ =	sdelay $0x1  }
0x11d: {  	v3 =	vperm.xlane v3, v2;
	v4 =	vadd.s32 v1, v4;
	_ =	sdelay $0x1  }
0x11e: {  	v3 =	vadd.s32 v1, v3;
	_ =	sdelay $0x1  }
0x11f: {  	s23 =	simm.s32 $0x6100  }
0x120: {  	[tilespmem:s23], [sflag:$0x1] =	stream.indirect_vreg.gather [hbm4b:s3+s2], $0x80, v4, vm0, $0xb8;
	[tilespmem:$0x10100] =	vst v63  }
0x121: {  	_ = 	snop  }
0x122: {  	[tilespmem:s24], [sflag:$0x1] =	stream.indirect_vreg.gather [hbm4b:s3+s2], $0x80, v3, vm0, $0xb8;
	[tilespmem:$0x10100] =	vst v63  }
0x123: {  	v3 =	vld [tilespmem:$0x70];
	_ =	sdelay $0x4  }
0x124: {  	v63 =	vshll.u32 v3, $0x1  }
0x125: {  	v3 =	vand.u32 $0x7, v3;
	v4 =	vand.u32 $0xFFFFFFF0, v63  }
0x126: {  	v3 =	vor.u32 v3, v4  }
0x127: {  	v4 =	vperm.xlane v3, v0;
	_ =	sdelay $0x1  }
0x128: {  	v3 =	vperm.xlane v3, v2;
	v4 =	vadd.s32 v1, v4;
	_ =	sdelay $0x1  }
0x129: {  	v3 =	vadd.s32 v1, v3;
	_ =	sdelay $0x2  }
0x12a: {  	[tilespmem:s25], [sflag:$0x1] =	stream.indirect_vreg.gather [hbm4b:s3+s2], $0x80, v4, vm0, $0xb8;
	[tilespmem:$0x10100] =	vst v63  }
0x12b: {  	_ = 	snop  }
0x12c: {  	[tilespmem:s26], [sflag:$0x1] =	stream.indirect_vreg.gather [hbm4b:s3+s2], $0x80, v3, vm0, $0xb8;
	[tilespmem:$0x10100] =	vst v63  }
.LBB2_4:
0x12d: {  	_ =	swait.ge [sflag:s20], $0x8000  }
0x12e: {  	[sflag:s20] =	ssyncset.done $0x0  }
.Ltmp3:
0x12f: {  	s23 =	sadd.s32 $0x1000, s22;
	[sflag:s20] =	ssyncadd.s32 $0xFFFF8000;
	(pc) =	sbr.rel @p0 .LBB2_6-.Ltmp3, $4  }
0x130: {  	[hbm4b:s23+s2] =	stream.linear.scatter [tilespmem:s29], [sflag:$0x3], $0x8000, $0x38;
	[tilespmem:$0x10100] =	vst v63  }
0x131: {  	_ =	swait.ge [sflag:s10], $0x8000  }
0x132: {  	[sflag:s10] =	ssyncset.done $0x0  }
0x133: {  	[sflag:s10] =	ssyncadd.s32 $0xFFFF8000  }
0x134: {  	s23 =	sadd.s32 s21, s8  }
0x135: {  	[tilespmem:s28], [sflag:$0x3] =	stream.linear.gather [hbm4b:s23+s2], $0x80, $0x38;
	[tilespmem:$0x10100] =	vst v63  }
0x136: {  	_ =	swait.ge [sflag:s10], $0x80  }
0x137: {  	[sflag:s10] =	ssyncset.done $0x0  }
0x138: {  	[sflag:s10] =	ssyncadd.s32 $0xFFFFFF80  }
0x139: {  	v3 =	vld [tilespmem:$0x80];
	_ =	sdelay $0x4  }
0x13a: {  	v4 =	vshll.u32 v3, $0x1  }
0x13b: {  	v3 =	vand.u32 $0x7, v3;
	v4 =	vand.u32 $0xFFFFFFF0, v4  }
0x13c: {  	v3 =	vor.u32 v3, v4  }
0x13d: {  	v4 =	vperm.xlane v3, v0;
	_ =	sdelay $0x1  }
0x13e: {  	v3 =	vperm.xlane v3, v2;
	v4 =	vadd.s32 v1, v4;
	_ =	sdelay $0x1  }
0x13f: {  	v3 =	vadd.s32 v1, v3;
	_ =	sdelay $0x2  }
0x140: {  	[tilespmem:s29], [sflag:$0x2] =	stream.indirect_vreg.gather [hbm4b:s3+s2], $0x80, v4, vm0, $0xb8;
	[tilespmem:$0x10100] =	vst v63  }
0x141: {  	_ = 	snop  }
0x142: {  	[tilespmem:s30], [sflag:$0x2] =	stream.indirect_vreg.gather [hbm4b:s3+s2], $0x80, v3, vm0, $0xb8;
	[tilespmem:$0x10100] =	vst v63  }
0x143: {  	v3 =	vld [tilespmem:$0x90];
	_ =	sdelay $0x4  }
0x144: {  	v57 =	vshll.u32 v3, $0x1  }
0x145: {  	v3 =	vand.u32 $0x7, v3;
	v4 =	vand.u32 $0xFFFFFFF0, v57  }
0x146: {  	v3 =	vor.u32 v3, v4  }
0x147: {  	v4 =	vperm.xlane v3, v0;
	_ =	sdelay $0x1  }
0x148: {  	v3 =	vperm.xlane v3, v2;
	v4 =	vadd.s32 v1, v4;
	_ =	sdelay $0x1  }
0x149: {  	v3 =	vadd.s32 v1, v3;
	_ =	sdelay $0x2  }
0x14a: {  	[tilespmem:s31], [sflag:$0x2] =	stream.indirect_vreg.gather [hbm4b:s3+s2], $0x80, v4, vm0, $0xb8;
	[tilespmem:$0x10100] =	vst v63  }
0x14b: {  	_ = 	snop  }
0x14c: {  	[tilespmem:s0], [sflag:$0x2] =	stream.indirect_vreg.gather [hbm4b:s3+s2], $0x80, v3, vm0, $0xb8;
	[tilespmem:$0x10100] =	vst v63  }
0x14d: {  	v3 =	vld [tilespmem:$0xA0];
	_ =	sdelay $0x4  }
0x14e: {  	v58 =	vshll.u32 v3, $0x1  }
0x14f: {  	v3 =	vand.u32 $0x7, v3;
	v4 =	vand.u32 $0xFFFFFFF0, v58  }
0x150: {  	v3 =	vor.u32 v3, v4  }
0x151: {  	v4 =	vperm.xlane v3, v0;
	_ =	sdelay $0x1  }
0x152: {  	v3 =	vperm.xlane v3, v2;
	v4 =	vadd.s32 v1, v4;
	_ =	sdelay $0x1  }
0x153: {  	v3 =	vadd.s32 v1, v3;
	_ =	sdelay $0x2  }
0x154: {  	[tilespmem:s1], [sflag:$0x2] =	stream.indirect_vreg.gather [hbm4b:s3+s2], $0x80, v4, vm0, $0xb8;
	[tilespmem:$0x10100] =	vst v63  }
0x155: {  	_ = 	snop  }
0x156: {  	[tilespmem:s5], [sflag:$0x2] =	stream.indirect_vreg.gather [hbm4b:s3+s2], $0x80, v3, vm0, $0xb8;
	[tilespmem:$0x10100] =	vst v63  }
0x157: {  	v3 =	vld [tilespmem:$0xB0];
	_ =	sdelay $0x4  }
0x158: {  	v59 =	vshll.u32 v3, $0x1  }
0x159: {  	v3 =	vand.u32 $0x7, v3;
	v4 =	vand.u32 $0xFFFFFFF0, v59  }
0x15a: {  	v3 =	vor.u32 v3, v4  }
0x15b: {  	v4 =	vperm.xlane v3, v0;
	_ =	sdelay $0x1  }
0x15c: {  	v3 =	vperm.xlane v3, v2;
	v4 =	vadd.s32 v1, v4;
	_ =	sdelay $0x1  }
0x15d: {  	v3 =	vadd.s32 v1, v3;
	_ =	sdelay $0x2  }
0x15e: {  	[tilespmem:s6], [sflag:$0x2] =	stream.indirect_vreg.gather [hbm4b:s3+s2], $0x80, v4, vm0, $0xb8;
	[tilespmem:$0x10100] =	vst v63  }
0x15f: {  	_ = 	snop  }
0x160: {  	[tilespmem:s7], [sflag:$0x2] =	stream.indirect_vreg.gather [hbm4b:s3+s2], $0x80, v3, vm0, $0xb8;
	[tilespmem:$0x10100] =	vst v63  }
0x161: {  	v3 =	vld [tilespmem:$0xC0];
	_ =	sdelay $0x4  }
0x162: {  	v60 =	vshll.u32 v3, $0x1  }
0x163: {  	v3 =	vand.u32 $0x7, v3;
	v4 =	vand.u32 $0xFFFFFFF0, v60  }
0x164: {  	v3 =	vor.u32 v3, v4  }
0x165: {  	v4 =	vperm.xlane v3, v0;
	_ =	sdelay $0x1  }
0x166: {  	v3 =	vperm.xlane v3, v2;
	v4 =	vadd.s32 v1, v4;
	_ =	sdelay $0x1  }
0x167: {  	v3 =	vadd.s32 v1, v3;
	_ =	sdelay $0x2  }
0x168: {  	[tilespmem:s4], [sflag:$0x2] =	stream.indirect_vreg.gather [hbm4b:s3+s2], $0x80, v4, vm0, $0xb8;
	[tilespmem:$0x10100] =	vst v63  }
0x169: {  	_ = 	snop  }
0x16a: {  	[tilespmem:s12], [sflag:$0x2] =	stream.indirect_vreg.gather [hbm4b:s3+s2], $0x80, v3, vm0, $0xb8;
	[tilespmem:$0x10100] =	vst v63  }
0x16b: {  	v3 =	vld [tilespmem:$0xD0];
	_ =	sdelay $0x4  }
0x16c: {  	v61 =	vshll.u32 v3, $0x1  }
0x16d: {  	v3 =	vand.u32 $0x7, v3;
	v4 =	vand.u32 $0xFFFFFFF0, v61  }
0x16e: {  	v3 =	vor.u32 v3, v4  }
0x16f: {  	v4 =	vperm.xlane v3, v0;
	_ =	sdelay $0x1  }
0x170: {  	v3 =	vperm.xlane v3, v2;
	v4 =	vadd.s32 v1, v4;
	_ =	sdelay $0x1  }
0x171: {  	v3 =	vadd.s32 v1, v3;
	_ =	sdelay $0x2  }
0x172: {  	[tilespmem:s13], [sflag:$0x2] =	stream.indirect_vreg.gather [hbm4b:s3+s2], $0x80, v4, vm0, $0xb8;
	[tilespmem:$0x10100] =	vst v63  }
0x173: {  	_ = 	snop  }
0x174: {  	[tilespmem:s14], [sflag:$0x2] =	stream.indirect_vreg.gather [hbm4b:s3+s2], $0x80, v3, vm0, $0xb8;
	[tilespmem:$0x10100] =	vst v63  }
0x175: {  	v3 =	vld [tilespmem:$0xE0];
	_ =	sdelay $0x4  }
0x176: {  	v62 =	vshll.u32 v3, $0x1  }
0x177: {  	v3 =	vand.u32 $0x7, v3;
	v4 =	vand.u32 $0xFFFFFFF0, v62  }
0x178: {  	v3 =	vor.u32 v3, v4  }
0x179: {  	v4 =	vperm.xlane v3, v0;
	_ =	sdelay $0x1  }
0x17a: {  	v3 =	vperm.xlane v3, v2;
	v4 =	vadd.s32 v1, v4;
	_ =	sdelay $0x1  }
0x17b: {  	v3 =	vadd.s32 v1, v3;
	_ =	sdelay $0x2  }
0x17c: {  	[tilespmem:s15], [sflag:$0x2] =	stream.indirect_vreg.gather [hbm4b:s3+s2], $0x80, v4, vm0, $0xb8;
	[tilespmem:$0x10100] =	vst v63  }
0x17d: {  	_ = 	snop  }
0x17e: {  	[tilespmem:s16], [sflag:$0x2] =	stream.indirect_vreg.gather [hbm4b:s3+s2], $0x80, v3, vm0, $0xb8;
	[tilespmem:$0x10100] =	vst v63  }
0x17f: {  	v3 =	vld [tilespmem:$0xF0];
	_ =	sdelay $0x4  }
0x180: {  	v63 =	vshll.u32 v3, $0x1  }
0x181: {  	v3 =	vand.u32 $0x7, v3;
	v4 =	vand.u32 $0xFFFFFFF0, v63  }
0x182: {  	v3 =	vor.u32 v3, v4  }
0x183: {  	v4 =	vperm.xlane v3, v0;
	_ =	sdelay $0x1  }
0x184: {  	v3 =	vperm.xlane v3, v2;
	v4 =	vadd.s32 v1, v4;
	_ =	sdelay $0x1  }
0x185: {  	v3 =	vadd.s32 v1, v3  }
.Ltmp4:
0x186: {  	_ = 	snop;
	(pc) =	sbr.rel .LBB2_2-.Ltmp4, $4  }
0x187: {  	_ = 	snop  }
0x188: {  	[tilespmem:s17], [sflag:$0x2] =	stream.indirect_vreg.gather [hbm4b:s3+s2], $0x80, v4, vm0, $0xb8;
	[tilespmem:$0x10100] =	vst v63  }
0x189: {  	s22 =	sadd.s32 $0x2000, s22;
	s21 =	sadd.s32 $0x20, s21  }
0x18a: {  	[tilespmem:s18], [sflag:$0x2] =	stream.indirect_vreg.gather [hbm4b:s3+s2], $0x80, v3, vm0, $0xb8;
	[tilespmem:$0x10100] =	vst v63  }
.LBB2_7:
0x18b: {  	_ =	sfence.sel $0x180000  }
0x18c: {  	[bflag:$0x0] =	sbarrier.arrive $0xFFFF  }
0x18d: {  	_ =	strace $0x9000004A  }
0x18e: {  	s0 =	stileid.u32;
	[bflag:$0x2] =	sbarrier.arrive $0xFFFF  }
0x18f: {  	p0 =	sne.s32 s0, $0x0;
	s0 =	rddreg [dreg:$0x1]  }
0x190: {  	s0 =	sadd.s32 @!p0 $0x100000, s0  }
0x191: {  	[sflag:s0] =	ssyncadd.tile.s32 @!p0 $0x1;
	_ =	shalt  }
.Lfunc_end2:
_tile_overlayer_lowered:
.L_overlay_start_2:
0x192: {  	(tag) =	ssettag $0x2  }
0x193: {  	s0 =	rddreg [dreg:$0x0];
	s2 =	stileid.u32  }
0x194: {  	s1 =	rddreg [dreg:$0x1];
	p0 =	sne.s32 s2, $0x0  }
0x195: {  	s3 =	rddreg [dreg:$0x2];
	[bflag:$0x3] =	sbarrier.arrive $0xFFFF;
	s2 =	simm.s32 @!p0 $0x1C03  }
0x196: {  	[timem:s3], [sflag:s2] =	dma.local @!p0 [hbm:s0], s1  }
0x197: {  	s0 =	simm.s32 @!p0 $0x3  }
0x198: {  	_ =	swait.ge @!p0 [sflag:s0], s1  }
0x199: {  	s1 =	ssub.s32 @!p0 $0x0, s1;
	[sflag:s0] =	ssyncset.done @!p0 $0x0  }
0x19a: {  	[sflag:s0] =	ssyncadd.s32 @!p0 s1  }
0x19b: {  	[bflag:$0x3] =	sbarrier.arrive $0xFFFF  }
0x19c: {  	_ =	shalt  }

</sc_bundles>
